<compile_context>
chip_gen: v7x
topology: tpu7x:2x2x1
jax: 0.10.2.dev20260603
libtpu: 0.0.44.dev20260713+nightly
codegen_flags: <defaults>
</compile_context>

<pallas_src>
import functools

import jax
import jax.numpy as jnp
from jax import lax
from jax.experimental import pallas as pl
from jax.experimental.pallas import tpu as pltpu
from jax.experimental.pallas import tpu_sc as plsc

DIM = 64
BBLK = 16


def _emb_body(idx_hbm, table_hbm, out_hbm,
              idx_v, rows_v, sem_i0, sem_i1, sem_o0, sem_o1, sem_g):
    sem_i = (sem_i0, sem_i1)
    sem_o = (sem_o0, sem_o1)
    wid = lax.axis_index("s") * 2 + lax.axis_index("c")
    B, L = idx_hbm.shape
    b_per_w = B // 32
    n_chunks = b_per_w // BBLK
    base_b = wid * b_per_w

    def idx_copy(g, b):
        return pltpu.async_copy(
            idx_hbm.at[pl.ds(base_b + g * BBLK, BBLK)],
            idx_v.at[b], sem_i[b])

    def out_copy(g, b):
        return pltpu.async_copy(
            rows_v.at[b],
            out_hbm.at[pl.ds(base_b + g * BBLK, BBLK)],
            sem_o[b])

    def wait_idx(b):
        pltpu.make_async_copy(
            idx_hbm.at[pl.ds(base_b, BBLK)], idx_v.at[b], sem_i[b]).wait()

    def wait_out(b):
        pltpu.make_async_copy(
            rows_v.at[b], out_hbm.at[pl.ds(base_b, BBLK)], sem_o[b]).wait()

    def gather(b):
        cps = [
            pltpu.async_copy(
                table_hbm.at[idx_v.at[b, j]],
                rows_v.at[b, j],
                sem_g)
            for j in range(BBLK)
        ]
        for cp in cps:
            cp.wait()

    idx_copy(0, 0)
    idx_copy(1, 1)
    for b in range(2):
        wait_idx(b)
        gather(b)
        out_copy(b, b)
        idx_copy(b + 2, b)

    def step(t, carry):
        for b in range(2):
            g = 2 * t + b
            wait_out(b)
            wait_idx(b)
            gather(b)
            out_copy(g, b)

            @pl.when(g + 2 < n_chunks)
            def _():
                idx_copy(g + 2, b)
        return carry

    lax.fori_loop(1, n_chunks // 2, step, 0)
    for b in range(2):
        wait_out(b)


def kernel(x, table):
    B, L = x.shape
    idx = x.astype(jnp.int32)

    mesh = plsc.VectorSubcoreMesh(core_axis_name="c", subcore_axis_name="s")
    emb = functools.partial(
        pl.kernel,
        mesh=mesh,
        out_type=jax.ShapeDtypeStruct((B, L, DIM), jnp.float32),
        scratch_types=[
            pltpu.VMEM((2, BBLK, L), jnp.int32),
            pltpu.VMEM((2, BBLK, L, DIM), jnp.float32),
            pltpu.SemaphoreType.DMA,
            pltpu.SemaphoreType.DMA,
            pltpu.SemaphoreType.DMA,
            pltpu.SemaphoreType.DMA,
            pltpu.SemaphoreType.DMA,
        ],
        compiler_params=pltpu.CompilerParams(use_tc_tiling_on_sc=False),
    )(_emb_body)

    return emb(idx, table)

# --- scband reference (transcript-rebuilt; emitter-appended) ---
"""Pipeline reference for scband-embedding-13984413516088 (READ-ONLY COPY).

The authoritative reference and input builder live on the scoring server;
editing this copy changes nothing except your own understanding.
"""

import jax, jax.numpy as jnp
import numpy as np

VOCAB = 1000000
DIM = 64
B = 16384
L = 50

def setup_inputs(seed: int = 0) -> dict:
    key = jax.random.key(seed)
    k1, k2 = jax.random.split(key)
    x = jax.random.randint(k1, (B, L), 0, VOCAB, dtype=jnp.int64 if jax.config.jax_enable_x64 else jnp.int32)
    table = jax.random.normal(k2, (VOCAB, DIM), dtype=jnp.float32)
    return {"x": x, "table": table}

def reference(x, table):
    # torch.nn.Embedding forward: gather rows of the table by index
    out = jnp.take(table, x, axis=0)
    return out

if __name__ == "__main__":
    import jax
    _d = setup_inputs()
    print(jax.jit(kernel)(*tuple(_d.values())))

</pallas_src>

<mosaic_0001>
#map = affine_map<(d0, d1) -> (0, 0)>
#map1 = affine_map<(d0, d1) -> (0, 0, 0)>
module attributes {stable_mosaic.version = 14 : i64} {
  func.func @_emb_body(%arg0: i32, %arg1: i32, %arg2: memref<16384x50xi32, #tpu.memory_space<hbm>>, %arg3: memref<1000000x64xf32, #tpu.memory_space<hbm>>, %arg4: memref<16384x50x64xf32, #tpu.memory_space<hbm>>, %arg5: memref<2x16x50xi32, #tpu.memory_space<vmem>>, %arg6: memref<2x16x50x64xf32, #tpu.memory_space<vmem>>, %arg7: memref<!tpu.dma_semaphore, #tpu.memory_space<semaphore_mem>>, %arg8: memref<!tpu.dma_semaphore, #tpu.memory_space<semaphore_mem>>, %arg9: memref<!tpu.dma_semaphore, #tpu.memory_space<semaphore_mem>>, %arg10: memref<!tpu.dma_semaphore, #tpu.memory_space<semaphore_mem>>, %arg11: memref<!tpu.dma_semaphore, #tpu.memory_space<semaphore_mem>>) attributes {dimension_semantics = [#tpu.dimension_semantics<core_parallel>, #tpu.dimension_semantics<subcore_parallel>], iteration_bounds = array<i64: 2, 16>, scalar_prefetch = 0 : i64, scratch_operands = 7 : i64, tpu.core_type = #tpu.core_type<sc_vector_subcore>, window_params = [{transform_indices = #map}, {transform_indices = #map}, {transform_indices = #map1}]} {
    %mul3A = arith.constant 2 : i32
    %mul3A_0 = arith.muli %arg1, %mul3A : i32
    %add3A = arith.addi %mul3A_0, %arg0 : i32
    %mul3A_1 = arith.constant 512 : i32
    %mul3A_2 = arith.muli %add3A, %mul3A_1 : i32
    %add3A_3 = arith.constant 0 : i32
    %add3A_4 = arith.addi %mul3A_2, %add3A_3 : i32
    %dma_start3A = arith.constant 0 : i32
    %dma_start3A_5 = arith.constant 0 : i32
    %dma_start3A_6 = arith.constant 0 : i32
    %dma_start3A_7 = tpu.memref_slice %arg5[%dma_start3A, %dma_start3A_5, %dma_start3A_6] : memref<2x16x50xi32, #tpu.memory_space<vmem>> -> memref<1x16x50xi32, #tpu.memory_space<vmem>>
    %dma_start3A_8 = tpu.memref_squeeze %dma_start3A_7 : memref<1x16x50xi32, #tpu.memory_space<vmem>> -> memref<16x50xi32, #tpu.memory_space<vmem>>
    %dma_start3A_9 = arith.constant 0 : i32
    %dma_start3A_10 = tpu.memref_slice %arg2[%add3A_4, %dma_start3A_9] : memref<16384x50xi32, #tpu.memory_space<hbm>> -> memref<16x50xi32, #tpu.memory_space<hbm>>
    %dma_start3A_11 = arith.constant 0 : i32
    %dma_start3A_12 = arith.constant 0 : i32
    %dma_start3A_13 = tpu.memref_slice %arg5[%dma_start3A, %dma_start3A_11, %dma_start3A_12] : memref<2x16x50xi32, #tpu.memory_space<vmem>> -> memref<1x16x50xi32, #tpu.memory_space<vmem>>
    %dma_start3A_14 = tpu.memref_squeeze %dma_start3A_13 : memref<1x16x50xi32, #tpu.memory_space<vmem>> -> memref<16x50xi32, #tpu.memory_space<vmem>>
    %dma_start3A_15 = arith.constant 0 : i32
    %dma_start3A_16 = tpu.memref_slice %arg2[%add3A_4, %dma_start3A_15] : memref<16384x50xi32, #tpu.memory_space<hbm>> -> memref<16x50xi32, #tpu.memory_space<hbm>>
    tpu.enqueue_dma source(%dma_start3A_16 : memref<16x50xi32, #tpu.memory_space<hbm>>) target(%dma_start3A_14 : memref<16x50xi32, #tpu.memory_space<vmem>>) target_semaphore(%arg7 : memref<!tpu.dma_semaphore, #tpu.memory_space<semaphore_mem>>)
    %add3A_17 = arith.constant 16 : i32
    %add3A_18 = arith.addi %mul3A_2, %add3A_17 : i32
    %dma_start3A_19 = arith.constant 1 : i32
    %dma_start3A_20 = arith.constant 0 : i32
    %dma_start3A_21 = arith.constant 0 : i32
    %dma_start3A_22 = tpu.memref_slice %arg5[%dma_start3A_19, %dma_start3A_20, %dma_start3A_21] : memref<2x16x50xi32, #tpu.memory_space<vmem>> -> memref<1x16x50xi32, #tpu.memory_space<vmem>>
    %dma_start3A_23 = tpu.memref_squeeze %dma_start3A_22 : memref<1x16x50xi32, #tpu.memory_space<vmem>> -> memref<16x50xi32, #tpu.memory_space<vmem>>
    %dma_start3A_24 = arith.constant 0 : i32
    %dma_start3A_25 = tpu.memref_slice %arg2[%add3A_18, %dma_start3A_24] : memref<16384x50xi32, #tpu.memory_space<hbm>> -> memref<16x50xi32, #tpu.memory_space<hbm>>
    %dma_start3A_26 = arith.constant 0 : i32
    %dma_start3A_27 = arith.constant 0 : i32
    %dma_start3A_28 = tpu.memref_slice %arg5[%dma_start3A_19, %dma_start3A_26, %dma_start3A_27] : memref<2x16x50xi32, #tpu.memory_space<vmem>> -> memref<1x16x50xi32, #tpu.memory_space<vmem>>
    %dma_start3A_29 = tpu.memref_squeeze %dma_start3A_28 : memref<1x16x50xi32, #tpu.memory_space<vmem>> -> memref<16x50xi32, #tpu.memory_space<vmem>>
    %dma_start3A_30 = arith.constant 0 : i32
    %dma_start3A_31 = tpu.memref_slice %arg2[%add3A_18, %dma_start3A_30] : memref<16384x50xi32, #tpu.memory_space<hbm>> -> memref<16x50xi32, #tpu.memory_space<hbm>>
    tpu.enqueue_dma source(%dma_start3A_31 : memref<16x50xi32, #tpu.memory_space<hbm>>) target(%dma_start3A_29 : memref<16x50xi32, #tpu.memory_space<vmem>>) target_semaphore(%arg8 : memref<!tpu.dma_semaphore, #tpu.memory_space<semaphore_mem>>)
    %dma_wait3A = arith.constant 0 : i32
    %dma_wait3A_32 = arith.constant 0 : i32
    %dma_wait3A_33 = arith.constant 0 : i32
    %dma_wait3A_34 = tpu.memref_slice %arg5[%dma_wait3A, %dma_wait3A_32, %dma_wait3A_33] : memref<2x16x50xi32, #tpu.memory_space<vmem>> -> memref<1x16x50xi32, #tpu.memory_space<vmem>>
    %dma_wait3A_35 = tpu.memref_squeeze %dma_wait3A_34 : memref<1x16x50xi32, #tpu.memory_space<vmem>> -> memref<16x50xi32, #tpu.memory_space<vmem>>
    %dma_wait3A_36 = arith.constant 0 : i32
    %dma_wait3A_37 = tpu.memref_slice %arg2[%mul3A_2, %dma_wait3A_36] : memref<16384x50xi32, #tpu.memory_space<hbm>> -> memref<16x50xi32, #tpu.memory_space<hbm>>
    %dma_wait3A_38 = arith.constant 0 : i32
    %dma_wait3A_39 = arith.constant 0 : i32
    %dma_wait3A_40 = tpu.memref_slice %arg5[%dma_wait3A, %dma_wait3A_38, %dma_wait3A_39] : memref<2x16x50xi32, #tpu.memory_space<vmem>> -> memref<1x16x50xi32, #tpu.memory_space<vmem>>
    %dma_wait3A_41 = tpu.memref_squeeze %dma_wait3A_40 : memref<1x16x50xi32, #tpu.memory_space<vmem>> -> memref<16x50xi32, #tpu.memory_space<vmem>>
    %dma_wait3A_42 = arith.constant 0 : i32
    %dma_wait3A_43 = tpu.memref_slice %arg2[%mul3A_2, %dma_wait3A_42] : memref<16384x50xi32, #tpu.memory_space<hbm>> -> memref<16x50xi32, #tpu.memory_space<hbm>>
    tpu.wait_dma2 semaphore(%arg7 : memref<!tpu.dma_semaphore, #tpu.memory_space<semaphore_mem>>) src(%dma_wait3A_43 : memref<16x50xi32, #tpu.memory_space<hbm>>) dst(%dma_wait3A_41 : memref<16x50xi32, #tpu.memory_space<vmem>>)
    %dma_start3A_44 = arith.constant 0 : i32
    %dma_start3A_45 = arith.constant 0 : i32
    %dma_start3A_46 = arith.constant 0 : i32
    %dma_start3A_47 = arith.constant 0 : i32
    %dma_start3A_48 = arith.constant 0 : i32
    %dma_start3A_49 = arith.constant 0 : i32
    %dma_start3A_50 = tpu.memref_slice %arg6[%dma_start3A_46, %dma_start3A_47, %dma_start3A_48, %dma_start3A_49] : memref<2x16x50x64xf32, #tpu.memory_space<vmem>> -> memref<1x1x50x64xf32, #tpu.memory_space<vmem>>
    %dma_start3A_51 = tpu.memref_squeeze %dma_start3A_50 : memref<1x1x50x64xf32, #tpu.memory_space<vmem>> -> memref<50x64xf32, #tpu.memory_space<vmem>>
    %dma_start3A_52 = arith.constant 0 : i32
    %dma_start3A_53 = tpu.memref_slice %arg5[%dma_start3A_44, %dma_start3A_45, %dma_start3A_52] : memref<2x16x50xi32, #tpu.memory_space<vmem>> -> memref<1x1x50xi32, #tpu.memory_space<vmem>>
    %dma_start3A_54 = tpu.memref_squeeze %dma_start3A_53 : memref<1x1x50xi32, #tpu.memory_space<vmem>> -> memref<50xi32, #tpu.memory_space<vmem>>
    %dma_start3A_55 = arith.constant 0 : i32
    %dma_start3A_56 = arith.constant 0 : i32
    %dma_start3A_57 = tpu.memref_slice %arg3[%dma_start3A_55, %dma_start3A_56] : memref<1000000x64xf32, #tpu.memory_space<hbm>> -> memref<1000000x64xf32, #tpu.memory_space<hbm>>
    tpu.enqueue_indirect_dma source(%dma_start3A_57 : memref<1000000x64xf32, #tpu.memory_space<hbm>>) target(%dma_start3A_51 : memref<50x64xf32, #tpu.memory_space<vmem>>) offsets(%dma_start3A_54 : memref<50xi32, #tpu.memory_space<vmem>>) semaphore(%arg11 : memref<!tpu.dma_semaphore, #tpu.memory_space<semaphore_mem>>)
    %dma_start3A_58 = arith.constant 0 : i32
    %dma_start3A_59 = arith.constant 1 : i32
    %dma_start3A_60 = arith.constant 0 : i32
    %dma_start3A_61 = arith.constant 1 : i32
    %dma_start3A_62 = arith.constant 0 : i32
    %dma_start3A_63 = arith.constant 0 : i32
    %dma_start3A_64 = tpu.memref_slice %arg6[%dma_start3A_60, %dma_start3A_61, %dma_start3A_62, %dma_start3A_63] : memref<2x16x50x64xf32, #tpu.memory_space<vmem>> -> memref<1x1x50x64xf32, #tpu.memory_space<vmem>>
    %dma_start3A_65 = tpu.memref_squeeze %dma_start3A_64 : memref<1x1x50x64xf32, #tpu.memory_space<vmem>> -> memref<50x64xf32, #tpu.memory_space<vmem>>
    %dma_start3A_66 = arith.constant 0 : i32
    %dma_start3A_67 = tpu.memref_slice %arg5[%dma_start3A_58, %dma_start3A_59, %dma_start3A_66] : memref<2x16x50xi32, #tpu.memory_space<vmem>> -> memref<1x1x50xi32, #tpu.memory_space<vmem>>
    %dma_start3A_68 = tpu.memref_squeeze %dma_start3A_67 : memref<1x1x50xi32, #tpu.memory_space<vmem>> -> memref<50xi32, #tpu.memory_space<vmem>>
    %dma_start3A_69 = arith.constant 0 : i32
    %dma_start3A_70 = arith.constant 0 : i32
    %dma_start3A_71 = tpu.memref_slice %arg3[%dma_start3A_69, %dma_start3A_70] : memref<1000000x64xf32, #tpu.memory_space<hbm>> -> memref<1000000x64xf32, #tpu.memory_space<hbm>>
    tpu.enqueue_indirect_dma source(%dma_start3A_71 : memref<1000000x64xf32, #tpu.memory_space<hbm>>) target(%dma_start3A_65 : memref<50x64xf32, #tpu.memory_space<vmem>>) offsets(%dma_start3A_68 : memref<50xi32, #tpu.memory_space<vmem>>) semaphore(%arg11 : memref<!tpu.dma_semaphore, #tpu.memory_space<semaphore_mem>>)
    %dma_start3A_72 = arith.constant 0 : i32
    %dma_start3A_73 = arith.constant 2 : i32
    %dma_start3A_74 = arith.constant 0 : i32
    %dma_start3A_75 = arith.constant 2 : i32
    %dma_start3A_76 = arith.constant 0 : i32
    %dma_start3A_77 = arith.constant 0 : i32
    %dma_start3A_78 = tpu.memref_slice %arg6[%dma_start3A_74, %dma_start3A_75, %dma_start3A_76, %dma_start3A_77] : memref<2x16x50x64xf32, #tpu.memory_space<vmem>> -> memref<1x1x50x64xf32, #tpu.memory_space<vmem>>
    %dma_start3A_79 = tpu.memref_squeeze %dma_start3A_78 : memref<1x1x50x64xf32, #tpu.memory_space<vmem>> -> memref<50x64xf32, #tpu.memory_space<vmem>>
    %dma_start3A_80 = arith.constant 0 : i32
    %dma_start3A_81 = tpu.memref_slice %arg5[%dma_start3A_72, %dma_start3A_73, %dma_start3A_80] : memref<2x16x50xi32, #tpu.memory_space<vmem>> -> memref<1x1x50xi32, #tpu.memory_space<vmem>>
    %dma_start3A_82 = tpu.memref_squeeze %dma_start3A_81 : memref<1x1x50xi32, #tpu.memory_space<vmem>> -> memref<50xi32, #tpu.memory_space<vmem>>
    %dma_start3A_83 = arith.constant 0 : i32
    %dma_start3A_84 = arith.constant 0 : i32
    %dma_start3A_85 = tpu.memref_slice %arg3[%dma_start3A_83, %dma_start3A_84] : memref<1000000x64xf32, #tpu.memory_space<hbm>> -> memref<1000000x64xf32, #tpu.memory_space<hbm>>
    tpu.enqueue_indirect_dma source(%dma_start3A_85 : memref<1000000x64xf32, #tpu.memory_space<hbm>>) target(%dma_start3A_79 : memref<50x64xf32, #tpu.memory_space<vmem>>) offsets(%dma_start3A_82 : memref<50xi32, #tpu.memory_space<vmem>>) semaphore(%arg11 : memref<!tpu.dma_semaphore, #tpu.memory_space<semaphore_mem>>)
    %dma_start3A_86 = arith.constant 0 : i32
    %dma_start3A_87 = arith.constant 3 : i32
    %dma_start3A_88 = arith.constant 0 : i32
    %dma_start3A_89 = arith.constant 3 : i32
    %dma_start3A_90 = arith.constant 0 : i32
    %dma_start3A_91 = arith.constant 0 : i32
    %dma_start3A_92 = tpu.memref_slice %arg6[%dma_start3A_88, %dma_start3A_89, %dma_start3A_90, %dma_start3A_91] : memref<2x16x50x64xf32, #tpu.memory_space<vmem>> -> memref<1x1x50x64xf32, #tpu.memory_space<vmem>>
    %dma_start3A_93 = tpu.memref_squeeze %dma_start3A_92 : memref<1x1x50x64xf32, #tpu.memory_space<vmem>> -> memref<50x64xf32, #tpu.memory_space<vmem>>
    %dma_start3A_94 = arith.constant 0 : i32
    %dma_start3A_95 = tpu.memref_slice %arg5[%dma_start3A_86, %dma_start3A_87, %dma_start3A_94] : memref<2x16x50xi32, #tpu.memory_space<vmem>> -> memref<1x1x50xi32, #tpu.memory_space<vmem>>
    %dma_start3A_96 = tpu.memref_squeeze %dma_start3A_95 : memref<1x1x50xi32, #tpu.memory_space<vmem>> -> memref<50xi32, #tpu.memory_space<vmem>>
    %dma_start3A_97 = arith.constant 0 : i32
    %dma_start3A_98 = arith.constant 0 : i32
    %dma_start3A_99 = tpu.memref_slice %arg3[%dma_start3A_97, %dma_start3A_98] : memref<1000000x64xf32, #tpu.memory_space<hbm>> -> memref<1000000x64xf32, #tpu.memory_space<hbm>>
    tpu.enqueue_indirect_dma source(%dma_start3A_99 : memref<1000000x64xf32, #tpu.memory_space<hbm>>) target(%dma_start3A_93 : memref<50x64xf32, #tpu.memory_space<vmem>>) offsets(%dma_start3A_96 : memref<50xi32, #tpu.memory_space<vmem>>) semaphore(%arg11 : memref<!tpu.dma_semaphore, #tpu.memory_space<semaphore_mem>>)
    %dma_start3A_100 = arith.constant 0 : i32
    %dma_start3A_101 = arith.constant 4 : i32
    %dma_start3A_102 = arith.constant 0 : i32
    %dma_start3A_103 = arith.constant 4 : i32
    %dma_start3A_104 = arith.constant 0 : i32
    %dma_start3A_105 = arith.constant 0 : i32
    %dma_start3A_106 = tpu.memref_slice %arg6[%dma_start3A_102, %dma_start3A_103, %dma_start3A_104, %dma_start3A_105] : memref<2x16x50x64xf32, #tpu.memory_space<vmem>> -> memref<1x1x50x64xf32, #tpu.memory_space<vmem>>
    %dma_start3A_107 = tpu.memref_squeeze %dma_start3A_106 : memref<1x1x50x64xf32, #tpu.memory_space<vmem>> -> memref<50x64xf32, #tpu.memory_space<vmem>>
    %dma_start3A_108 = arith.constant 0 : i32
    %dma_start3A_109 = tpu.memref_slice %arg5[%dma_start3A_100, %dma_start3A_101, %dma_start3A_108] : memref<2x16x50xi32, #tpu.memory_space<vmem>> -> memref<1x1x50xi32, #tpu.memory_space<vmem>>
    %dma_start3A_110 = tpu.memref_squeeze %dma_start3A_109 : memref<1x1x50xi32, #tpu.memory_space<vmem>> -> memref<50xi32, #tpu.memory_space<vmem>>
    %dma_start3A_111 = arith.constant 0 : i32
    %dma_start3A_112 = arith.constant 0 : i32
    %dma_start3A_113 = tpu.memref_slice %arg3[%dma_start3A_111, %dma_start3A_112] : memref<1000000x64xf32, #tpu.memory_space<hbm>> -> memref<1000000x64xf32, #tpu.memory_space<hbm>>
    tpu.enqueue_indirect_dma source(%dma_start3A_113 : memref<1000000x64xf32, #tpu.memory_space<hbm>>) target(%dma_start3A_107 : memref<50x64xf32, #tpu.memory_space<vmem>>) offsets(%dma_start3A_110 : memref<50xi32, #tpu.memory_space<vmem>>) semaphore(%arg11 : memref<!tpu.dma_semaphore, #tpu.memory_space<semaphore_mem>>)
    %dma_start3A_114 = arith.constant 0 : i32
    %dma_start3A_115 = arith.constant 5 : i32
    %dma_start3A_116 = arith.constant 0 : i32
    %dma_start3A_117 = arith.constant 5 : i32
    %dma_start3A_118 = arith.constant 0 : i32
    %dma_start3A_119 = arith.constant 0 : i32
    %dma_start3A_120 = tpu.memref_slice %arg6[%dma_start3A_116, %dma_start3A_117, %dma_start3A_118, %dma_start3A_119] : memref<2x16x50x64xf32, #tpu.memory_space<vmem>> -> memref<1x1x50x64xf32, #tpu.memory_space<vmem>>
    %dma_start3A_121 = tpu.memref_squeeze %dma_start3A_120 : memref<1x1x50x64xf32, #tpu.memory_space<vmem>> -> memref<50x64xf32, #tpu.memory_space<vmem>>
    %dma_start3A_122 = arith.constant 0 : i32
    %dma_start3A_123 = tpu.memref_slice %arg5[%dma_start3A_114, %dma_start3A_115, %dma_start3A_122] : memref<2x16x50xi32, #tpu.memory_space<vmem>> -> memref<1x1x50xi32, #tpu.memory_space<vmem>>
    %dma_start3A_124 = tpu.memref_squeeze %dma_start3A_123 : memref<1x1x50xi32, #tpu.memory_space<vmem>> -> memref<50xi32, #tpu.memory_space<vmem>>
    %dma_start3A_125 = arith.constant 0 : i32
    %dma_start3A_126 = arith.constant 0 : i32
    %dma_start3A_127 = tpu.memref_slice %arg3[%dma_start3A_125, %dma_start3A_126] : memref<1000000x64xf32, #tpu.memory_space<hbm>> -> memref<1000000x64xf32, #tpu.memory_space<hbm>>
    tpu.enqueue_indirect_dma source(%dma_start3A_127 : memref<1000000x64xf32, #tpu.memory_space<hbm>>) target(%dma_start3A_121 : memref<50x64xf32, #tpu.memory_space<vmem>>) offsets(%dma_start3A_124 : memref<50xi32, #tpu.memory_space<vmem>>) semaphore(%arg11 : memref<!tpu.dma_semaphore, #tpu.memory_space<semaphore_mem>>)
    %dma_start3A_128 = arith.constant 0 : i32
    %dma_start3A_129 = arith.constant 6 : i32
    %dma_start3A_130 = arith.constant 0 : i32
    %dma_start3A_131 = arith.constant 6 : i32
    %dma_start3A_132 = arith.constant 0 : i32
    %dma_start3A_133 = arith.constant 0 : i32
    %dma_start3A_134 = tpu.memref_slice %arg6[%dma_start3A_130, %dma_start3A_131, %dma_start3A_132, %dma_start3A_133] : memref<2x16x50x64xf32, #tpu.memory_space<vmem>> -> memref<1x1x50x64xf32, #tpu.memory_space<vmem>>
    %dma_start3A_135 = tpu.memref_squeeze %dma_start3A_134 : memref<1x1x50x64xf32, #tpu.memory_space<vmem>> -> memref<50x64xf32, #tpu.memory_space<vmem>>
    %dma_start3A_136 = arith.constant 0 : i32
    %dma_start3A_137 = tpu.memref_slice %arg5[%dma_start3A_128, %dma_start3A_129, %dma_start3A_136] : memref<2x16x50xi32, #tpu.memory_space<vmem>> -> memref<1x1x50xi32, #tpu.memory_space<vmem>>
    %dma_start3A_138 = tpu.memref_squeeze %dma_start3A_137 : memref<1x1x50xi32, #tpu.memory_space<vmem>> -> memref<50xi32, #tpu.memory_space<vmem>>
    %dma_start3A_139 = arith.constant 0 : i32
    %dma_start3A_140 = arith.constant 0 : i32
    %dma_start3A_141 = tpu.memref_slice %arg3[%dma_start3A_139, %dma_start3A_140] : memref<1000000x64xf32, #tpu.memory_space<hbm>> -> memref<1000000x64xf32, #tpu.memory_space<hbm>>
    tpu.enqueue_indirect_dma source(%dma_start3A_141 : memref<1000000x64xf32, #tpu.memory_space<hbm>>) target(%dma_start3A_135 : memref<50x64xf32, #tpu.memory_space<vmem>>) offsets(%dma_start3A_138 : memref<50xi32, #tpu.memory_space<vmem>>) semaphore(%arg11 : memref<!tpu.dma_semaphore, #tpu.memory_space<semaphore_mem>>)
    %dma_start3A_142 = arith.constant 0 : i32
    %dma_start3A_143 = arith.constant 7 : i32
    %dma_start3A_144 = arith.constant 0 : i32
    %dma_start3A_145 = arith.constant 7 : i32
    %dma_start3A_146 = arith.constant 0 : i32
    %dma_start3A_147 = arith.constant 0 : i32
    %dma_start3A_148 = tpu.memref_slice %arg6[%dma_start3A_144, %dma_start3A_145, %dma_start3A_146, %dma_start3A_147] : memref<2x16x50x64xf32, #tpu.memory_space<vmem>> -> memref<1x1x50x64xf32, #tpu.memory_space<vmem>>
    %dma_start3A_149 = tpu.memref_squeeze %dma_start3A_148 : memref<1x1x50x64xf32, #tpu.memory_space<vmem>> -> memref<50x64xf32, #tpu.memory_space<vmem>>
    %dma_start3A_150 = arith.constant 0 : i32
    %dma_start3A_151 = tpu.memref_slice %arg5[%dma_start3A_142, %dma_start3A_143, %dma_start3A_150] : memref<2x16x50xi32, #tpu.memory_space<vmem>> -> memref<1x1x50xi32, #tpu.memory_space<vmem>>
    %dma_start3A_152 = tpu.memref_squeeze %dma_start3A_151 : memref<1x1x50xi32, #tpu.memory_space<vmem>> -> memref<50xi32, #tpu.memory_space<vmem>>
    %dma_start3A_153 = arith.constant 0 : i32
    %dma_start3A_154 = arith.constant 0 : i32
    %dma_start3A_155 = tpu.memref_slice %arg3[%dma_start3A_153, %dma_start3A_154] : memref<1000000x64xf32, #tpu.memory_space<hbm>> -> memref<1000000x64xf32, #tpu.memory_space<hbm>>
    tpu.enqueue_indirect_dma source(%dma_start3A_155 : memref<1000000x64xf32, #tpu.memory_space<hbm>>) target(%dma_start3A_149 : memref<50x64xf32, #tpu.memory_space<vmem>>) offsets(%dma_start3A_152 : memref<50xi32, #tpu.memory_space<vmem>>) semaphore(%arg11 : memref<!tpu.dma_semaphore, #tpu.memory_space<semaphore_mem>>)
    %dma_start3A_156 = arith.constant 0 : i32
    %dma_start3A_157 = arith.constant 8 : i32
    %dma_start3A_158 = arith.constant 0 : i32
    %dma_start3A_159 = arith.constant 8 : i32
    %dma_start3A_160 = arith.constant 0 : i32
    %dma_start3A_161 = arith.constant 0 : i32
    %dma_start3A_162 = tpu.memref_slice %arg6[%dma_start3A_158, %dma_start3A_159, %dma_start3A_160, %dma_start3A_161] : memref<2x16x50x64xf32, #tpu.memory_space<vmem>> -> memref<1x1x50x64xf32, #tpu.memory_space<vmem>>
    %dma_start3A_163 = tpu.memref_squeeze %dma_start3A_162 : memref<1x1x50x64xf32, #tpu.memory_space<vmem>> -> memref<50x64xf32, #tpu.memory_space<vmem>>
    %dma_start3A_164 = arith.constant 0 : i32
    %dma_start3A_165 = tpu.memref_slice %arg5[%dma_start3A_156, %dma_start3A_157, %dma_start3A_164] : memref<2x16x50xi32, #tpu.memory_space<vmem>> -> memref<1x1x50xi32, #tpu.memory_space<vmem>>
    %dma_start3A_166 = tpu.memref_squeeze %dma_start3A_165 : memref<1x1x50xi32, #tpu.memory_space<vmem>> -> memref<50xi32, #tpu.memory_space<vmem>>
    %dma_start3A_167 = arith.constant 0 : i32
    %dma_start3A_168 = arith.constant 0 : i32
    %dma_start3A_169 = tpu.memref_slice %arg3[%dma_start3A_167, %dma_start3A_168] : memref<1000000x64xf32, #tpu.memory_space<hbm>> -> memref<1000000x64xf32, #tpu.memory_space<hbm>>
    tpu.enqueue_indirect_dma source(%dma_start3A_169 : memref<1000000x64xf32, #tpu.memory_space<hbm>>) target(%dma_start3A_163 : memref<50x64xf32, #tpu.memory_space<vmem>>) offsets(%dma_start3A_166 : memref<50xi32, #tpu.memory_space<vmem>>) semaphore(%arg11 : memref<!tpu.dma_semaphore, #tpu.memory_space<semaphore_mem>>)
    %dma_start3A_170 = arith.constant 0 : i32
    %dma_start3A_171 = arith.constant 9 : i32
    %dma_start3A_172 = arith.constant 0 : i32
    %dma_start3A_173 = arith.constant 9 : i32
    %dma_start3A_174 = arith.constant 0 : i32
    %dma_start3A_175 = arith.constant 0 : i32
    %dma_start3A_176 = tpu.memref_slice %arg6[%dma_start3A_172, %dma_start3A_173, %dma_start3A_174, %dma_start3A_175] : memref<2x16x50x64xf32, #tpu.memory_space<vmem>> -> memref<1x1x50x64xf32, #tpu.memory_space<vmem>>
    %dma_start3A_177 = tpu.memref_squeeze %dma_start3A_176 : memref<1x1x50x64xf32, #tpu.memory_space<vmem>> -> memref<50x64xf32, #tpu.memory_space<vmem>>
    %dma_start3A_178 = arith.constant 0 : i32
    %dma_start3A_179 = tpu.memref_slice %arg5[%dma_start3A_170, %dma_start3A_171, %dma_start3A_178] : memref<2x16x50xi32, #tpu.memory_space<vmem>> -> memref<1x1x50xi32, #tpu.memory_space<vmem>>
    %dma_start3A_180 = tpu.memref_squeeze %dma_start3A_179 : memref<1x1x50xi32, #tpu.memory_space<vmem>> -> memref<50xi32, #tpu.memory_space<vmem>>
    %dma_start3A_181 = arith.constant 0 : i32
    %dma_start3A_182 = arith.constant 0 : i32
    %dma_start3A_183 = tpu.memref_slice %arg3[%dma_start3A_181, %dma_start3A_182] : memref<1000000x64xf32, #tpu.memory_space<hbm>> -> memref<1000000x64xf32, #tpu.memory_space<hbm>>
    tpu.enqueue_indirect_dma source(%dma_start3A_183 : memref<1000000x64xf32, #tpu.memory_space<hbm>>) target(%dma_start3A_177 : memref<50x64xf32, #tpu.memory_space<vmem>>) offsets(%dma_start3A_180 : memref<50xi32, #tpu.memory_space<vmem>>) semaphore(%arg11 : memref<!tpu.dma_semaphore, #tpu.memory_space<semaphore_mem>>)
    %dma_start3A_184 = arith.constant 0 : i32
    %dma_start3A_185 = arith.constant 10 : i32
    %dma_start3A_186 = arith.constant 0 : i32
    %dma_start3A_187 = arith.constant 10 : i32
    %dma_start3A_188 = arith.constant 0 : i32
    %dma_start3A_189 = arith.constant 0 : i32
    %dma_start3A_190 = tpu.memref_slice %arg6[%dma_start3A_186, %dma_start3A_187, %dma_start3A_188, %dma_start3A_189] : memref<2x16x50x64xf32, #tpu.memory_space<vmem>> -> memref<1x1x50x64xf32, #tpu.memory_space<vmem>>
    %dma_start3A_191 = tpu.memref_squeeze %dma_start3A_190 : memref<1x1x50x64xf32, #tpu.memory_space<vmem>> -> memref<50x64xf32, #tpu.memory_space<vmem>>
    %dma_start3A_192 = arith.constant 0 : i32
    %dma_start3A_193 = tpu.memref_slice %arg5[%dma_start3A_184, %dma_start3A_185, %dma_start3A_192] : memref<2x16x50xi32, #tpu.memory_space<vmem>> -> memref<1x1x50xi32, #tpu.memory_space<vmem>>
    %dma_start3A_194 = tpu.memref_squeeze %dma_start3A_193 : memref<1x1x50xi32, #tpu.memory_space<vmem>> -> memref<50xi32, #tpu.memory_space<vmem>>
    %dma_start3A_195 = arith.constant 0 : i32
    %dma_start3A_196 = arith.constant 0 : i32
    %dma_start3A_197 = tpu.memref_slice %arg3[%dma_start3A_195, %dma_start3A_196] : memref<1000000x64xf32, #tpu.memory_space<hbm>> -> memref<1000000x64xf32, #tpu.memory_space<hbm>>
    tpu.enqueue_indirect_dma source(%dma_start3A_197 : memref<1000000x64xf32, #tpu.memory_space<hbm>>) target(%dma_start3A_191 : memref<50x64xf32, #tpu.memory_space<vmem>>) offsets(%dma_start3A_194 : memref<50xi32, #tpu.memory_space<vmem>>) semaphore(%arg11 : memref<!tpu.dma_semaphore, #tpu.memory_space<semaphore_mem>>)
    %dma_start3A_198 = arith.constant 0 : i32
    %dma_start3A_199 = arith.constant 11 : i32
    %dma_start3A_200 = arith.constant 0 : i32
    %dma_start3A_201 = arith.constant 11 : i32
    %dma_start3A_202 = arith.constant 0 : i32
    %dma_start3A_203 = arith.constant 0 : i32
    %dma_start3A_204 = tpu.memref_slice %arg6[%dma_start3A_200, %dma_start3A_201, %dma_start3A_202, %dma_start3A_203] : memref<2x16x50x64xf32, #tpu.memory_space<vmem>> -> memref<1x1x50x64xf32, #tpu.memory_space<vmem>>
    %dma_start3A_205 = tpu.memref_squeeze %dma_start3A_204 : memref<1x1x50x64xf32, #tpu.memory_space<vmem>> -> memref<50x64xf32, #tpu.memory_space<vmem>>
    %dma_start3A_206 = arith.constant 0 : i32
    %dma_start3A_207 = tpu.memref_slice %arg5[%dma_start3A_198, %dma_start3A_199, %dma_start3A_206] : memref<2x16x50xi32, #tpu.memory_space<vmem>> -> memref<1x1x50xi32, #tpu.memory_space<vmem>>
    %dma_start3A_208 = tpu.memref_squeeze %dma_start3A_207 : memref<1x1x50xi32, #tpu.memory_space<vmem>> -> memref<50xi32, #tpu.memory_space<vmem>>
    %dma_start3A_209 = arith.constant 0 : i32
    %dma_start3A_210 = arith.constant 0 : i32
    %dma_start3A_211 = tpu.memref_slice %arg3[%dma_start3A_209, %dma_start3A_210] : memref<1000000x64xf32, #tpu.memory_space<hbm>> -> memref<1000000x64xf32, #tpu.memory_space<hbm>>
    tpu.enqueue_indirect_dma source(%dma_start3A_211 : memref<1000000x64xf32, #tpu.memory_space<hbm>>) target(%dma_start3A_205 : memref<50x64xf32, #tpu.memory_space<vmem>>) offsets(%dma_start3A_208 : memref<50xi32, #tpu.memory_space<vmem>>) semaphore(%arg11 : memref<!tpu.dma_semaphore, #tpu.memory_space<semaphore_mem>>)
    %dma_start3A_212 = arith.constant 0 : i32
    %dma_start3A_213 = arith.constant 12 : i32
    %dma_start3A_214 = arith.constant 0 : i32
    %dma_start3A_215 = arith.constant 12 : i32
    %dma_start3A_216 = arith.constant 0 : i32
    %dma_start3A_217 = arith.constant 0 : i32
    %dma_start3A_218 = tpu.memref_slice %arg6[%dma_start3A_214, %dma_start3A_215, %dma_start3A_216, %dma_start3A_217] : memref<2x16x50x64xf32, #tpu.memory_space<vmem>> -> memref<1x1x50x64xf32, #tpu.memory_space<vmem>>
    %dma_start3A_219 = tpu.memref_squeeze %dma_start3A_218 : memref<1x1x50x64xf32, #tpu.memory_space<vmem>> -> memref<50x64xf32, #tpu.memory_space<vmem>>
    %dma_start3A_220 = arith.constant 0 : i32
    %dma_start3A_221 = tpu.memref_slice %arg5[%dma_start3A_212, %dma_start3A_213, %dma_start3A_220] : memref<2x16x50xi32, #tpu.memory_space<vmem>> -> memref<1x1x50xi32, #tpu.memory_space<vmem>>
    %dma_start3A_222 = tpu.memref_squeeze %dma_start3A_221 : memref<1x1x50xi32, #tpu.memory_space<vmem>> -> memref<50xi32, #tpu.memory_space<vmem>>
    %dma_start3A_223 = arith.constant 0 : i32
    %dma_start3A_224 = arith.constant 0 : i32
    %dma_start3A_225 = tpu.memref_slice %arg3[%dma_start3A_223, %dma_start3A_224] : memref<1000000x64xf32, #tpu.memory_space<hbm>> -> memref<1000000x64xf32, #tpu.memory_space<hbm>>
    tpu.enqueue_indirect_dma source(%dma_start3A_225 : memref<1000000x64xf32, #tpu.memory_space<hbm>>) target(%dma_start3A_219 : memref<50x64xf32, #tpu.memory_space<vmem>>) offsets(%dma_start3A_222 : memref<50xi32, #tpu.memory_space<vmem>>) semaphore(%arg11 : memref<!tpu.dma_semaphore, #tpu.memory_space<semaphore_mem>>)
    %dma_start3A_226 = arith.constant 0 : i32
    %dma_start3A_227 = arith.constant 13 : i32
    %dma_start3A_228 = arith.constant 0 : i32
    %dma_start3A_229 = arith.constant 13 : i32
    %dma_start3A_230 = arith.constant 0 : i32
    %dma_start3A_231 = arith.constant 0 : i32
    %dma_start3A_232 = tpu.memref_slice %arg6[%dma_start3A_228, %dma_start3A_229, %dma_start3A_230, %dma_start3A_231] : memref<2x16x50x64xf32, #tpu.memory_space<vmem>> -> memref<1x1x50x64xf32, #tpu.memory_space<vmem>>
    %dma_start3A_233 = tpu.memref_squeeze %dma_start3A_232 : memref<1x1x50x64xf32, #tpu.memory_space<vmem>> -> memref<50x64xf32, #tpu.memory_space<vmem>>
    %dma_start3A_234 = arith.constant 0 : i32
    %dma_start3A_235 = tpu.memref_slice %arg5[%dma_start3A_226, %dma_start3A_227, %dma_start3A_234] : memref<2x16x50xi32, #tpu.memory_space<vmem>> -> memref<1x1x50xi32, #tpu.memory_space<vmem>>
    %dma_start3A_236 = tpu.memref_squeeze %dma_start3A_235 : memref<1x1x50xi32, #tpu.memory_space<vmem>> -> memref<50xi32, #tpu.memory_space<vmem>>
    %dma_start3A_237 = arith.constant 0 : i32
    %dma_start3A_238 = arith.constant 0 : i32
    %dma_start3A_239 = tpu.memref_slice %arg3[%dma_start3A_237, %dma_start3A_238] : memref<1000000x64xf32, #tpu.memory_space<hbm>> -> memref<1000000x64xf32, #tpu.memory_space<hbm>>
    tpu.enqueue_indirect_dma source(%dma_start3A_239 : memref<1000000x64xf32, #tpu.memory_space<hbm>>) target(%dma_start3A_233 : memref<50x64xf32, #tpu.memory_space<vmem>>) offsets(%dma_start3A_236 : memref<50xi32, #tpu.memory_space<vmem>>) semaphore(%arg11 : memref<!tpu.dma_semaphore, #tpu.memory_space<semaphore_mem>>)
    %dma_start3A_240 = arith.constant 0 : i32
    %dma_start3A_241 = arith.constant 14 : i32
    %dma_start3A_242 = arith.constant 0 : i32
    %dma_start3A_243 = arith.constant 14 : i32
    %dma_start3A_244 = arith.constant 0 : i32
    %dma_start3A_245 = arith.constant 0 : i32
    %dma_start3A_246 = tpu.memref_slice %arg6[%dma_start3A_242, %dma_start3A_243, %dma_start3A_244, %dma_start3A_245] : memref<2x16x50x64xf32, #tpu.memory_space<vmem>> -> memref<1x1x50x64xf32, #tpu.memory_space<vmem>>
    %dma_start3A_247 = tpu.memref_squeeze %dma_start3A_246 : memref<1x1x50x64xf32, #tpu.memory_space<vmem>> -> memref<50x64xf32, #tpu.memory_space<vmem>>
    %dma_start3A_248 = arith.constant 0 : i32
    %dma_start3A_249 = tpu.memref_slice %arg5[%dma_start3A_240, %dma_start3A_241, %dma_start3A_248] : memref<2x16x50xi32, #tpu.memory_space<vmem>> -> memref<1x1x50xi32, #tpu.memory_space<vmem>>
    %dma_start3A_250 = tpu.memref_squeeze %dma_start3A_249 : memref<1x1x50xi32, #tpu.memory_space<vmem>> -> memref<50xi32, #tpu.memory_space<vmem>>
    %dma_start3A_251 = arith.constant 0 : i32
    %dma_start3A_252 = arith.constant 0 : i32
    %dma_start3A_253 = tpu.memref_slice %arg3[%dma_start3A_251, %dma_start3A_252] : memref<1000000x64xf32, #tpu.memory_space<hbm>> -> memref<1000000x64xf32, #tpu.memory_space<hbm>>
    tpu.enqueue_indirect_dma source(%dma_start3A_253 : memref<1000000x64xf32, #tpu.memory_space<hbm>>) target(%dma_start3A_247 : memref<50x64xf32, #tpu.memory_space<vmem>>) offsets(%dma_start3A_250 : memref<50xi32, #tpu.memory_space<vmem>>) semaphore(%arg11 : memref<!tpu.dma_semaphore, #tpu.memory_space<semaphore_mem>>)
    %dma_start3A_254 = arith.constant 0 : i32
    %dma_start3A_255 = arith.constant 15 : i32
    %dma_start3A_256 = arith.constant 0 : i32
    %dma_start3A_257 = arith.constant 15 : i32
    %dma_start3A_258 = arith.constant 0 : i32
    %dma_start3A_259 = arith.constant 0 : i32
    %dma_start3A_260 = tpu.memref_slice %arg6[%dma_start3A_256, %dma_start3A_257, %dma_start3A_258, %dma_start3A_259] : memref<2x16x50x64xf32, #tpu.memory_space<vmem>> -> memref<1x1x50x64xf32, #tpu.memory_space<vmem>>
    %dma_start3A_261 = tpu.memref_squeeze %dma_start3A_260 : memref<1x1x50x64xf32, #tpu.memory_space<vmem>> -> memref<50x64xf32, #tpu.memory_space<vmem>>
    %dma_start3A_262 = arith.constant 0 : i32
    %dma_start3A_263 = tpu.memref_slice %arg5[%dma_start3A_254, %dma_start3A_255, %dma_start3A_262] : memref<2x16x50xi32, #tpu.memory_space<vmem>> -> memref<1x1x50xi32, #tpu.memory_space<vmem>>
    %dma_start3A_264 = tpu.memref_squeeze %dma_start3A_263 : memref<1x1x50xi32, #tpu.memory_space<vmem>> -> memref<50xi32, #tpu.memory_space<vmem>>
    %dma_start3A_265 = arith.constant 0 : i32
    %dma_start3A_266 = arith.constant 0 : i32
    %dma_start3A_267 = tpu.memref_slice %arg3[%dma_start3A_265, %dma_start3A_266] : memref<1000000x64xf32, #tpu.memory_space<hbm>> -> memref<1000000x64xf32, #tpu.memory_space<hbm>>
    tpu.enqueue_indirect_dma source(%dma_start3A_267 : memref<1000000x64xf32, #tpu.memory_space<hbm>>) target(%dma_start3A_261 : memref<50x64xf32, #tpu.memory_space<vmem>>) offsets(%dma_start3A_264 : memref<50xi32, #tpu.memory_space<vmem>>) semaphore(%arg11 : memref<!tpu.dma_semaphore, #tpu.memory_space<semaphore_mem>>)
    %dma_wait3A_268 = arith.constant 0 : i32
    %dma_wait3A_269 = arith.constant 0 : i32
    %dma_wait3A_270 = arith.constant 0 : i32
    %dma_wait3A_271 = arith.constant 0 : i32
    %dma_wait3A_272 = arith.constant 0 : i32
    %dma_wait3A_273 = arith.constant 0 : i32
    %dma_wait3A_274 = tpu.memref_slice %arg6[%dma_wait3A_270, %dma_wait3A_271, %dma_wait3A_272, %dma_wait3A_273] : memref<2x16x50x64xf32, #tpu.memory_space<vmem>> -> memref<1x1x50x64xf32, #tpu.memory_space<vmem>>
    %dma_wait3A_275 = tpu.memref_squeeze %dma_wait3A_274 : memref<1x1x50x64xf32, #tpu.memory_space<vmem>> -> memref<50x64xf32, #tpu.memory_space<vmem>>
    %dma_wait3A_276 = arith.constant 0 : i32
    %dma_wait3A_277 = tpu.memref_slice %arg5[%dma_wait3A_268, %dma_wait3A_269, %dma_wait3A_276] : memref<2x16x50xi32, #tpu.memory_space<vmem>> -> memref<1x1x50xi32, #tpu.memory_space<vmem>>
    %dma_wait3A_278 = tpu.memref_squeeze %dma_wait3A_277 : memref<1x1x50xi32, #tpu.memory_space<vmem>> -> memref<50xi32, #tpu.memory_space<vmem>>
    %dma_wait3A_279 = arith.constant 0 : i32
    %dma_wait3A_280 = arith.constant 0 : i32
    %dma_wait3A_281 = tpu.memref_slice %arg3[%dma_wait3A_279, %dma_wait3A_280] : memref<1000000x64xf32, #tpu.memory_space<hbm>> -> memref<1000000x64xf32, #tpu.memory_space<hbm>>
    tpu.wait_indirect_dma semaphore(%arg11 : memref<!tpu.dma_semaphore, #tpu.memory_space<semaphore_mem>>) src(%dma_wait3A_281 : memref<1000000x64xf32, #tpu.memory_space<hbm>>) dst(%dma_wait3A_275 : memref<50x64xf32, #tpu.memory_space<vmem>>)
    %dma_wait3A_282 = arith.constant 0 : i32
    %dma_wait3A_283 = arith.constant 1 : i32
    %dma_wait3A_284 = arith.constant 0 : i32
    %dma_wait3A_285 = arith.constant 1 : i32
    %dma_wait3A_286 = arith.constant 0 : i32
    %dma_wait3A_287 = arith.constant 0 : i32
    %dma_wait3A_288 = tpu.memref_slice %arg6[%dma_wait3A_284, %dma_wait3A_285, %dma_wait3A_286, %dma_wait3A_287] : memref<2x16x50x64xf32, #tpu.memory_space<vmem>> -> memref<1x1x50x64xf32, #tpu.memory_space<vmem>>
    %dma_wait3A_289 = tpu.memref_squeeze %dma_wait3A_288 : memref<1x1x50x64xf32, #tpu.memory_space<vmem>> -> memref<50x64xf32, #tpu.memory_space<vmem>>
    %dma_wait3A_290 = arith.constant 0 : i32
    %dma_wait3A_291 = tpu.memref_slice %arg5[%dma_wait3A_282, %dma_wait3A_283, %dma_wait3A_290] : memref<2x16x50xi32, #tpu.memory_space<vmem>> -> memref<1x1x50xi32, #tpu.memory_space<vmem>>
    %dma_wait3A_292 = tpu.memref_squeeze %dma_wait3A_291 : memref<1x1x50xi32, #tpu.memory_space<vmem>> -> memref<50xi32, #tpu.memory_space<vmem>>
    %dma_wait3A_293 = arith.constant 0 : i32
    %dma_wait3A_294 = arith.constant 0 : i32
    %dma_wait3A_295 = tpu.memref_slice %arg3[%dma_wait3A_293, %dma_wait3A_294] : memref<1000000x64xf32, #tpu.memory_space<hbm>> -> memref<1000000x64xf32, #tpu.memory_space<hbm>>
    tpu.wait_indirect_dma semaphore(%arg11 : memref<!tpu.dma_semaphore, #tpu.memory_space<semaphore_mem>>) src(%dma_wait3A_295 : memref<1000000x64xf32, #tpu.memory_space<hbm>>) dst(%dma_wait3A_289 : memref<50x64xf32, #tpu.memory_space<vmem>>)
    %dma_wait3A_296 = arith.constant 0 : i32
    %dma_wait3A_297 = arith.constant 2 : i32
    %dma_wait3A_298 = arith.constant 0 : i32
    %dma_wait3A_299 = arith.constant 2 : i32
    %dma_wait3A_300 = arith.constant 0 : i32
    %dma_wait3A_301 = arith.constant 0 : i32
    %dma_wait3A_302 = tpu.memref_slice %arg6[%dma_wait3A_298, %dma_wait3A_299, %dma_wait3A_300, %dma_wait3A_301] : memref<2x16x50x64xf32, #tpu.memory_space<vmem>> -> memref<1x1x50x64xf32, #tpu.memory_space<vmem>>
    %dma_wait3A_303 = tpu.memref_squeeze %dma_wait3A_302 : memref<1x1x50x64xf32, #tpu.memory_space<vmem>> -> memref<50x64xf32, #tpu.memory_space<vmem>>
    %dma_wait3A_304 = arith.constant 0 : i32
    %dma_wait3A_305 = tpu.memref_slice %arg5[%dma_wait3A_296, %dma_wait3A_297, %dma_wait3A_304] : memref<2x16x50xi32, #tpu.memory_space<vmem>> -> memref<1x1x50xi32, #tpu.memory_space<vmem>>
    %dma_wait3A_306 = tpu.memref_squeeze %dma_wait3A_305 : memref<1x1x50xi32, #tpu.memory_space<vmem>> -> memref<50xi32, #tpu.memory_space<vmem>>
    %dma_wait3A_307 = arith.constant 0 : i32
    %dma_wait3A_308 = arith.constant 0 : i32
    %dma_wait3A_309 = tpu.memref_slice %arg3[%dma_wait3A_307, %dma_wait3A_308] : memref<1000000x64xf32, #tpu.memory_space<hbm>> -> memref<1000000x64xf32, #tpu.memory_space<hbm>>
    tpu.wait_indirect_dma semaphore(%arg11 : memref<!tpu.dma_semaphore, #tpu.memory_space<semaphore_mem>>) src(%dma_wait3A_309 : memref<1000000x64xf32, #tpu.memory_space<hbm>>) dst(%dma_wait3A_303 : memref<50x64xf32, #tpu.memory_space<vmem>>)
    %dma_wait3A_310 = arith.constant 0 : i32
    %dma_wait3A_311 = arith.constant 3 : i32
    %dma_wait3A_312 = arith.constant 0 : i32
    %dma_wait3A_313 = arith.constant 3 : i32
    %dma_wait3A_314 = arith.constant 0 : i32
    %dma_wait3A_315 = arith.constant 0 : i32
    %dma_wait3A_316 = tpu.memref_slice %arg6[%dma_wait3A_312, %dma_wait3A_313, %dma_wait3A_314, %dma_wait3A_315] : memref<2x16x50x64xf32, #tpu.memory_space<vmem>> -> memref<1x1x50x64xf32, #tpu.memory_space<vmem>>
    %dma_wait3A_317 = tpu.memref_squeeze %dma_wait3A_316 : memref<1x1x50x64xf32, #tpu.memory_space<vmem>> -> memref<50x64xf32, #tpu.memory_space<vmem>>
    %dma_wait3A_318 = arith.constant 0 : i32
    %dma_wait3A_319 = tpu.memref_slice %arg5[%dma_wait3A_310, %dma_wait3A_311, %dma_wait3A_318] : memref<2x16x50xi32, #tpu.memory_space<vmem>> -> memref<1x1x50xi32, #tpu.memory_space<vmem>>
    %dma_wait3A_320 = tpu.memref_squeeze %dma_wait3A_319 : memref<1x1x50xi32, #tpu.memory_space<vmem>> -> memref<50xi32, #tpu.memory_space<vmem>>
    %dma_wait3A_321 = arith.constant 0 : i32
    %dma_wait3A_322 = arith.constant 0 : i32
    %dma_wait3A_323 = tpu.memref_slice %arg3[%dma_wait3A_321, %dma_wait3A_322] : memref<1000000x64xf32, #tpu.memory_space<hbm>> -> memref<1000000x64xf32, #tpu.memory_space<hbm>>
    tpu.wait_indirect_dma semaphore(%arg11 : memref<!tpu.dma_semaphore, #tpu.memory_space<semaphore_mem>>) src(%dma_wait3A_323 : memref<1000000x64xf32, #tpu.memory_space<hbm>>) dst(%dma_wait3A_317 : memref<50x64xf32, #tpu.memory_space<vmem>>)
    %dma_wait3A_324 = arith.constant 0 : i32
    %dma_wait3A_325 = arith.constant 4 : i32
    %dma_wait3A_326 = arith.constant 0 : i32
    %dma_wait3A_327 = arith.constant 4 : i32
    %dma_wait3A_328 = arith.constant 0 : i32
    %dma_wait3A_329 = arith.constant 0 : i32
    %dma_wait3A_330 = tpu.memref_slice %arg6[%dma_wait3A_326, %dma_wait3A_327, %dma_wait3A_328, %dma_wait3A_329] : memref<2x16x50x64xf32, #tpu.memory_space<vmem>> -> memref<1x1x50x64xf32, #tpu.memory_space<vmem>>
    %dma_wait3A_331 = tpu.memref_squeeze %dma_wait3A_330 : memref<1x1x50x64xf32, #tpu.memory_space<vmem>> -> memref<50x64xf32, #tpu.memory_space<vmem>>
    %dma_wait3A_332 = arith.constant 0 : i32
    %dma_wait3A_333 = tpu.memref_slice %arg5[%dma_wait3A_324, %dma_wait3A_325, %dma_wait3A_332] : memref<2x16x50xi32, #tpu.memory_space<vmem>> -> memref<1x1x50xi32, #tpu.memory_space<vmem>>
    %dma_wait3A_334 = tpu.memref_squeeze %dma_wait3A_333 : memref<1x1x50xi32, #tpu.memory_space<vmem>> -> memref<50xi32, #tpu.memory_space<vmem>>
    %dma_wait3A_335 = arith.constant 0 : i32
    %dma_wait3A_336 = arith.constant 0 : i32
    %dma_wait3A_337 = tpu.memref_slice %arg3[%dma_wait3A_335, %dma_wait3A_336] : memref<1000000x64xf32, #tpu.memory_space<hbm>> -> memref<1000000x64xf32, #tpu.memory_space<hbm>>
    tpu.wait_indirect_dma semaphore(%arg11 : memref<!tpu.dma_semaphore, #tpu.memory_space<semaphore_mem>>) src(%dma_wait3A_337 : memref<1000000x64xf32, #tpu.memory_space<hbm>>) dst(%dma_wait3A_331 : memref<50x64xf32, #tpu.memory_space<vmem>>)
    %dma_wait3A_338 = arith.constant 0 : i32
    %dma_wait3A_339 = arith.constant 5 : i32
    %dma_wait3A_340 = arith.constant 0 : i32
    %dma_wait3A_341 = arith.constant 5 : i32
    %dma_wait3A_342 = arith.constant 0 : i32
    %dma_wait3A_343 = arith.constant 0 : i32
    %dma_wait3A_344 = tpu.memref_slice %arg6[%dma_wait3A_340, %dma_wait3A_341, %dma_wait3A_342, %dma_wait3A_343] : memref<2x16x50x64xf32, #tpu.memory_space<vmem>> -> memref<1x1x50x64xf32, #tpu.memory_space<vmem>>
    %dma_wait3A_345 = tpu.memref_squeeze %dma_wait3A_344 : memref<1x1x50x64xf32, #tpu.memory_space<vmem>> -> memref<50x64xf32, #tpu.memory_space<vmem>>
    %dma_wait3A_346 = arith.constant 0 : i32
    %dma_wait3A_347 = tpu.memref_slice %arg5[%dma_wait3A_338, %dma_wait3A_339, %dma_wait3A_346] : memref<2x16x50xi32, #tpu.memory_space<vmem>> -> memref<1x1x50xi32, #tpu.memory_space<vmem>>
    %dma_wait3A_348 = tpu.memref_squeeze %dma_wait3A_347 : memref<1x1x50xi32, #tpu.memory_space<vmem>> -> memref<50xi32, #tpu.memory_space<vmem>>
    %dma_wait3A_349 = arith.constant 0 : i32
    %dma_wait3A_350 = arith.constant 0 : i32
    %dma_wait3A_351 = tpu.memref_slice %arg3[%dma_wait3A_349, %dma_wait3A_350] : memref<1000000x64xf32, #tpu.memory_space<hbm>> -> memref<1000000x64xf32, #tpu.memory_space<hbm>>
    tpu.wait_indirect_dma semaphore(%arg11 : memref<!tpu.dma_semaphore, #tpu.memory_space<semaphore_mem>>) src(%dma_wait3A_351 : memref<1000000x64xf32, #tpu.memory_space<hbm>>) dst(%dma_wait3A_345 : memref<50x64xf32, #tpu.memory_space<vmem>>)
    %dma_wait3A_352 = arith.constant 0 : i32
    %dma_wait3A_353 = arith.constant 6 : i32
    %dma_wait3A_354 = arith.constant 0 : i32
    %dma_wait3A_355 = arith.constant 6 : i32
    %dma_wait3A_356 = arith.constant 0 : i32
    %dma_wait3A_357 = arith.constant 0 : i32
    %dma_wait3A_358 = tpu.memref_slice %arg6[%dma_wait3A_354, %dma_wait3A_355, %dma_wait3A_356, %dma_wait3A_357] : memref<2x16x50x64xf32, #tpu.memory_space<vmem>> -> memref<1x1x50x64xf32, #tpu.memory_space<vmem>>
    %dma_wait3A_359 = tpu.memref_squeeze %dma_wait3A_358 : memref<1x1x50x64xf32, #tpu.memory_space<vmem>> -> memref<50x64xf32, #tpu.memory_space<vmem>>
    %dma_wait3A_360 = arith.constant 0 : i32
    %dma_wait3A_361 = tpu.memref_slice %arg5[%dma_wait3A_352, %dma_wait3A_353, %dma_wait3A_360] : memref<2x16x50xi32, #tpu.memory_space<vmem>> -> memref<1x1x50xi32, #tpu.memory_space<vmem>>
    %dma_wait3A_362 = tpu.memref_squeeze %dma_wait3A_361 : memref<1x1x50xi32, #tpu.memory_space<vmem>> -> memref<50xi32, #tpu.memory_space<vmem>>
    %dma_wait3A_363 = arith.constant 0 : i32
    %dma_wait3A_364 = arith.constant 0 : i32
    %dma_wait3A_365 = tpu.memref_slice %arg3[%dma_wait3A_363, %dma_wait3A_364] : memref<1000000x64xf32, #tpu.memory_space<hbm>> -> memref<1000000x64xf32, #tpu.memory_space<hbm>>
    tpu.wait_indirect_dma semaphore(%arg11 : memref<!tpu.dma_semaphore, #tpu.memory_space<semaphore_mem>>) src(%dma_wait3A_365 : memref<1000000x64xf32, #tpu.memory_space<hbm>>) dst(%dma_wait3A_359 : memref<50x64xf32, #tpu.memory_space<vmem>>)
    %dma_wait3A_366 = arith.constant 0 : i32
    %dma_wait3A_367 = arith.constant 7 : i32
    %dma_wait3A_368 = arith.constant 0 : i32
    %dma_wait3A_369 = arith.constant 7 : i32
    %dma_wait3A_370 = arith.constant 0 : i32
    %dma_wait3A_371 = arith.constant 0 : i32
    %dma_wait3A_372 = tpu.memref_slice %arg6[%dma_wait3A_368, %dma_wait3A_369, %dma_wait3A_370, %dma_wait3A_371] : memref<2x16x50x64xf32, #tpu.memory_space<vmem>> -> memref<1x1x50x64xf32, #tpu.memory_space<vmem>>
    %dma_wait3A_373 = tpu.memref_squeeze %dma_wait3A_372 : memref<1x1x50x64xf32, #tpu.memory_space<vmem>> -> memref<50x64xf32, #tpu.memory_space<vmem>>
    %dma_wait3A_374 = arith.constant 0 : i32
    %dma_wait3A_375 = tpu.memref_slice %arg5[%dma_wait3A_366, %dma_wait3A_367, %dma_wait3A_374] : memref<2x16x50xi32, #tpu.memory_space<vmem>> -> memref<1x1x50xi32, #tpu.memory_space<vmem>>
    %dma_wait3A_376 = tpu.memref_squeeze %dma_wait3A_375 : memref<1x1x50xi32, #tpu.memory_space<vmem>> -> memref<50xi32, #tpu.memory_space<vmem>>
    %dma_wait3A_377 = arith.constant 0 : i32
    %dma_wait3A_378 = arith.constant 0 : i32
    %dma_wait3A_379 = tpu.memref_slice %arg3[%dma_wait3A_377, %dma_wait3A_378] : memref<1000000x64xf32, #tpu.memory_space<hbm>> -> memref<1000000x64xf32, #tpu.memory_space<hbm>>
    tpu.wait_indirect_dma semaphore(%arg11 : memref<!tpu.dma_semaphore, #tpu.memory_space<semaphore_mem>>) src(%dma_wait3A_379 : memref<1000000x64xf32, #tpu.memory_space<hbm>>) dst(%dma_wait3A_373 : memref<50x64xf32, #tpu.memory_space<vmem>>)
    %dma_wait3A_380 = arith.constant 0 : i32
    %dma_wait3A_381 = arith.constant 8 : i32
    %dma_wait3A_382 = arith.constant 0 : i32
    %dma_wait3A_383 = arith.constant 8 : i32
    %dma_wait3A_384 = arith.constant 0 : i32
    %dma_wait3A_385 = arith.constant 0 : i32
    %dma_wait3A_386 = tpu.memref_slice %arg6[%dma_wait3A_382, %dma_wait3A_383, %dma_wait3A_384, %dma_wait3A_385] : memref<2x16x50x64xf32, #tpu.memory_space<vmem>> -> memref<1x1x50x64xf32, #tpu.memory_space<vmem>>
    %dma_wait3A_387 = tpu.memref_squeeze %dma_wait3A_386 : memref<1x1x50x64xf32, #tpu.memory_space<vmem>> -> memref<50x64xf32, #tpu.memory_space<vmem>>
    %dma_wait3A_388 = arith.constant 0 : i32
    %dma_wait3A_389 = tpu.memref_slice %arg5[%dma_wait3A_380, %dma_wait3A_381, %dma_wait3A_388] : memref<2x16x50xi32, #tpu.memory_space<vmem>> -> memref<1x1x50xi32, #tpu.memory_space<vmem>>
    %dma_wait3A_390 = tpu.memref_squeeze %dma_wait3A_389 : memref<1x1x50xi32, #tpu.memory_space<vmem>> -> memref<50xi32, #tpu.memory_space<vmem>>
    %dma_wait3A_391 = arith.constant 0 : i32
    %dma_wait3A_392 = arith.constant 0 : i32
    %dma_wait3A_393 = tpu.memref_slice %arg3[%dma_wait3A_391, %dma_wait3A_392] : memref<1000000x64xf32, #tpu.memory_space<hbm>> -> memref<1000000x64xf32, #tpu.memory_space<hbm>>
    tpu.wait_indirect_dma semaphore(%arg11 : memref<!tpu.dma_semaphore, #tpu.memory_space<semaphore_mem>>) src(%dma_wait3A_393 : memref<1000000x64xf32, #tpu.memory_space<hbm>>) dst(%dma_wait3A_387 : memref<50x64xf32, #tpu.memory_space<vmem>>)
    %dma_wait3A_394 = arith.constant 0 : i32
    %dma_wait3A_395 = arith.constant 9 : i32
    %dma_wait3A_396 = arith.constant 0 : i32
    %dma_wait3A_397 = arith.constant 9 : i32
    %dma_wait3A_398 = arith.constant 0 : i32
    %dma_wait3A_399 = arith.constant 0 : i32
    %dma_wait3A_400 = tpu.memref_slice %arg6[%dma_wait3A_396, %dma_wait3A_397, %dma_wait3A_398, %dma_wait3A_399] : memref<2x16x50x64xf32, #tpu.memory_space<vmem>> -> memref<1x1x50x64xf32, #tpu.memory_space<vmem>>
    %dma_wait3A_401 = tpu.memref_squeeze %dma_wait3A_400 : memref<1x1x50x64xf32, #tpu.memory_space<vmem>> -> memref<50x64xf32, #tpu.memory_space<vmem>>
    %dma_wait3A_402 = arith.constant 0 : i32
    %dma_wait3A_403 = tpu.memref_slice %arg5[%dma_wait3A_394, %dma_wait3A_395, %dma_wait3A_402] : memref<2x16x50xi32, #tpu.memory_space<vmem>> -> memref<1x1x50xi32, #tpu.memory_space<vmem>>
    %dma_wait3A_404 = tpu.memref_squeeze %dma_wait3A_403 : memref<1x1x50xi32, #tpu.memory_space<vmem>> -> memref<50xi32, #tpu.memory_space<vmem>>
    %dma_wait3A_405 = arith.constant 0 : i32
    %dma_wait3A_406 = arith.constant 0 : i32
    %dma_wait3A_407 = tpu.memref_slice %arg3[%dma_wait3A_405, %dma_wait3A_406] : memref<1000000x64xf32, #tpu.memory_space<hbm>> -> memref<1000000x64xf32, #tpu.memory_space<hbm>>
    tpu.wait_indirect_dma semaphore(%arg11 : memref<!tpu.dma_semaphore, #tpu.memory_space<semaphore_mem>>) src(%dma_wait3A_407 : memref<1000000x64xf32, #tpu.memory_space<hbm>>) dst(%dma_wait3A_401 : memref<50x64xf32, #tpu.memory_space<vmem>>)
    %dma_wait3A_408 = arith.constant 0 : i32
    %dma_wait3A_409 = arith.constant 10 : i32
    %dma_wait3A_410 = arith.constant 0 : i32
    %dma_wait3A_411 = arith.constant 10 : i32
    %dma_wait3A_412 = arith.constant 0 : i32
    %dma_wait3A_413 = arith.constant 0 : i32
    %dma_wait3A_414 = tpu.memref_slice %arg6[%dma_wait3A_410, %dma_wait3A_411, %dma_wait3A_412, %dma_wait3A_413] : memref<2x16x50x64xf32, #tpu.memory_space<vmem>> -> memref<1x1x50x64xf32, #tpu.memory_space<vmem>>
    %dma_wait3A_415 = tpu.memref_squeeze %dma_wait3A_414 : memref<1x1x50x64xf32, #tpu.memory_space<vmem>> -> memref<50x64xf32, #tpu.memory_space<vmem>>
    %dma_wait3A_416 = arith.constant 0 : i32
    %dma_wait3A_417 = tpu.memref_slice %arg5[%dma_wait3A_408, %dma_wait3A_409, %dma_wait3A_416] : memref<2x16x50xi32, #tpu.memory_space<vmem>> -> memref<1x1x50xi32, #tpu.memory_space<vmem>>
    %dma_wait3A_418 = tpu.memref_squeeze %dma_wait3A_417 : memref<1x1x50xi32, #tpu.memory_space<vmem>> -> memref<50xi32, #tpu.memory_space<vmem>>
    %dma_wait3A_419 = arith.constant 0 : i32
    %dma_wait3A_420 = arith.constant 0 : i32
    %dma_wait3A_421 = tpu.memref_slice %arg3[%dma_wait3A_419, %dma_wait3A_420] : memref<1000000x64xf32, #tpu.memory_space<hbm>> -> memref<1000000x64xf32, #tpu.memory_space<hbm>>
    tpu.wait_indirect_dma semaphore(%arg11 : memref<!tpu.dma_semaphore, #tpu.memory_space<semaphore_mem>>) src(%dma_wait3A_421 : memref<1000000x64xf32, #tpu.memory_space<hbm>>) dst(%dma_wait3A_415 : memref<50x64xf32, #tpu.memory_space<vmem>>)
    %dma_wait3A_422 = arith.constant 0 : i32
    %dma_wait3A_423 = arith.constant 11 : i32
    %dma_wait3A_424 = arith.constant 0 : i32
    %dma_wait3A_425 = arith.constant 11 : i32
    %dma_wait3A_426 = arith.constant 0 : i32
    %dma_wait3A_427 = arith.constant 0 : i32
    %dma_wait3A_428 = tpu.memref_slice %arg6[%dma_wait3A_424, %dma_wait3A_425, %dma_wait3A_426, %dma_wait3A_427] : memref<2x16x50x64xf32, #tpu.memory_space<vmem>> -> memref<1x1x50x64xf32, #tpu.memory_space<vmem>>
    %dma_wait3A_429 = tpu.memref_squeeze %dma_wait3A_428 : memref<1x1x50x64xf32, #tpu.memory_space<vmem>> -> memref<50x64xf32, #tpu.memory_space<vmem>>
    %dma_wait3A_430 = arith.constant 0 : i32
    %dma_wait3A_431 = tpu.memref_slice %arg5[%dma_wait3A_422, %dma_wait3A_423, %dma_wait3A_430] : memref<2x16x50xi32, #tpu.memory_space<vmem>> -> memref<1x1x50xi32, #tpu.memory_space<vmem>>
    %dma_wait3A_432 = tpu.memref_squeeze %dma_wait3A_431 : memref<1x1x50xi32, #tpu.memory_space<vmem>> -> memref<50xi32, #tpu.memory_space<vmem>>
    %dma_wait3A_433 = arith.constant 0 : i32
    %dma_wait3A_434 = arith.constant 0 : i32
    %dma_wait3A_435 = tpu.memref_slice %arg3[%dma_wait3A_433, %dma_wait3A_434] : memref<1000000x64xf32, #tpu.memory_space<hbm>> -> memref<1000000x64xf32, #tpu.memory_space<hbm>>
    tpu.wait_indirect_dma semaphore(%arg11 : memref<!tpu.dma_semaphore, #tpu.memory_space<semaphore_mem>>) src(%dma_wait3A_435 : memref<1000000x64xf32, #tpu.memory_space<hbm>>) dst(%dma_wait3A_429 : memref<50x64xf32, #tpu.memory_space<vmem>>)
    %dma_wait3A_436 = arith.constant 0 : i32
    %dma_wait3A_437 = arith.constant 12 : i32
    %dma_wait3A_438 = arith.constant 0 : i32
    %dma_wait3A_439 = arith.constant 12 : i32
    %dma_wait3A_440 = arith.constant 0 : i32
    %dma_wait3A_441 = arith.constant 0 : i32
    %dma_wait3A_442 = tpu.memref_slice %arg6[%dma_wait3A_438, %dma_wait3A_439, %dma_wait3A_440, %dma_wait3A_441] : memref<2x16x50x64xf32, #tpu.memory_space<vmem>> -> memref<1x1x50x64xf32, #tpu.memory_space<vmem>>
    %dma_wait3A_443 = tpu.memref_squeeze %dma_wait3A_442 : memref<1x1x50x64xf32, #tpu.memory_space<vmem>> -> memref<50x64xf32, #tpu.memory_space<vmem>>
    %dma_wait3A_444 = arith.constant 0 : i32
    %dma_wait3A_445 = tpu.memref_slice %arg5[%dma_wait3A_436, %dma_wait3A_437, %dma_wait3A_444] : memref<2x16x50xi32, #tpu.memory_space<vmem>> -> memref<1x1x50xi32, #tpu.memory_space<vmem>>
    %dma_wait3A_446 = tpu.memref_squeeze %dma_wait3A_445 : memref<1x1x50xi32, #tpu.memory_space<vmem>> -> memref<50xi32, #tpu.memory_space<vmem>>
    %dma_wait3A_447 = arith.constant 0 : i32
    %dma_wait3A_448 = arith.constant 0 : i32
    %dma_wait3A_449 = tpu.memref_slice %arg3[%dma_wait3A_447, %dma_wait3A_448] : memref<1000000x64xf32, #tpu.memory_space<hbm>> -> memref<1000000x64xf32, #tpu.memory_space<hbm>>
    tpu.wait_indirect_dma semaphore(%arg11 : memref<!tpu.dma_semaphore, #tpu.memory_space<semaphore_mem>>) src(%dma_wait3A_449 : memref<1000000x64xf32, #tpu.memory_space<hbm>>) dst(%dma_wait3A_443 : memref<50x64xf32, #tpu.memory_space<vmem>>)
    %dma_wait3A_450 = arith.constant 0 : i32
    %dma_wait3A_451 = arith.constant 13 : i32
    %dma_wait3A_452 = arith.constant 0 : i32
    %dma_wait3A_453 = arith.constant 13 : i32
    %dma_wait3A_454 = arith.constant 0 : i32
    %dma_wait3A_455 = arith.constant 0 : i32
    %dma_wait3A_456 = tpu.memref_slice %arg6[%dma_wait3A_452, %dma_wait3A_453, %dma_wait3A_454, %dma_wait3A_455] : memref<2x16x50x64xf32, #tpu.memory_space<vmem>> -> memref<1x1x50x64xf32, #tpu.memory_space<vmem>>
    %dma_wait3A_457 = tpu.memref_squeeze %dma_wait3A_456 : memref<1x1x50x64xf32, #tpu.memory_space<vmem>> -> memref<50x64xf32, #tpu.memory_space<vmem>>
    %dma_wait3A_458 = arith.constant 0 : i32
    %dma_wait3A_459 = tpu.memref_slice %arg5[%dma_wait3A_450, %dma_wait3A_451, %dma_wait3A_458] : memref<2x16x50xi32, #tpu.memory_space<vmem>> -> memref<1x1x50xi32, #tpu.memory_space<vmem>>
    %dma_wait3A_460 = tpu.memref_squeeze %dma_wait3A_459 : memref<1x1x50xi32, #tpu.memory_space<vmem>> -> memref<50xi32, #tpu.memory_space<vmem>>
    %dma_wait3A_461 = arith.constant 0 : i32
    %dma_wait3A_462 = arith.constant 0 : i32
    %dma_wait3A_463 = tpu.memref_slice %arg3[%dma_wait3A_461, %dma_wait3A_462] : memref<1000000x64xf32, #tpu.memory_space<hbm>> -> memref<1000000x64xf32, #tpu.memory_space<hbm>>
    tpu.wait_indirect_dma semaphore(%arg11 : memref<!tpu.dma_semaphore, #tpu.memory_space<semaphore_mem>>) src(%dma_wait3A_463 : memref<1000000x64xf32, #tpu.memory_space<hbm>>) dst(%dma_wait3A_457 : memref<50x64xf32, #tpu.memory_space<vmem>>)
    %dma_wait3A_464 = arith.constant 0 : i32
    %dma_wait3A_465 = arith.constant 14 : i32
    %dma_wait3A_466 = arith.constant 0 : i32
    %dma_wait3A_467 = arith.constant 14 : i32
    %dma_wait3A_468 = arith.constant 0 : i32
    %dma_wait3A_469 = arith.constant 0 : i32
    %dma_wait3A_470 = tpu.memref_slice %arg6[%dma_wait3A_466, %dma_wait3A_467, %dma_wait3A_468, %dma_wait3A_469] : memref<2x16x50x64xf32, #tpu.memory_space<vmem>> -> memref<1x1x50x64xf32, #tpu.memory_space<vmem>>
    %dma_wait3A_471 = tpu.memref_squeeze %dma_wait3A_470 : memref<1x1x50x64xf32, #tpu.memory_space<vmem>> -> memref<50x64xf32, #tpu.memory_space<vmem>>
    %dma_wait3A_472 = arith.constant 0 : i32
    %dma_wait3A_473 = tpu.memref_slice %arg5[%dma_wait3A_464, %dma_wait3A_465, %dma_wait3A_472] : memref<2x16x50xi32, #tpu.memory_space<vmem>> -> memref<1x1x50xi32, #tpu.memory_space<vmem>>
    %dma_wait3A_474 = tpu.memref_squeeze %dma_wait3A_473 : memref<1x1x50xi32, #tpu.memory_space<vmem>> -> memref<50xi32, #tpu.memory_space<vmem>>
    %dma_wait3A_475 = arith.constant 0 : i32
    %dma_wait3A_476 = arith.constant 0 : i32
    %dma_wait3A_477 = tpu.memref_slice %arg3[%dma_wait3A_475, %dma_wait3A_476] : memref<1000000x64xf32, #tpu.memory_space<hbm>> -> memref<1000000x64xf32, #tpu.memory_space<hbm>>
    tpu.wait_indirect_dma semaphore(%arg11 : memref<!tpu.dma_semaphore, #tpu.memory_space<semaphore_mem>>) src(%dma_wait3A_477 : memref<1000000x64xf32, #tpu.memory_space<hbm>>) dst(%dma_wait3A_471 : memref<50x64xf32, #tpu.memory_space<vmem>>)
    %dma_wait3A_478 = arith.constant 0 : i32
    %dma_wait3A_479 = arith.constant 15 : i32
    %dma_wait3A_480 = arith.constant 0 : i32
    %dma_wait3A_481 = arith.constant 15 : i32
    %dma_wait3A_482 = arith.constant 0 : i32
    %dma_wait3A_483 = arith.constant 0 : i32
    %dma_wait3A_484 = tpu.memref_slice %arg6[%dma_wait3A_480, %dma_wait3A_481, %dma_wait3A_482, %dma_wait3A_483] : memref<2x16x50x64xf32, #tpu.memory_space<vmem>> -> memref<1x1x50x64xf32, #tpu.memory_space<vmem>>
    %dma_wait3A_485 = tpu.memref_squeeze %dma_wait3A_484 : memref<1x1x50x64xf32, #tpu.memory_space<vmem>> -> memref<50x64xf32, #tpu.memory_space<vmem>>
    %dma_wait3A_486 = arith.constant 0 : i32
    %dma_wait3A_487 = tpu.memref_slice %arg5[%dma_wait3A_478, %dma_wait3A_479, %dma_wait3A_486] : memref<2x16x50xi32, #tpu.memory_space<vmem>> -> memref<1x1x50xi32, #tpu.memory_space<vmem>>
    %dma_wait3A_488 = tpu.memref_squeeze %dma_wait3A_487 : memref<1x1x50xi32, #tpu.memory_space<vmem>> -> memref<50xi32, #tpu.memory_space<vmem>>
    %dma_wait3A_489 = arith.constant 0 : i32
    %dma_wait3A_490 = arith.constant 0 : i32
    %dma_wait3A_491 = tpu.memref_slice %arg3[%dma_wait3A_489, %dma_wait3A_490] : memref<1000000x64xf32, #tpu.memory_space<hbm>> -> memref<1000000x64xf32, #tpu.memory_space<hbm>>
    tpu.wait_indirect_dma semaphore(%arg11 : memref<!tpu.dma_semaphore, #tpu.memory_space<semaphore_mem>>) src(%dma_wait3A_491 : memref<1000000x64xf32, #tpu.memory_space<hbm>>) dst(%dma_wait3A_485 : memref<50x64xf32, #tpu.memory_space<vmem>>)
    %add3A_492 = arith.constant 0 : i32
    %add3A_493 = arith.addi %mul3A_2, %add3A_492 : i32
    %dma_start3A_494 = arith.constant 0 : i32
    %dma_start3A_495 = arith.constant 0 : i32
    %dma_start3A_496 = arith.constant 0 : i32
    %dma_start3A_497 = arith.constant 0 : i32
    %dma_start3A_498 = tpu.memref_slice %arg6[%dma_start3A_494, %dma_start3A_495, %dma_start3A_496, %dma_start3A_497] : memref<2x16x50x64xf32, #tpu.memory_space<vmem>> -> memref<1x16x50x64xf32, #tpu.memory_space<vmem>>
    %dma_start3A_499 = tpu.memref_squeeze %dma_start3A_498 : memref<1x16x50x64xf32, #tpu.memory_space<vmem>> -> memref<16x50x64xf32, #tpu.memory_space<vmem>>
    %dma_start3A_500 = arith.constant 0 : i32
    %dma_start3A_501 = arith.constant 0 : i32
    %dma_start3A_502 = tpu.memref_slice %arg4[%add3A_493, %dma_start3A_500, %dma_start3A_501] : memref<16384x50x64xf32, #tpu.memory_space<hbm>> -> memref<16x50x64xf32, #tpu.memory_space<hbm>>
    %dma_start3A_503 = arith.constant 0 : i32
    %dma_start3A_504 = arith.constant 0 : i32
    %dma_start3A_505 = tpu.memref_slice %arg4[%add3A_493, %dma_start3A_503, %dma_start3A_504] : memref<16384x50x64xf32, #tpu.memory_space<hbm>> -> memref<16x50x64xf32, #tpu.memory_space<hbm>>
    %dma_start3A_506 = arith.constant 0 : i32
    %dma_start3A_507 = arith.constant 0 : i32
    %dma_start3A_508 = arith.constant 0 : i32
    %dma_start3A_509 = tpu.memref_slice %arg6[%dma_start3A_494, %dma_start3A_506, %dma_start3A_507, %dma_start3A_508] : memref<2x16x50x64xf32, #tpu.memory_space<vmem>> -> memref<1x16x50x64xf32, #tpu.memory_space<vmem>>
    %dma_start3A_510 = tpu.memref_squeeze %dma_start3A_509 : memref<1x16x50x64xf32, #tpu.memory_space<vmem>> -> memref<16x50x64xf32, #tpu.memory_space<vmem>>
    tpu.enqueue_dma source(%dma_start3A_510 : memref<16x50x64xf32, #tpu.memory_space<vmem>>) target(%dma_start3A_505 : memref<16x50x64xf32, #tpu.memory_space<hbm>>) target_semaphore(%arg9 : memref<!tpu.dma_semaphore, #tpu.memory_space<semaphore_mem>>)
    %add3A_511 = arith.constant 32 : i32
    %add3A_512 = arith.addi %mul3A_2, %add3A_511 : i32
    %dma_start3A_513 = arith.constant 0 : i32
    %dma_start3A_514 = arith.constant 0 : i32
    %dma_start3A_515 = arith.constant 0 : i32
    %dma_start3A_516 = tpu.memref_slice %arg5[%dma_start3A_513, %dma_start3A_514, %dma_start3A_515] : memref<2x16x50xi32, #tpu.memory_space<vmem>> -> memref<1x16x50xi32, #tpu.memory_space<vmem>>
    %dma_start3A_517 = tpu.memref_squeeze %dma_start3A_516 : memref<1x16x50xi32, #tpu.memory_space<vmem>> -> memref<16x50xi32, #tpu.memory_space<vmem>>
    %dma_start3A_518 = arith.constant 0 : i32
    %dma_start3A_519 = tpu.memref_slice %arg2[%add3A_512, %dma_start3A_518] : memref<16384x50xi32, #tpu.memory_space<hbm>> -> memref<16x50xi32, #tpu.memory_space<hbm>>
    %dma_start3A_520 = arith.constant 0 : i32
    %dma_start3A_521 = arith.constant 0 : i32
    %dma_start3A_522 = tpu.memref_slice %arg5[%dma_start3A_513, %dma_start3A_520, %dma_start3A_521] : memref<2x16x50xi32, #tpu.memory_space<vmem>> -> memref<1x16x50xi32, #tpu.memory_space<vmem>>
    %dma_start3A_523 = tpu.memref_squeeze %dma_start3A_522 : memref<1x16x50xi32, #tpu.memory_space<vmem>> -> memref<16x50xi32, #tpu.memory_space<vmem>>
    %dma_start3A_524 = arith.constant 0 : i32
    %dma_start3A_525 = tpu.memref_slice %arg2[%add3A_512, %dma_start3A_524] : memref<16384x50xi32, #tpu.memory_space<hbm>> -> memref<16x50xi32, #tpu.memory_space<hbm>>
    tpu.enqueue_dma source(%dma_start3A_525 : memref<16x50xi32, #tpu.memory_space<hbm>>) target(%dma_start3A_523 : memref<16x50xi32, #tpu.memory_space<vmem>>) target_semaphore(%arg7 : memref<!tpu.dma_semaphore, #tpu.memory_space<semaphore_mem>>)
    %dma_wait3A_526 = arith.constant 1 : i32
    %dma_wait3A_527 = arith.constant 0 : i32
    %dma_wait3A_528 = arith.constant 0 : i32
    %dma_wait3A_529 = tpu.memref_slice %arg5[%dma_wait3A_526, %dma_wait3A_527, %dma_wait3A_528] : memref<2x16x50xi32, #tpu.memory_space<vmem>> -> memref<1x16x50xi32, #tpu.memory_space<vmem>>
    %dma_wait3A_530 = tpu.memref_squeeze %dma_wait3A_529 : memref<1x16x50xi32, #tpu.memory_space<vmem>> -> memref<16x50xi32, #tpu.memory_space<vmem>>
    %dma_wait3A_531 = arith.constant 0 : i32
    %dma_wait3A_532 = tpu.memref_slice %arg2[%mul3A_2, %dma_wait3A_531] : memref<16384x50xi32, #tpu.memory_space<hbm>> -> memref<16x50xi32, #tpu.memory_space<hbm>>
    %dma_wait3A_533 = arith.constant 0 : i32
    %dma_wait3A_534 = arith.constant 0 : i32
    %dma_wait3A_535 = tpu.memref_slice %arg5[%dma_wait3A_526, %dma_wait3A_533, %dma_wait3A_534] : memref<2x16x50xi32, #tpu.memory_space<vmem>> -> memref<1x16x50xi32, #tpu.memory_space<vmem>>
    %dma_wait3A_536 = tpu.memref_squeeze %dma_wait3A_535 : memref<1x16x50xi32, #tpu.memory_space<vmem>> -> memref<16x50xi32, #tpu.memory_space<vmem>>
    %dma_wait3A_537 = arith.constant 0 : i32
    %dma_wait3A_538 = tpu.memref_slice %arg2[%mul3A_2, %dma_wait3A_537] : memref<16384x50xi32, #tpu.memory_space<hbm>> -> memref<16x50xi32, #tpu.memory_space<hbm>>
    tpu.wait_dma2 semaphore(%arg8 : memref<!tpu.dma_semaphore, #tpu.memory_space<semaphore_mem>>) src(%dma_wait3A_538 : memref<16x50xi32, #tpu.memory_space<hbm>>) dst(%dma_wait3A_536 : memref<16x50xi32, #tpu.memory_space<vmem>>)
    %dma_start3A_539 = arith.constant 1 : i32
    %dma_start3A_540 = arith.constant 0 : i32
    %dma_start3A_541 = arith.constant 1 : i32
    %dma_start3A_542 = arith.constant 0 : i32
    %dma_start3A_543 = arith.constant 0 : i32
    %dma_start3A_544 = arith.constant 0 : i32
    %dma_start3A_545 = tpu.memref_slice %arg6[%dma_start3A_541, %dma_start3A_542, %dma_start3A_543, %dma_start3A_544] : memref<2x16x50x64xf32, #tpu.memory_space<vmem>> -> memref<1x1x50x64xf32, #tpu.memory_space<vmem>>
    %dma_start3A_546 = tpu.memref_squeeze %dma_start3A_545 : memref<1x1x50x64xf32, #tpu.memory_space<vmem>> -> memref<50x64xf32, #tpu.memory_space<vmem>>
    %dma_start3A_547 = arith.constant 0 : i32
    %dma_start3A_548 = tpu.memref_slice %arg5[%dma_start3A_539, %dma_start3A_540, %dma_start3A_547] : memref<2x16x50xi32, #tpu.memory_space<vmem>> -> memref<1x1x50xi32, #tpu.memory_space<vmem>>
    %dma_start3A_549 = tpu.memref_squeeze %dma_start3A_548 : memref<1x1x50xi32, #tpu.memory_space<vmem>> -> memref<50xi32, #tpu.memory_space<vmem>>
    %dma_start3A_550 = arith.constant 0 : i32
    %dma_start3A_551 = arith.constant 0 : i32
    %dma_start3A_552 = tpu.memref_slice %arg3[%dma_start3A_550, %dma_start3A_551] : memref<1000000x64xf32, #tpu.memory_space<hbm>> -> memref<1000000x64xf32, #tpu.memory_space<hbm>>
    tpu.enqueue_indirect_dma source(%dma_start3A_552 : memref<1000000x64xf32, #tpu.memory_space<hbm>>) target(%dma_start3A_546 : memref<50x64xf32, #tpu.memory_space<vmem>>) offsets(%dma_start3A_549 : memref<50xi32, #tpu.memory_space<vmem>>) semaphore(%arg11 : memref<!tpu.dma_semaphore, #tpu.memory_space<semaphore_mem>>)
    %dma_start3A_553 = arith.constant 1 : i32
    %dma_start3A_554 = arith.constant 1 : i32
    %dma_start3A_555 = arith.constant 1 : i32
    %dma_start3A_556 = arith.constant 1 : i32
    %dma_start3A_557 = arith.constant 0 : i32
    %dma_start3A_558 = arith.constant 0 : i32
    %dma_start3A_559 = tpu.memref_slice %arg6[%dma_start3A_555, %dma_start3A_556, %dma_start3A_557, %dma_start3A_558] : memref<2x16x50x64xf32, #tpu.memory_space<vmem>> -> memref<1x1x50x64xf32, #tpu.memory_space<vmem>>
    %dma_start3A_560 = tpu.memref_squeeze %dma_start3A_559 : memref<1x1x50x64xf32, #tpu.memory_space<vmem>> -> memref<50x64xf32, #tpu.memory_space<vmem>>
    %dma_start3A_561 = arith.constant 0 : i32
    %dma_start3A_562 = tpu.memref_slice %arg5[%dma_start3A_553, %dma_start3A_554, %dma_start3A_561] : memref<2x16x50xi32, #tpu.memory_space<vmem>> -> memref<1x1x50xi32, #tpu.memory_space<vmem>>
    %dma_start3A_563 = tpu.memref_squeeze %dma_start3A_562 : memref<1x1x50xi32, #tpu.memory_space<vmem>> -> memref<50xi32, #tpu.memory_space<vmem>>
    %dma_start3A_564 = arith.constant 0 : i32
    %dma_start3A_565 = arith.constant 0 : i32
    %dma_start3A_566 = tpu.memref_slice %arg3[%dma_start3A_564, %dma_start3A_565] : memref<1000000x64xf32, #tpu.memory_space<hbm>> -> memref<1000000x64xf32, #tpu.memory_space<hbm>>
    tpu.enqueue_indirect_dma source(%dma_start3A_566 : memref<1000000x64xf32, #tpu.memory_space<hbm>>) target(%dma_start3A_560 : memref<50x64xf32, #tpu.memory_space<vmem>>) offsets(%dma_start3A_563 : memref<50xi32, #tpu.memory_space<vmem>>) semaphore(%arg11 : memref<!tpu.dma_semaphore, #tpu.memory_space<semaphore_mem>>)
    %dma_start3A_567 = arith.constant 1 : i32
    %dma_start3A_568 = arith.constant 2 : i32
    %dma_start3A_569 = arith.constant 1 : i32
    %dma_start3A_570 = arith.constant 2 : i32
    %dma_start3A_571 = arith.constant 0 : i32
    %dma_start3A_572 = arith.constant 0 : i32
    %dma_start3A_573 = tpu.memref_slice %arg6[%dma_start3A_569, %dma_start3A_570, %dma_start3A_571, %dma_start3A_572] : memref<2x16x50x64xf32, #tpu.memory_space<vmem>> -> memref<1x1x50x64xf32, #tpu.memory_space<vmem>>
    %dma_start3A_574 = tpu.memref_squeeze %dma_start3A_573 : memref<1x1x50x64xf32, #tpu.memory_space<vmem>> -> memref<50x64xf32, #tpu.memory_space<vmem>>
    %dma_start3A_575 = arith.constant 0 : i32
    %dma_start3A_576 = tpu.memref_slice %arg5[%dma_start3A_567, %dma_start3A_568, %dma_start3A_575] : memref<2x16x50xi32, #tpu.memory_space<vmem>> -> memref<1x1x50xi32, #tpu.memory_space<vmem>>
    %dma_start3A_577 = tpu.memref_squeeze %dma_start3A_576 : memref<1x1x50xi32, #tpu.memory_space<vmem>> -> memref<50xi32, #tpu.memory_space<vmem>>
    %dma_start3A_578 = arith.constant 0 : i32
    %dma_start3A_579 = arith.constant 0 : i32
    %dma_start3A_580 = tpu.memref_slice %arg3[%dma_start3A_578, %dma_start3A_579] : memref<1000000x64xf32, #tpu.memory_space<hbm>> -> memref<1000000x64xf32, #tpu.memory_space<hbm>>
    tpu.enqueue_indirect_dma source(%dma_start3A_580 : memref<1000000x64xf32, #tpu.memory_space<hbm>>) target(%dma_start3A_574 : memref<50x64xf32, #tpu.memory_space<vmem>>) offsets(%dma_start3A_577 : memref<50xi32, #tpu.memory_space<vmem>>) semaphore(%arg11 : memref<!tpu.dma_semaphore, #tpu.memory_space<semaphore_mem>>)
    %dma_start3A_581 = arith.constant 1 : i32
    %dma_start3A_582 = arith.constant 3 : i32
    %dma_start3A_583 = arith.constant 1 : i32
    %dma_start3A_584 = arith.constant 3 : i32
    %dma_start3A_585 = arith.constant 0 : i32
    %dma_start3A_586 = arith.constant 0 : i32
    %dma_start3A_587 = tpu.memref_slice %arg6[%dma_start3A_583, %dma_start3A_584, %dma_start3A_585, %dma_start3A_586] : memref<2x16x50x64xf32, #tpu.memory_space<vmem>> -> memref<1x1x50x64xf32, #tpu.memory_space<vmem>>
    %dma_start3A_588 = tpu.memref_squeeze %dma_start3A_587 : memref<1x1x50x64xf32, #tpu.memory_space<vmem>> -> memref<50x64xf32, #tpu.memory_space<vmem>>
    %dma_start3A_589 = arith.constant 0 : i32
    %dma_start3A_590 = tpu.memref_slice %arg5[%dma_start3A_581, %dma_start3A_582, %dma_start3A_589] : memref<2x16x50xi32, #tpu.memory_space<vmem>> -> memref<1x1x50xi32, #tpu.memory_space<vmem>>
    %dma_start3A_591 = tpu.memref_squeeze %dma_start3A_590 : memref<1x1x50xi32, #tpu.memory_space<vmem>> -> memref<50xi32, #tpu.memory_space<vmem>>
    %dma_start3A_592 = arith.constant 0 : i32
    %dma_start3A_593 = arith.constant 0 : i32
    %dma_start3A_594 = tpu.memref_slice %arg3[%dma_start3A_592, %dma_start3A_593] : memref<1000000x64xf32, #tpu.memory_space<hbm>> -> memref<1000000x64xf32, #tpu.memory_space<hbm>>
    tpu.enqueue_indirect_dma source(%dma_start3A_594 : memref<1000000x64xf32, #tpu.memory_space<hbm>>) target(%dma_start3A_588 : memref<50x64xf32, #tpu.memory_space<vmem>>) offsets(%dma_start3A_591 : memref<50xi32, #tpu.memory_space<vmem>>) semaphore(%arg11 : memref<!tpu.dma_semaphore, #tpu.memory_space<semaphore_mem>>)
    %dma_start3A_595 = arith.constant 1 : i32
    %dma_start3A_596 = arith.constant 4 : i32
    %dma_start3A_597 = arith.constant 1 : i32
    %dma_start3A_598 = arith.constant 4 : i32
    %dma_start3A_599 = arith.constant 0 : i32
    %dma_start3A_600 = arith.constant 0 : i32
    %dma_start3A_601 = tpu.memref_slice %arg6[%dma_start3A_597, %dma_start3A_598, %dma_start3A_599, %dma_start3A_600] : memref<2x16x50x64xf32, #tpu.memory_space<vmem>> -> memref<1x1x50x64xf32, #tpu.memory_space<vmem>>
    %dma_start3A_602 = tpu.memref_squeeze %dma_start3A_601 : memref<1x1x50x64xf32, #tpu.memory_space<vmem>> -> memref<50x64xf32, #tpu.memory_space<vmem>>
    %dma_start3A_603 = arith.constant 0 : i32
    %dma_start3A_604 = tpu.memref_slice %arg5[%dma_start3A_595, %dma_start3A_596, %dma_start3A_603] : memref<2x16x50xi32, #tpu.memory_space<vmem>> -> memref<1x1x50xi32, #tpu.memory_space<vmem>>
    %dma_start3A_605 = tpu.memref_squeeze %dma_start3A_604 : memref<1x1x50xi32, #tpu.memory_space<vmem>> -> memref<50xi32, #tpu.memory_space<vmem>>
    %dma_start3A_606 = arith.constant 0 : i32
    %dma_start3A_607 = arith.constant 0 : i32
    %dma_start3A_608 = tpu.memref_slice %arg3[%dma_start3A_606, %dma_start3A_607] : memref<1000000x64xf32, #tpu.memory_space<hbm>> -> memref<1000000x64xf32, #tpu.memory_space<hbm>>
    tpu.enqueue_indirect_dma source(%dma_start3A_608 : memref<1000000x64xf32, #tpu.memory_space<hbm>>) target(%dma_start3A_602 : memref<50x64xf32, #tpu.memory_space<vmem>>) offsets(%dma_start3A_605 : memref<50xi32, #tpu.memory_space<vmem>>) semaphore(%arg11 : memref<!tpu.dma_semaphore, #tpu.memory_space<semaphore_mem>>)
    %dma_start3A_609 = arith.constant 1 : i32
    %dma_start3A_610 = arith.constant 5 : i32
    %dma_start3A_611 = arith.constant 1 : i32
    %dma_start3A_612 = arith.constant 5 : i32
    %dma_start3A_613 = arith.constant 0 : i32
    %dma_start3A_614 = arith.constant 0 : i32
    %dma_start3A_615 = tpu.memref_slice %arg6[%dma_start3A_611, %dma_start3A_612, %dma_start3A_613, %dma_start3A_614] : memref<2x16x50x64xf32, #tpu.memory_space<vmem>> -> memref<1x1x50x64xf32, #tpu.memory_space<vmem>>
    %dma_start3A_616 = tpu.memref_squeeze %dma_start3A_615 : memref<1x1x50x64xf32, #tpu.memory_space<vmem>> -> memref<50x64xf32, #tpu.memory_space<vmem>>
    %dma_start3A_617 = arith.constant 0 : i32
    %dma_start3A_618 = tpu.memref_slice %arg5[%dma_start3A_609, %dma_start3A_610, %dma_start3A_617] : memref<2x16x50xi32, #tpu.memory_space<vmem>> -> memref<1x1x50xi32, #tpu.memory_space<vmem>>
    %dma_start3A_619 = tpu.memref_squeeze %dma_start3A_618 : memref<1x1x50xi32, #tpu.memory_space<vmem>> -> memref<50xi32, #tpu.memory_space<vmem>>
    %dma_start3A_620 = arith.constant 0 : i32
    %dma_start3A_621 = arith.constant 0 : i32
    %dma_start3A_622 = tpu.memref_slice %arg3[%dma_start3A_620, %dma_start3A_621] : memref<1000000x64xf32, #tpu.memory_space<hbm>> -> memref<1000000x64xf32, #tpu.memory_space<hbm>>
    tpu.enqueue_indirect_dma source(%dma_start3A_622 : memref<1000000x64xf32, #tpu.memory_space<hbm>>) target(%dma_start3A_616 : memref<50x64xf32, #tpu.memory_space<vmem>>) offsets(%dma_start3A_619 : memref<50xi32, #tpu.memory_space<vmem>>) semaphore(%arg11 : memref<!tpu.dma_semaphore, #tpu.memory_space<semaphore_mem>>)
    %dma_start3A_623 = arith.constant 1 : i32
    %dma_start3A_624 = arith.constant 6 : i32
    %dma_start3A_625 = arith.constant 1 : i32
    %dma_start3A_626 = arith.constant 6 : i32
    %dma_start3A_627 = arith.constant 0 : i32
    %dma_start3A_628 = arith.constant 0 : i32
    %dma_start3A_629 = tpu.memref_slice %arg6[%dma_start3A_625, %dma_start3A_626, %dma_start3A_627, %dma_start3A_628] : memref<2x16x50x64xf32, #tpu.memory_space<vmem>> -> memref<1x1x50x64xf32, #tpu.memory_space<vmem>>
    %dma_start3A_630 = tpu.memref_squeeze %dma_start3A_629 : memref<1x1x50x64xf32, #tpu.memory_space<vmem>> -> memref<50x64xf32, #tpu.memory_space<vmem>>
    %dma_start3A_631 = arith.constant 0 : i32
    %dma_start3A_632 = tpu.memref_slice %arg5[%dma_start3A_623, %dma_start3A_624, %dma_start3A_631] : memref<2x16x50xi32, #tpu.memory_space<vmem>> -> memref<1x1x50xi32, #tpu.memory_space<vmem>>
    %dma_start3A_633 = tpu.memref_squeeze %dma_start3A_632 : memref<1x1x50xi32, #tpu.memory_space<vmem>> -> memref<50xi32, #tpu.memory_space<vmem>>
    %dma_start3A_634 = arith.constant 0 : i32
    %dma_start3A_635 = arith.constant 0 : i32
    %dma_start3A_636 = tpu.memref_slice %arg3[%dma_start3A_634, %dma_start3A_635] : memref<1000000x64xf32, #tpu.memory_space<hbm>> -> memref<1000000x64xf32, #tpu.memory_space<hbm>>
    tpu.enqueue_indirect_dma source(%dma_start3A_636 : memref<1000000x64xf32, #tpu.memory_space<hbm>>) target(%dma_start3A_630 : memref<50x64xf32, #tpu.memory_space<vmem>>) offsets(%dma_start3A_633 : memref<50xi32, #tpu.memory_space<vmem>>) semaphore(%arg11 : memref<!tpu.dma_semaphore, #tpu.memory_space<semaphore_mem>>)
    %dma_start3A_637 = arith.constant 1 : i32
    %dma_start3A_638 = arith.constant 7 : i32
    %dma_start3A_639 = arith.constant 1 : i32
    %dma_start3A_640 = arith.constant 7 : i32
    %dma_start3A_641 = arith.constant 0 : i32
    %dma_start3A_642 = arith.constant 0 : i32
    %dma_start3A_643 = tpu.memref_slice %arg6[%dma_start3A_639, %dma_start3A_640, %dma_start3A_641, %dma_start3A_642] : memref<2x16x50x64xf32, #tpu.memory_space<vmem>> -> memref<1x1x50x64xf32, #tpu.memory_space<vmem>>
    %dma_start3A_644 = tpu.memref_squeeze %dma_start3A_643 : memref<1x1x50x64xf32, #tpu.memory_space<vmem>> -> memref<50x64xf32, #tpu.memory_space<vmem>>
    %dma_start3A_645 = arith.constant 0 : i32
    %dma_start3A_646 = tpu.memref_slice %arg5[%dma_start3A_637, %dma_start3A_638, %dma_start3A_645] : memref<2x16x50xi32, #tpu.memory_space<vmem>> -> memref<1x1x50xi32, #tpu.memory_space<vmem>>
    %dma_start3A_647 = tpu.memref_squeeze %dma_start3A_646 : memref<1x1x50xi32, #tpu.memory_space<vmem>> -> memref<50xi32, #tpu.memory_space<vmem>>
    %dma_start3A_648 = arith.constant 0 : i32
    %dma_start3A_649 = arith.constant 0 : i32
    %dma_start3A_650 = tpu.memref_slice %arg3[%dma_start3A_648, %dma_start3A_649] : memref<1000000x64xf32, #tpu.memory_space<hbm>> -> memref<1000000x64xf32, #tpu.memory_space<hbm>>
    tpu.enqueue_indirect_dma source(%dma_start3A_650 : memref<1000000x64xf32, #tpu.memory_space<hbm>>) target(%dma_start3A_644 : memref<50x64xf32, #tpu.memory_space<vmem>>) offsets(%dma_start3A_647 : memref<50xi32, #tpu.memory_space<vmem>>) semaphore(%arg11 : memref<!tpu.dma_semaphore, #tpu.memory_space<semaphore_mem>>)
    %dma_start3A_651 = arith.constant 1 : i32
    %dma_start3A_652 = arith.constant 8 : i32
    %dma_start3A_653 = arith.constant 1 : i32
    %dma_start3A_654 = arith.constant 8 : i32
    %dma_start3A_655 = arith.constant 0 : i32
    %dma_start3A_656 = arith.constant 0 : i32
    %dma_start3A_657 = tpu.memref_slice %arg6[%dma_start3A_653, %dma_start3A_654, %dma_start3A_655, %dma_start3A_656] : memref<2x16x50x64xf32, #tpu.memory_space<vmem>> -> memref<1x1x50x64xf32, #tpu.memory_space<vmem>>
    %dma_start3A_658 = tpu.memref_squeeze %dma_start3A_657 : memref<1x1x50x64xf32, #tpu.memory_space<vmem>> -> memref<50x64xf32, #tpu.memory_space<vmem>>
    %dma_start3A_659 = arith.constant 0 : i32
    %dma_start3A_660 = tpu.memref_slice %arg5[%dma_start3A_651, %dma_start3A_652, %dma_start3A_659] : memref<2x16x50xi32, #tpu.memory_space<vmem>> -> memref<1x1x50xi32, #tpu.memory_space<vmem>>
    %dma_start3A_661 = tpu.memref_squeeze %dma_start3A_660 : memref<1x1x50xi32, #tpu.memory_space<vmem>> -> memref<50xi32, #tpu.memory_space<vmem>>
    %dma_start3A_662 = arith.constant 0 : i32
    %dma_start3A_663 = arith.constant 0 : i32
    %dma_start3A_664 = tpu.memref_slice %arg3[%dma_start3A_662, %dma_start3A_663] : memref<1000000x64xf32, #tpu.memory_space<hbm>> -> memref<1000000x64xf32, #tpu.memory_space<hbm>>
    tpu.enqueue_indirect_dma source(%dma_start3A_664 : memref<1000000x64xf32, #tpu.memory_space<hbm>>) target(%dma_start3A_658 : memref<50x64xf32, #tpu.memory_space<vmem>>) offsets(%dma_start3A_661 : memref<50xi32, #tpu.memory_space<vmem>>) semaphore(%arg11 : memref<!tpu.dma_semaphore, #tpu.memory_space<semaphore_mem>>)
    %dma_start3A_665 = arith.constant 1 : i32
    %dma_start3A_666 = arith.constant 9 : i32
    %dma_start3A_667 = arith.constant 1 : i32
    %dma_start3A_668 = arith.constant 9 : i32
    %dma_start3A_669 = arith.constant 0 : i32
    %dma_start3A_670 = arith.constant 0 : i32
    %dma_start3A_671 = tpu.memref_slice %arg6[%dma_start3A_667, %dma_start3A_668, %dma_start3A_669, %dma_start3A_670] : memref<2x16x50x64xf32, #tpu.memory_space<vmem>> -> memref<1x1x50x64xf32, #tpu.memory_space<vmem>>
    %dma_start3A_672 = tpu.memref_squeeze %dma_start3A_671 : memref<1x1x50x64xf32, #tpu.memory_space<vmem>> -> memref<50x64xf32, #tpu.memory_space<vmem>>
    %dma_start3A_673 = arith.constant 0 : i32
    %dma_start3A_674 = tpu.memref_slice %arg5[%dma_start3A_665, %dma_start3A_666, %dma_start3A_673] : memref<2x16x50xi32, #tpu.memory_space<vmem>> -> memref<1x1x50xi32, #tpu.memory_space<vmem>>
    %dma_start3A_675 = tpu.memref_squeeze %dma_start3A_674 : memref<1x1x50xi32, #tpu.memory_space<vmem>> -> memref<50xi32, #tpu.memory_space<vmem>>
    %dma_start3A_676 = arith.constant 0 : i32
    %dma_start3A_677 = arith.constant 0 : i32
    %dma_start3A_678 = tpu.memref_slice %arg3[%dma_start3A_676, %dma_start3A_677] : memref<1000000x64xf32, #tpu.memory_space<hbm>> -> memref<1000000x64xf32, #tpu.memory_space<hbm>>
    tpu.enqueue_indirect_dma source(%dma_start3A_678 : memref<1000000x64xf32, #tpu.memory_space<hbm>>) target(%dma_start3A_672 : memref<50x64xf32, #tpu.memory_space<vmem>>) offsets(%dma_start3A_675 : memref<50xi32, #tpu.memory_space<vmem>>) semaphore(%arg11 : memref<!tpu.dma_semaphore, #tpu.memory_space<semaphore_mem>>)
    %dma_start3A_679 = arith.constant 1 : i32
    %dma_start3A_680 = arith.constant 10 : i32
    %dma_start3A_681 = arith.constant 1 : i32
    %dma_start3A_682 = arith.constant 10 : i32
    %dma_start3A_683 = arith.constant 0 : i32
    %dma_start3A_684 = arith.constant 0 : i32
    %dma_start3A_685 = tpu.memref_slice %arg6[%dma_start3A_681, %dma_start3A_682, %dma_start3A_683, %dma_start3A_684] : memref<2x16x50x64xf32, #tpu.memory_space<vmem>> -> memref<1x1x50x64xf32, #tpu.memory_space<vmem>>
    %dma_start3A_686 = tpu.memref_squeeze %dma_start3A_685 : memref<1x1x50x64xf32, #tpu.memory_space<vmem>> -> memref<50x64xf32, #tpu.memory_space<vmem>>
    %dma_start3A_687 = arith.constant 0 : i32
    %dma_start3A_688 = tpu.memref_slice %arg5[%dma_start3A_679, %dma_start3A_680, %dma_start3A_687] : memref<2x16x50xi32, #tpu.memory_space<vmem>> -> memref<1x1x50xi32, #tpu.memory_space<vmem>>
    %dma_start3A_689 = tpu.memref_squeeze %dma_start3A_688 : memref<1x1x50xi32, #tpu.memory_space<vmem>> -> memref<50xi32, #tpu.memory_space<vmem>>
    %dma_start3A_690 = arith.constant 0 : i32
    %dma_start3A_691 = arith.constant 0 : i32
    %dma_start3A_692 = tpu.memref_slice %arg3[%dma_start3A_690, %dma_start3A_691] : memref<1000000x64xf32, #tpu.memory_space<hbm>> -> memref<1000000x64xf32, #tpu.memory_space<hbm>>
    tpu.enqueue_indirect_dma source(%dma_start3A_692 : memref<1000000x64xf32, #tpu.memory_space<hbm>>) target(%dma_start3A_686 : memref<50x64xf32, #tpu.memory_space<vmem>>) offsets(%dma_start3A_689 : memref<50xi32, #tpu.memory_space<vmem>>) semaphore(%arg11 : memref<!tpu.dma_semaphore, #tpu.memory_space<semaphore_mem>>)
    %dma_start3A_693 = arith.constant 1 : i32
    %dma_start3A_694 = arith.constant 11 : i32
    %dma_start3A_695 = arith.constant 1 : i32
    %dma_start3A_696 = arith.constant 11 : i32
    %dma_start3A_697 = arith.constant 0 : i32
    %dma_start3A_698 = arith.constant 0 : i32
    %dma_start3A_699 = tpu.memref_slice %arg6[%dma_start3A_695, %dma_start3A_696, %dma_start3A_697, %dma_start3A_698] : memref<2x16x50x64xf32, #tpu.memory_space<vmem>> -> memref<1x1x50x64xf32, #tpu.memory_space<vmem>>
    %dma_start3A_700 = tpu.memref_squeeze %dma_start3A_699 : memref<1x1x50x64xf32, #tpu.memory_space<vmem>> -> memref<50x64xf32, #tpu.memory_space<vmem>>
    %dma_start3A_701 = arith.constant 0 : i32
    %dma_start3A_702 = tpu.memref_slice %arg5[%dma_start3A_693, %dma_start3A_694, %dma_start3A_701] : memref<2x16x50xi32, #tpu.memory_space<vmem>> -> memref<1x1x50xi32, #tpu.memory_space<vmem>>
    %dma_start3A_703 = tpu.memref_squeeze %dma_start3A_702 : memref<1x1x50xi32, #tpu.memory_space<vmem>> -> memref<50xi32, #tpu.memory_space<vmem>>
    %dma_start3A_704 = arith.constant 0 : i32
    %dma_start3A_705 = arith.constant 0 : i32
    %dma_start3A_706 = tpu.memref_slice %arg3[%dma_start3A_704, %dma_start3A_705] : memref<1000000x64xf32, #tpu.memory_space<hbm>> -> memref<1000000x64xf32, #tpu.memory_space<hbm>>
    tpu.enqueue_indirect_dma source(%dma_start3A_706 : memref<1000000x64xf32, #tpu.memory_space<hbm>>) target(%dma_start3A_700 : memref<50x64xf32, #tpu.memory_space<vmem>>) offsets(%dma_start3A_703 : memref<50xi32, #tpu.memory_space<vmem>>) semaphore(%arg11 : memref<!tpu.dma_semaphore, #tpu.memory_space<semaphore_mem>>)
    %dma_start3A_707 = arith.constant 1 : i32
    %dma_start3A_708 = arith.constant 12 : i32
    %dma_start3A_709 = arith.constant 1 : i32
    %dma_start3A_710 = arith.constant 12 : i32
    %dma_start3A_711 = arith.constant 0 : i32
    %dma_start3A_712 = arith.constant 0 : i32
    %dma_start3A_713 = tpu.memref_slice %arg6[%dma_start3A_709, %dma_start3A_710, %dma_start3A_711, %dma_start3A_712] : memref<2x16x50x64xf32, #tpu.memory_space<vmem>> -> memref<1x1x50x64xf32, #tpu.memory_space<vmem>>
    %dma_start3A_714 = tpu.memref_squeeze %dma_start3A_713 : memref<1x1x50x64xf32, #tpu.memory_space<vmem>> -> memref<50x64xf32, #tpu.memory_space<vmem>>
    %dma_start3A_715 = arith.constant 0 : i32
    %dma_start3A_716 = tpu.memref_slice %arg5[%dma_start3A_707, %dma_start3A_708, %dma_start3A_715] : memref<2x16x50xi32, #tpu.memory_space<vmem>> -> memref<1x1x50xi32, #tpu.memory_space<vmem>>
    %dma_start3A_717 = tpu.memref_squeeze %dma_start3A_716 : memref<1x1x50xi32, #tpu.memory_space<vmem>> -> memref<50xi32, #tpu.memory_space<vmem>>
    %dma_start3A_718 = arith.constant 0 : i32
    %dma_start3A_719 = arith.constant 0 : i32
    %dma_start3A_720 = tpu.memref_slice %arg3[%dma_start3A_718, %dma_start3A_719] : memref<1000000x64xf32, #tpu.memory_space<hbm>> -> memref<1000000x64xf32, #tpu.memory_space<hbm>>
    tpu.enqueue_indirect_dma source(%dma_start3A_720 : memref<1000000x64xf32, #tpu.memory_space<hbm>>) target(%dma_start3A_714 : memref<50x64xf32, #tpu.memory_space<vmem>>) offsets(%dma_start3A_717 : memref<50xi32, #tpu.memory_space<vmem>>) semaphore(%arg11 : memref<!tpu.dma_semaphore, #tpu.memory_space<semaphore_mem>>)
    %dma_start3A_721 = arith.constant 1 : i32
    %dma_start3A_722 = arith.constant 13 : i32
    %dma_start3A_723 = arith.constant 1 : i32
    %dma_start3A_724 = arith.constant 13 : i32
    %dma_start3A_725 = arith.constant 0 : i32
    %dma_start3A_726 = arith.constant 0 : i32
    %dma_start3A_727 = tpu.memref_slice %arg6[%dma_start3A_723, %dma_start3A_724, %dma_start3A_725, %dma_start3A_726] : memref<2x16x50x64xf32, #tpu.memory_space<vmem>> -> memref<1x1x50x64xf32, #tpu.memory_space<vmem>>
    %dma_start3A_728 = tpu.memref_squeeze %dma_start3A_727 : memref<1x1x50x64xf32, #tpu.memory_space<vmem>> -> memref<50x64xf32, #tpu.memory_space<vmem>>
    %dma_start3A_729 = arith.constant 0 : i32
    %dma_start3A_730 = tpu.memref_slice %arg5[%dma_start3A_721, %dma_start3A_722, %dma_start3A_729] : memref<2x16x50xi32, #tpu.memory_space<vmem>> -> memref<1x1x50xi32, #tpu.memory_space<vmem>>
    %dma_start3A_731 = tpu.memref_squeeze %dma_start3A_730 : memref<1x1x50xi32, #tpu.memory_space<vmem>> -> memref<50xi32, #tpu.memory_space<vmem>>
    %dma_start3A_732 = arith.constant 0 : i32
    %dma_start3A_733 = arith.constant 0 : i32
    %dma_start3A_734 = tpu.memref_slice %arg3[%dma_start3A_732, %dma_start3A_733] : memref<1000000x64xf32, #tpu.memory_space<hbm>> -> memref<1000000x64xf32, #tpu.memory_space<hbm>>
    tpu.enqueue_indirect_dma source(%dma_start3A_734 : memref<1000000x64xf32, #tpu.memory_space<hbm>>) target(%dma_start3A_728 : memref<50x64xf32, #tpu.memory_space<vmem>>) offsets(%dma_start3A_731 : memref<50xi32, #tpu.memory_space<vmem>>) semaphore(%arg11 : memref<!tpu.dma_semaphore, #tpu.memory_space<semaphore_mem>>)
    %dma_start3A_735 = arith.constant 1 : i32
    %dma_start3A_736 = arith.constant 14 : i32
    %dma_start3A_737 = arith.constant 1 : i32
    %dma_start3A_738 = arith.constant 14 : i32
    %dma_start3A_739 = arith.constant 0 : i32
    %dma_start3A_740 = arith.constant 0 : i32
    %dma_start3A_741 = tpu.memref_slice %arg6[%dma_start3A_737, %dma_start3A_738, %dma_start3A_739, %dma_start3A_740] : memref<2x16x50x64xf32, #tpu.memory_space<vmem>> -> memref<1x1x50x64xf32, #tpu.memory_space<vmem>>
    %dma_start3A_742 = tpu.memref_squeeze %dma_start3A_741 : memref<1x1x50x64xf32, #tpu.memory_space<vmem>> -> memref<50x64xf32, #tpu.memory_space<vmem>>
    %dma_start3A_743 = arith.constant 0 : i32
    %dma_start3A_744 = tpu.memref_slice %arg5[%dma_start3A_735, %dma_start3A_736, %dma_start3A_743] : memref<2x16x50xi32, #tpu.memory_space<vmem>> -> memref<1x1x50xi32, #tpu.memory_space<vmem>>
    %dma_start3A_745 = tpu.memref_squeeze %dma_start3A_744 : memref<1x1x50xi32, #tpu.memory_space<vmem>> -> memref<50xi32, #tpu.memory_space<vmem>>
    %dma_start3A_746 = arith.constant 0 : i32
    %dma_start3A_747 = arith.constant 0 : i32
    %dma_start3A_748 = tpu.memref_slice %arg3[%dma_start3A_746, %dma_start3A_747] : memref<1000000x64xf32, #tpu.memory_space<hbm>> -> memref<1000000x64xf32, #tpu.memory_space<hbm>>
    tpu.enqueue_indirect_dma source(%dma_start3A_748 : memref<1000000x64xf32, #tpu.memory_space<hbm>>) target(%dma_start3A_742 : memref<50x64xf32, #tpu.memory_space<vmem>>) offsets(%dma_start3A_745 : memref<50xi32, #tpu.memory_space<vmem>>) semaphore(%arg11 : memref<!tpu.dma_semaphore, #tpu.memory_space<semaphore_mem>>)
    %dma_start3A_749 = arith.constant 1 : i32
    %dma_start3A_750 = arith.constant 15 : i32
    %dma_start3A_751 = arith.constant 1 : i32
    %dma_start3A_752 = arith.constant 15 : i32
    %dma_start3A_753 = arith.constant 0 : i32
    %dma_start3A_754 = arith.constant 0 : i32
    %dma_start3A_755 = tpu.memref_slice %arg6[%dma_start3A_751, %dma_start3A_752, %dma_start3A_753, %dma_start3A_754] : memref<2x16x50x64xf32, #tpu.memory_space<vmem>> -> memref<1x1x50x64xf32, #tpu.memory_space<vmem>>
    %dma_start3A_756 = tpu.memref_squeeze %dma_start3A_755 : memref<1x1x50x64xf32, #tpu.memory_space<vmem>> -> memref<50x64xf32, #tpu.memory_space<vmem>>
    %dma_start3A_757 = arith.constant 0 : i32
    %dma_start3A_758 = tpu.memref_slice %arg5[%dma_start3A_749, %dma_start3A_750, %dma_start3A_757] : memref<2x16x50xi32, #tpu.memory_space<vmem>> -> memref<1x1x50xi32, #tpu.memory_space<vmem>>
    %dma_start3A_759 = tpu.memref_squeeze %dma_start3A_758 : memref<1x1x50xi32, #tpu.memory_space<vmem>> -> memref<50xi32, #tpu.memory_space<vmem>>
    %dma_start3A_760 = arith.constant 0 : i32
    %dma_start3A_761 = arith.constant 0 : i32
    %dma_start3A_762 = tpu.memref_slice %arg3[%dma_start3A_760, %dma_start3A_761] : memref<1000000x64xf32, #tpu.memory_space<hbm>> -> memref<1000000x64xf32, #tpu.memory_space<hbm>>
    tpu.enqueue_indirect_dma source(%dma_start3A_762 : memref<1000000x64xf32, #tpu.memory_space<hbm>>) target(%dma_start3A_756 : memref<50x64xf32, #tpu.memory_space<vmem>>) offsets(%dma_start3A_759 : memref<50xi32, #tpu.memory_space<vmem>>) semaphore(%arg11 : memref<!tpu.dma_semaphore, #tpu.memory_space<semaphore_mem>>)
    %dma_wait3A_763 = arith.constant 1 : i32
    %dma_wait3A_764 = arith.constant 0 : i32
    %dma_wait3A_765 = arith.constant 1 : i32
    %dma_wait3A_766 = arith.constant 0 : i32
    %dma_wait3A_767 = arith.constant 0 : i32
    %dma_wait3A_768 = arith.constant 0 : i32
    %dma_wait3A_769 = tpu.memref_slice %arg6[%dma_wait3A_765, %dma_wait3A_766, %dma_wait3A_767, %dma_wait3A_768] : memref<2x16x50x64xf32, #tpu.memory_space<vmem>> -> memref<1x1x50x64xf32, #tpu.memory_space<vmem>>
    %dma_wait3A_770 = tpu.memref_squeeze %dma_wait3A_769 : memref<1x1x50x64xf32, #tpu.memory_space<vmem>> -> memref<50x64xf32, #tpu.memory_space<vmem>>
    %dma_wait3A_771 = arith.constant 0 : i32
    %dma_wait3A_772 = tpu.memref_slice %arg5[%dma_wait3A_763, %dma_wait3A_764, %dma_wait3A_771] : memref<2x16x50xi32, #tpu.memory_space<vmem>> -> memref<1x1x50xi32, #tpu.memory_space<vmem>>
    %dma_wait3A_773 = tpu.memref_squeeze %dma_wait3A_772 : memref<1x1x50xi32, #tpu.memory_space<vmem>> -> memref<50xi32, #tpu.memory_space<vmem>>
    %dma_wait3A_774 = arith.constant 0 : i32
    %dma_wait3A_775 = arith.constant 0 : i32
    %dma_wait3A_776 = tpu.memref_slice %arg3[%dma_wait3A_774, %dma_wait3A_775] : memref<1000000x64xf32, #tpu.memory_space<hbm>> -> memref<1000000x64xf32, #tpu.memory_space<hbm>>
    tpu.wait_indirect_dma semaphore(%arg11 : memref<!tpu.dma_semaphore, #tpu.memory_space<semaphore_mem>>) src(%dma_wait3A_776 : memref<1000000x64xf32, #tpu.memory_space<hbm>>) dst(%dma_wait3A_770 : memref<50x64xf32, #tpu.memory_space<vmem>>)
    %dma_wait3A_777 = arith.constant 1 : i32
    %dma_wait3A_778 = arith.constant 1 : i32
    %dma_wait3A_779 = arith.constant 1 : i32
    %dma_wait3A_780 = arith.constant 1 : i32
    %dma_wait3A_781 = arith.constant 0 : i32
    %dma_wait3A_782 = arith.constant 0 : i32
    %dma_wait3A_783 = tpu.memref_slice %arg6[%dma_wait3A_779, %dma_wait3A_780, %dma_wait3A_781, %dma_wait3A_782] : memref<2x16x50x64xf32, #tpu.memory_space<vmem>> -> memref<1x1x50x64xf32, #tpu.memory_space<vmem>>
    %dma_wait3A_784 = tpu.memref_squeeze %dma_wait3A_783 : memref<1x1x50x64xf32, #tpu.memory_space<vmem>> -> memref<50x64xf32, #tpu.memory_space<vmem>>
    %dma_wait3A_785 = arith.constant 0 : i32
    %dma_wait3A_786 = tpu.memref_slice %arg5[%dma_wait3A_777, %dma_wait3A_778, %dma_wait3A_785] : memref<2x16x50xi32, #tpu.memory_space<vmem>> -> memref<1x1x50xi32, #tpu.memory_space<vmem>>
    %dma_wait3A_787 = tpu.memref_squeeze %dma_wait3A_786 : memref<1x1x50xi32, #tpu.memory_space<vmem>> -> memref<50xi32, #tpu.memory_space<vmem>>
    %dma_wait3A_788 = arith.constant 0 : i32
    %dma_wait3A_789 = arith.constant 0 : i32
    %dma_wait3A_790 = tpu.memref_slice %arg3[%dma_wait3A_788, %dma_wait3A_789] : memref<1000000x64xf32, #tpu.memory_space<hbm>> -> memref<1000000x64xf32, #tpu.memory_space<hbm>>
    tpu.wait_indirect_dma semaphore(%arg11 : memref<!tpu.dma_semaphore, #tpu.memory_space<semaphore_mem>>) src(%dma_wait3A_790 : memref<1000000x64xf32, #tpu.memory_space<hbm>>) dst(%dma_wait3A_784 : memref<50x64xf32, #tpu.memory_space<vmem>>)
    %dma_wait3A_791 = arith.constant 1 : i32
    %dma_wait3A_792 = arith.constant 2 : i32
    %dma_wait3A_793 = arith.constant 1 : i32
    %dma_wait3A_794 = arith.constant 2 : i32
    %dma_wait3A_795 = arith.constant 0 : i32
    %dma_wait3A_796 = arith.constant 0 : i32
    %dma_wait3A_797 = tpu.memref_slice %arg6[%dma_wait3A_793, %dma_wait3A_794, %dma_wait3A_795, %dma_wait3A_796] : memref<2x16x50x64xf32, #tpu.memory_space<vmem>> -> memref<1x1x50x64xf32, #tpu.memory_space<vmem>>
    %dma_wait3A_798 = tpu.memref_squeeze %dma_wait3A_797 : memref<1x1x50x64xf32, #tpu.memory_space<vmem>> -> memref<50x64xf32, #tpu.memory_space<vmem>>
    %dma_wait3A_799 = arith.constant 0 : i32
    %dma_wait3A_800 = tpu.memref_slice %arg5[%dma_wait3A_791, %dma_wait3A_792, %dma_wait3A_799] : memref<2x16x50xi32, #tpu.memory_space<vmem>> -> memref<1x1x50xi32, #tpu.memory_space<vmem>>
    %dma_wait3A_801 = tpu.memref_squeeze %dma_wait3A_800 : memref<1x1x50xi32, #tpu.memory_space<vmem>> -> memref<50xi32, #tpu.memory_space<vmem>>
    %dma_wait3A_802 = arith.constant 0 : i32
    %dma_wait3A_803 = arith.constant 0 : i32
    %dma_wait3A_804 = tpu.memref_slice %arg3[%dma_wait3A_802, %dma_wait3A_803] : memref<1000000x64xf32, #tpu.memory_space<hbm>> -> memref<1000000x64xf32, #tpu.memory_space<hbm>>
    tpu.wait_indirect_dma semaphore(%arg11 : memref<!tpu.dma_semaphore, #tpu.memory_space<semaphore_mem>>) src(%dma_wait3A_804 : memref<1000000x64xf32, #tpu.memory_space<hbm>>) dst(%dma_wait3A_798 : memref<50x64xf32, #tpu.memory_space<vmem>>)
    %dma_wait3A_805 = arith.constant 1 : i32
    %dma_wait3A_806 = arith.constant 3 : i32
    %dma_wait3A_807 = arith.constant 1 : i32
    %dma_wait3A_808 = arith.constant 3 : i32
    %dma_wait3A_809 = arith.constant 0 : i32
    %dma_wait3A_810 = arith.constant 0 : i32
    %dma_wait3A_811 = tpu.memref_slice %arg6[%dma_wait3A_807, %dma_wait3A_808, %dma_wait3A_809, %dma_wait3A_810] : memref<2x16x50x64xf32, #tpu.memory_space<vmem>> -> memref<1x1x50x64xf32, #tpu.memory_space<vmem>>
    %dma_wait3A_812 = tpu.memref_squeeze %dma_wait3A_811 : memref<1x1x50x64xf32, #tpu.memory_space<vmem>> -> memref<50x64xf32, #tpu.memory_space<vmem>>
    %dma_wait3A_813 = arith.constant 0 : i32
    %dma_wait3A_814 = tpu.memref_slice %arg5[%dma_wait3A_805, %dma_wait3A_806, %dma_wait3A_813] : memref<2x16x50xi32, #tpu.memory_space<vmem>> -> memref<1x1x50xi32, #tpu.memory_space<vmem>>
    %dma_wait3A_815 = tpu.memref_squeeze %dma_wait3A_814 : memref<1x1x50xi32, #tpu.memory_space<vmem>> -> memref<50xi32, #tpu.memory_space<vmem>>
    %dma_wait3A_816 = arith.constant 0 : i32
    %dma_wait3A_817 = arith.constant 0 : i32
    %dma_wait3A_818 = tpu.memref_slice %arg3[%dma_wait3A_816, %dma_wait3A_817] : memref<1000000x64xf32, #tpu.memory_space<hbm>> -> memref<1000000x64xf32, #tpu.memory_space<hbm>>
    tpu.wait_indirect_dma semaphore(%arg11 : memref<!tpu.dma_semaphore, #tpu.memory_space<semaphore_mem>>) src(%dma_wait3A_818 : memref<1000000x64xf32, #tpu.memory_space<hbm>>) dst(%dma_wait3A_812 : memref<50x64xf32, #tpu.memory_space<vmem>>)
    %dma_wait3A_819 = arith.constant 1 : i32
    %dma_wait3A_820 = arith.constant 4 : i32
    %dma_wait3A_821 = arith.constant 1 : i32
    %dma_wait3A_822 = arith.constant 4 : i32
    %dma_wait3A_823 = arith.constant 0 : i32
    %dma_wait3A_824 = arith.constant 0 : i32
    %dma_wait3A_825 = tpu.memref_slice %arg6[%dma_wait3A_821, %dma_wait3A_822, %dma_wait3A_823, %dma_wait3A_824] : memref<2x16x50x64xf32, #tpu.memory_space<vmem>> -> memref<1x1x50x64xf32, #tpu.memory_space<vmem>>
    %dma_wait3A_826 = tpu.memref_squeeze %dma_wait3A_825 : memref<1x1x50x64xf32, #tpu.memory_space<vmem>> -> memref<50x64xf32, #tpu.memory_space<vmem>>
    %dma_wait3A_827 = arith.constant 0 : i32
    %dma_wait3A_828 = tpu.memref_slice %arg5[%dma_wait3A_819, %dma_wait3A_820, %dma_wait3A_827] : memref<2x16x50xi32, #tpu.memory_space<vmem>> -> memref<1x1x50xi32, #tpu.memory_space<vmem>>
    %dma_wait3A_829 = tpu.memref_squeeze %dma_wait3A_828 : memref<1x1x50xi32, #tpu.memory_space<vmem>> -> memref<50xi32, #tpu.memory_space<vmem>>
    %dma_wait3A_830 = arith.constant 0 : i32
    %dma_wait3A_831 = arith.constant 0 : i32
    %dma_wait3A_832 = tpu.memref_slice %arg3[%dma_wait3A_830, %dma_wait3A_831] : memref<1000000x64xf32, #tpu.memory_space<hbm>> -> memref<1000000x64xf32, #tpu.memory_space<hbm>>
    tpu.wait_indirect_dma semaphore(%arg11 : memref<!tpu.dma_semaphore, #tpu.memory_space<semaphore_mem>>) src(%dma_wait3A_832 : memref<1000000x64xf32, #tpu.memory_space<hbm>>) dst(%dma_wait3A_826 : memref<50x64xf32, #tpu.memory_space<vmem>>)
    %dma_wait3A_833 = arith.constant 1 : i32
    %dma_wait3A_834 = arith.constant 5 : i32
    %dma_wait3A_835 = arith.constant 1 : i32
    %dma_wait3A_836 = arith.constant 5 : i32
    %dma_wait3A_837 = arith.constant 0 : i32
    %dma_wait3A_838 = arith.constant 0 : i32
    %dma_wait3A_839 = tpu.memref_slice %arg6[%dma_wait3A_835, %dma_wait3A_836, %dma_wait3A_837, %dma_wait3A_838] : memref<2x16x50x64xf32, #tpu.memory_space<vmem>> -> memref<1x1x50x64xf32, #tpu.memory_space<vmem>>
    %dma_wait3A_840 = tpu.memref_squeeze %dma_wait3A_839 : memref<1x1x50x64xf32, #tpu.memory_space<vmem>> -> memref<50x64xf32, #tpu.memory_space<vmem>>
    %dma_wait3A_841 = arith.constant 0 : i32
    %dma_wait3A_842 = tpu.memref_slice %arg5[%dma_wait3A_833, %dma_wait3A_834, %dma_wait3A_841] : memref<2x16x50xi32, #tpu.memory_space<vmem>> -> memref<1x1x50xi32, #tpu.memory_space<vmem>>
    %dma_wait3A_843 = tpu.memref_squeeze %dma_wait3A_842 : memref<1x1x50xi32, #tpu.memory_space<vmem>> -> memref<50xi32, #tpu.memory_space<vmem>>
    %dma_wait3A_844 = arith.constant 0 : i32
    %dma_wait3A_845 = arith.constant 0 : i32
    %dma_wait3A_846 = tpu.memref_slice %arg3[%dma_wait3A_844, %dma_wait3A_845] : memref<1000000x64xf32, #tpu.memory_space<hbm>> -> memref<1000000x64xf32, #tpu.memory_space<hbm>>
    tpu.wait_indirect_dma semaphore(%arg11 : memref<!tpu.dma_semaphore, #tpu.memory_space<semaphore_mem>>) src(%dma_wait3A_846 : memref<1000000x64xf32, #tpu.memory_space<hbm>>) dst(%dma_wait3A_840 : memref<50x64xf32, #tpu.memory_space<vmem>>)
    %dma_wait3A_847 = arith.constant 1 : i32
    %dma_wait3A_848 = arith.constant 6 : i32
    %dma_wait3A_849 = arith.constant 1 : i32
    %dma_wait3A_850 = arith.constant 6 : i32
    %dma_wait3A_851 = arith.constant 0 : i32
    %dma_wait3A_852 = arith.constant 0 : i32
    %dma_wait3A_853 = tpu.memref_slice %arg6[%dma_wait3A_849, %dma_wait3A_850, %dma_wait3A_851, %dma_wait3A_852] : memref<2x16x50x64xf32, #tpu.memory_space<vmem>> -> memref<1x1x50x64xf32, #tpu.memory_space<vmem>>
    %dma_wait3A_854 = tpu.memref_squeeze %dma_wait3A_853 : memref<1x1x50x64xf32, #tpu.memory_space<vmem>> -> memref<50x64xf32, #tpu.memory_space<vmem>>
    %dma_wait3A_855 = arith.constant 0 : i32
    %dma_wait3A_856 = tpu.memref_slice %arg5[%dma_wait3A_847, %dma_wait3A_848, %dma_wait3A_855] : memref<2x16x50xi32, #tpu.memory_space<vmem>> -> memref<1x1x50xi32, #tpu.memory_space<vmem>>
    %dma_wait3A_857 = tpu.memref_squeeze %dma_wait3A_856 : memref<1x1x50xi32, #tpu.memory_space<vmem>> -> memref<50xi32, #tpu.memory_space<vmem>>
    %dma_wait3A_858 = arith.constant 0 : i32
    %dma_wait3A_859 = arith.constant 0 : i32
    %dma_wait3A_860 = tpu.memref_slice %arg3[%dma_wait3A_858, %dma_wait3A_859] : memref<1000000x64xf32, #tpu.memory_space<hbm>> -> memref<1000000x64xf32, #tpu.memory_space<hbm>>
    tpu.wait_indirect_dma semaphore(%arg11 : memref<!tpu.dma_semaphore, #tpu.memory_space<semaphore_mem>>) src(%dma_wait3A_860 : memref<1000000x64xf32, #tpu.memory_space<hbm>>) dst(%dma_wait3A_854 : memref<50x64xf32, #tpu.memory_space<vmem>>)
    %dma_wait3A_861 = arith.constant 1 : i32
    %dma_wait3A_862 = arith.constant 7 : i32
    %dma_wait3A_863 = arith.constant 1 : i32
    %dma_wait3A_864 = arith.constant 7 : i32
    %dma_wait3A_865 = arith.constant 0 : i32
    %dma_wait3A_866 = arith.constant 0 : i32
    %dma_wait3A_867 = tpu.memref_slice %arg6[%dma_wait3A_863, %dma_wait3A_864, %dma_wait3A_865, %dma_wait3A_866] : memref<2x16x50x64xf32, #tpu.memory_space<vmem>> -> memref<1x1x50x64xf32, #tpu.memory_space<vmem>>
    %dma_wait3A_868 = tpu.memref_squeeze %dma_wait3A_867 : memref<1x1x50x64xf32, #tpu.memory_space<vmem>> -> memref<50x64xf32, #tpu.memory_space<vmem>>
    %dma_wait3A_869 = arith.constant 0 : i32
    %dma_wait3A_870 = tpu.memref_slice %arg5[%dma_wait3A_861, %dma_wait3A_862, %dma_wait3A_869] : memref<2x16x50xi32, #tpu.memory_space<vmem>> -> memref<1x1x50xi32, #tpu.memory_space<vmem>>
    %dma_wait3A_871 = tpu.memref_squeeze %dma_wait3A_870 : memref<1x1x50xi32, #tpu.memory_space<vmem>> -> memref<50xi32, #tpu.memory_space<vmem>>
    %dma_wait3A_872 = arith.constant 0 : i32
    %dma_wait3A_873 = arith.constant 0 : i32
    %dma_wait3A_874 = tpu.memref_slice %arg3[%dma_wait3A_872, %dma_wait3A_873] : memref<1000000x64xf32, #tpu.memory_space<hbm>> -> memref<1000000x64xf32, #tpu.memory_space<hbm>>
    tpu.wait_indirect_dma semaphore(%arg11 : memref<!tpu.dma_semaphore, #tpu.memory_space<semaphore_mem>>) src(%dma_wait3A_874 : memref<1000000x64xf32, #tpu.memory_space<hbm>>) dst(%dma_wait3A_868 : memref<50x64xf32, #tpu.memory_space<vmem>>)
    %dma_wait3A_875 = arith.constant 1 : i32
    %dma_wait3A_876 = arith.constant 8 : i32
    %dma_wait3A_877 = arith.constant 1 : i32
    %dma_wait3A_878 = arith.constant 8 : i32
    %dma_wait3A_879 = arith.constant 0 : i32
    %dma_wait3A_880 = arith.constant 0 : i32
    %dma_wait3A_881 = tpu.memref_slice %arg6[%dma_wait3A_877, %dma_wait3A_878, %dma_wait3A_879, %dma_wait3A_880] : memref<2x16x50x64xf32, #tpu.memory_space<vmem>> -> memref<1x1x50x64xf32, #tpu.memory_space<vmem>>
    %dma_wait3A_882 = tpu.memref_squeeze %dma_wait3A_881 : memref<1x1x50x64xf32, #tpu.memory_space<vmem>> -> memref<50x64xf32, #tpu.memory_space<vmem>>
    %dma_wait3A_883 = arith.constant 0 : i32
    %dma_wait3A_884 = tpu.memref_slice %arg5[%dma_wait3A_875, %dma_wait3A_876, %dma_wait3A_883] : memref<2x16x50xi32, #tpu.memory_space<vmem>> -> memref<1x1x50xi32, #tpu.memory_space<vmem>>
    %dma_wait3A_885 = tpu.memref_squeeze %dma_wait3A_884 : memref<1x1x50xi32, #tpu.memory_space<vmem>> -> memref<50xi32, #tpu.memory_space<vmem>>
    %dma_wait3A_886 = arith.constant 0 : i32
    %dma_wait3A_887 = arith.constant 0 : i32
    %dma_wait3A_888 = tpu.memref_slice %arg3[%dma_wait3A_886, %dma_wait3A_887] : memref<1000000x64xf32, #tpu.memory_space<hbm>> -> memref<1000000x64xf32, #tpu.memory_space<hbm>>
    tpu.wait_indirect_dma semaphore(%arg11 : memref<!tpu.dma_semaphore, #tpu.memory_space<semaphore_mem>>) src(%dma_wait3A_888 : memref<1000000x64xf32, #tpu.memory_space<hbm>>) dst(%dma_wait3A_882 : memref<50x64xf32, #tpu.memory_space<vmem>>)
    %dma_wait3A_889 = arith.constant 1 : i32
    %dma_wait3A_890 = arith.constant 9 : i32
    %dma_wait3A_891 = arith.constant 1 : i32
    %dma_wait3A_892 = arith.constant 9 : i32
    %dma_wait3A_893 = arith.constant 0 : i32
    %dma_wait3A_894 = arith.constant 0 : i32
    %dma_wait3A_895 = tpu.memref_slice %arg6[%dma_wait3A_891, %dma_wait3A_892, %dma_wait3A_893, %dma_wait3A_894] : memref<2x16x50x64xf32, #tpu.memory_space<vmem>> -> memref<1x1x50x64xf32, #tpu.memory_space<vmem>>
    %dma_wait3A_896 = tpu.memref_squeeze %dma_wait3A_895 : memref<1x1x50x64xf32, #tpu.memory_space<vmem>> -> memref<50x64xf32, #tpu.memory_space<vmem>>
    %dma_wait3A_897 = arith.constant 0 : i32
    %dma_wait3A_898 = tpu.memref_slice %arg5[%dma_wait3A_889, %dma_wait3A_890, %dma_wait3A_897] : memref<2x16x50xi32, #tpu.memory_space<vmem>> -> memref<1x1x50xi32, #tpu.memory_space<vmem>>
    %dma_wait3A_899 = tpu.memref_squeeze %dma_wait3A_898 : memref<1x1x50xi32, #tpu.memory_space<vmem>> -> memref<50xi32, #tpu.memory_space<vmem>>
    %dma_wait3A_900 = arith.constant 0 : i32
    %dma_wait3A_901 = arith.constant 0 : i32
    %dma_wait3A_902 = tpu.memref_slice %arg3[%dma_wait3A_900, %dma_wait3A_901] : memref<1000000x64xf32, #tpu.memory_space<hbm>> -> memref<1000000x64xf32, #tpu.memory_space<hbm>>
    tpu.wait_indirect_dma semaphore(%arg11 : memref<!tpu.dma_semaphore, #tpu.memory_space<semaphore_mem>>) src(%dma_wait3A_902 : memref<1000000x64xf32, #tpu.memory_space<hbm>>) dst(%dma_wait3A_896 : memref<50x64xf32, #tpu.memory_space<vmem>>)
    %dma_wait3A_903 = arith.constant 1 : i32
    %dma_wait3A_904 = arith.constant 10 : i32
    %dma_wait3A_905 = arith.constant 1 : i32
    %dma_wait3A_906 = arith.constant 10 : i32
    %dma_wait3A_907 = arith.constant 0 : i32
    %dma_wait3A_908 = arith.constant 0 : i32
    %dma_wait3A_909 = tpu.memref_slice %arg6[%dma_wait3A_905, %dma_wait3A_906, %dma_wait3A_907, %dma_wait3A_908] : memref<2x16x50x64xf32, #tpu.memory_space<vmem>> -> memref<1x1x50x64xf32, #tpu.memory_space<vmem>>
    %dma_wait3A_910 = tpu.memref_squeeze %dma_wait3A_909 : memref<1x1x50x64xf32, #tpu.memory_space<vmem>> -> memref<50x64xf32, #tpu.memory_space<vmem>>
    %dma_wait3A_911 = arith.constant 0 : i32
    %dma_wait3A_912 = tpu.memref_slice %arg5[%dma_wait3A_903, %dma_wait3A_904, %dma_wait3A_911] : memref<2x16x50xi32, #tpu.memory_space<vmem>> -> memref<1x1x50xi32, #tpu.memory_space<vmem>>
    %dma_wait3A_913 = tpu.memref_squeeze %dma_wait3A_912 : memref<1x1x50xi32, #tpu.memory_space<vmem>> -> memref<50xi32, #tpu.memory_space<vmem>>
    %dma_wait3A_914 = arith.constant 0 : i32
    %dma_wait3A_915 = arith.constant 0 : i32
    %dma_wait3A_916 = tpu.memref_slice %arg3[%dma_wait3A_914, %dma_wait3A_915] : memref<1000000x64xf32, #tpu.memory_space<hbm>> -> memref<1000000x64xf32, #tpu.memory_space<hbm>>
    tpu.wait_indirect_dma semaphore(%arg11 : memref<!tpu.dma_semaphore, #tpu.memory_space<semaphore_mem>>) src(%dma_wait3A_916 : memref<1000000x64xf32, #tpu.memory_space<hbm>>) dst(%dma_wait3A_910 : memref<50x64xf32, #tpu.memory_space<vmem>>)
    %dma_wait3A_917 = arith.constant 1 : i32
    %dma_wait3A_918 = arith.constant 11 : i32
    %dma_wait3A_919 = arith.constant 1 : i32
    %dma_wait3A_920 = arith.constant 11 : i32
    %dma_wait3A_921 = arith.constant 0 : i32
    %dma_wait3A_922 = arith.constant 0 : i32
    %dma_wait3A_923 = tpu.memref_slice %arg6[%dma_wait3A_919, %dma_wait3A_920, %dma_wait3A_921, %dma_wait3A_922] : memref<2x16x50x64xf32, #tpu.memory_space<vmem>> -> memref<1x1x50x64xf32, #tpu.memory_space<vmem>>
    %dma_wait3A_924 = tpu.memref_squeeze %dma_wait3A_923 : memref<1x1x50x64xf32, #tpu.memory_space<vmem>> -> memref<50x64xf32, #tpu.memory_space<vmem>>
    %dma_wait3A_925 = arith.constant 0 : i32
    %dma_wait3A_926 = tpu.memref_slice %arg5[%dma_wait3A_917, %dma_wait3A_918, %dma_wait3A_925] : memref<2x16x50xi32, #tpu.memory_space<vmem>> -> memref<1x1x50xi32, #tpu.memory_space<vmem>>
    %dma_wait3A_927 = tpu.memref_squeeze %dma_wait3A_926 : memref<1x1x50xi32, #tpu.memory_space<vmem>> -> memref<50xi32, #tpu.memory_space<vmem>>
    %dma_wait3A_928 = arith.constant 0 : i32
    %dma_wait3A_929 = arith.constant 0 : i32
    %dma_wait3A_930 = tpu.memref_slice %arg3[%dma_wait3A_928, %dma_wait3A_929] : memref<1000000x64xf32, #tpu.memory_space<hbm>> -> memref<1000000x64xf32, #tpu.memory_space<hbm>>
    tpu.wait_indirect_dma semaphore(%arg11 : memref<!tpu.dma_semaphore, #tpu.memory_space<semaphore_mem>>) src(%dma_wait3A_930 : memref<1000000x64xf32, #tpu.memory_space<hbm>>) dst(%dma_wait3A_924 : memref<50x64xf32, #tpu.memory_space<vmem>>)
    %dma_wait3A_931 = arith.constant 1 : i32
    %dma_wait3A_932 = arith.constant 12 : i32
    %dma_wait3A_933 = arith.constant 1 : i32
    %dma_wait3A_934 = arith.constant 12 : i32
    %dma_wait3A_935 = arith.constant 0 : i32
    %dma_wait3A_936 = arith.constant 0 : i32
    %dma_wait3A_937 = tpu.memref_slice %arg6[%dma_wait3A_933, %dma_wait3A_934, %dma_wait3A_935, %dma_wait3A_936] : memref<2x16x50x64xf32, #tpu.memory_space<vmem>> -> memref<1x1x50x64xf32, #tpu.memory_space<vmem>>
    %dma_wait3A_938 = tpu.memref_squeeze %dma_wait3A_937 : memref<1x1x50x64xf32, #tpu.memory_space<vmem>> -> memref<50x64xf32, #tpu.memory_space<vmem>>
    %dma_wait3A_939 = arith.constant 0 : i32
    %dma_wait3A_940 = tpu.memref_slice %arg5[%dma_wait3A_931, %dma_wait3A_932, %dma_wait3A_939] : memref<2x16x50xi32, #tpu.memory_space<vmem>> -> memref<1x1x50xi32, #tpu.memory_space<vmem>>
    %dma_wait3A_941 = tpu.memref_squeeze %dma_wait3A_940 : memref<1x1x50xi32, #tpu.memory_space<vmem>> -> memref<50xi32, #tpu.memory_space<vmem>>
    %dma_wait3A_942 = arith.constant 0 : i32
    %dma_wait3A_943 = arith.constant 0 : i32
    %dma_wait3A_944 = tpu.memref_slice %arg3[%dma_wait3A_942, %dma_wait3A_943] : memref<1000000x64xf32, #tpu.memory_space<hbm>> -> memref<1000000x64xf32, #tpu.memory_space<hbm>>
    tpu.wait_indirect_dma semaphore(%arg11 : memref<!tpu.dma_semaphore, #tpu.memory_space<semaphore_mem>>) src(%dma_wait3A_944 : memref<1000000x64xf32, #tpu.memory_space<hbm>>) dst(%dma_wait3A_938 : memref<50x64xf32, #tpu.memory_space<vmem>>)
    %dma_wait3A_945 = arith.constant 1 : i32
    %dma_wait3A_946 = arith.constant 13 : i32
    %dma_wait3A_947 = arith.constant 1 : i32
    %dma_wait3A_948 = arith.constant 13 : i32
    %dma_wait3A_949 = arith.constant 0 : i32
    %dma_wait3A_950 = arith.constant 0 : i32
    %dma_wait3A_951 = tpu.memref_slice %arg6[%dma_wait3A_947, %dma_wait3A_948, %dma_wait3A_949, %dma_wait3A_950] : memref<2x16x50x64xf32, #tpu.memory_space<vmem>> -> memref<1x1x50x64xf32, #tpu.memory_space<vmem>>
    %dma_wait3A_952 = tpu.memref_squeeze %dma_wait3A_951 : memref<1x1x50x64xf32, #tpu.memory_space<vmem>> -> memref<50x64xf32, #tpu.memory_space<vmem>>
    %dma_wait3A_953 = arith.constant 0 : i32
    %dma_wait3A_954 = tpu.memref_slice %arg5[%dma_wait3A_945, %dma_wait3A_946, %dma_wait3A_953] : memref<2x16x50xi32, #tpu.memory_space<vmem>> -> memref<1x1x50xi32, #tpu.memory_space<vmem>>
    %dma_wait3A_955 = tpu.memref_squeeze %dma_wait3A_954 : memref<1x1x50xi32, #tpu.memory_space<vmem>> -> memref<50xi32, #tpu.memory_space<vmem>>
    %dma_wait3A_956 = arith.constant 0 : i32
    %dma_wait3A_957 = arith.constant 0 : i32
    %dma_wait3A_958 = tpu.memref_slice %arg3[%dma_wait3A_956, %dma_wait3A_957] : memref<1000000x64xf32, #tpu.memory_space<hbm>> -> memref<1000000x64xf32, #tpu.memory_space<hbm>>
    tpu.wait_indirect_dma semaphore(%arg11 : memref<!tpu.dma_semaphore, #tpu.memory_space<semaphore_mem>>) src(%dma_wait3A_958 : memref<1000000x64xf32, #tpu.memory_space<hbm>>) dst(%dma_wait3A_952 : memref<50x64xf32, #tpu.memory_space<vmem>>)
    %dma_wait3A_959 = arith.constant 1 : i32
    %dma_wait3A_960 = arith.constant 14 : i32
    %dma_wait3A_961 = arith.constant 1 : i32
    %dma_wait3A_962 = arith.constant 14 : i32
    %dma_wait3A_963 = arith.constant 0 : i32
    %dma_wait3A_964 = arith.constant 0 : i32
    %dma_wait3A_965 = tpu.memref_slice %arg6[%dma_wait3A_961, %dma_wait3A_962, %dma_wait3A_963, %dma_wait3A_964] : memref<2x16x50x64xf32, #tpu.memory_space<vmem>> -> memref<1x1x50x64xf32, #tpu.memory_space<vmem>>
    %dma_wait3A_966 = tpu.memref_squeeze %dma_wait3A_965 : memref<1x1x50x64xf32, #tpu.memory_space<vmem>> -> memref<50x64xf32, #tpu.memory_space<vmem>>
    %dma_wait3A_967 = arith.constant 0 : i32
    %dma_wait3A_968 = tpu.memref_slice %arg5[%dma_wait3A_959, %dma_wait3A_960, %dma_wait3A_967] : memref<2x16x50xi32, #tpu.memory_space<vmem>> -> memref<1x1x50xi32, #tpu.memory_space<vmem>>
    %dma_wait3A_969 = tpu.memref_squeeze %dma_wait3A_968 : memref<1x1x50xi32, #tpu.memory_space<vmem>> -> memref<50xi32, #tpu.memory_space<vmem>>
    %dma_wait3A_970 = arith.constant 0 : i32
    %dma_wait3A_971 = arith.constant 0 : i32
    %dma_wait3A_972 = tpu.memref_slice %arg3[%dma_wait3A_970, %dma_wait3A_971] : memref<1000000x64xf32, #tpu.memory_space<hbm>> -> memref<1000000x64xf32, #tpu.memory_space<hbm>>
    tpu.wait_indirect_dma semaphore(%arg11 : memref<!tpu.dma_semaphore, #tpu.memory_space<semaphore_mem>>) src(%dma_wait3A_972 : memref<1000000x64xf32, #tpu.memory_space<hbm>>) dst(%dma_wait3A_966 : memref<50x64xf32, #tpu.memory_space<vmem>>)
    %dma_wait3A_973 = arith.constant 1 : i32
    %dma_wait3A_974 = arith.constant 15 : i32
    %dma_wait3A_975 = arith.constant 1 : i32
    %dma_wait3A_976 = arith.constant 15 : i32
    %dma_wait3A_977 = arith.constant 0 : i32
    %dma_wait3A_978 = arith.constant 0 : i32
    %dma_wait3A_979 = tpu.memref_slice %arg6[%dma_wait3A_975, %dma_wait3A_976, %dma_wait3A_977, %dma_wait3A_978] : memref<2x16x50x64xf32, #tpu.memory_space<vmem>> -> memref<1x1x50x64xf32, #tpu.memory_space<vmem>>
    %dma_wait3A_980 = tpu.memref_squeeze %dma_wait3A_979 : memref<1x1x50x64xf32, #tpu.memory_space<vmem>> -> memref<50x64xf32, #tpu.memory_space<vmem>>
    %dma_wait3A_981 = arith.constant 0 : i32
    %dma_wait3A_982 = tpu.memref_slice %arg5[%dma_wait3A_973, %dma_wait3A_974, %dma_wait3A_981] : memref<2x16x50xi32, #tpu.memory_space<vmem>> -> memref<1x1x50xi32, #tpu.memory_space<vmem>>
    %dma_wait3A_983 = tpu.memref_squeeze %dma_wait3A_982 : memref<1x1x50xi32, #tpu.memory_space<vmem>> -> memref<50xi32, #tpu.memory_space<vmem>>
    %dma_wait3A_984 = arith.constant 0 : i32
    %dma_wait3A_985 = arith.constant 0 : i32
    %dma_wait3A_986 = tpu.memref_slice %arg3[%dma_wait3A_984, %dma_wait3A_985] : memref<1000000x64xf32, #tpu.memory_space<hbm>> -> memref<1000000x64xf32, #tpu.memory_space<hbm>>
    tpu.wait_indirect_dma semaphore(%arg11 : memref<!tpu.dma_semaphore, #tpu.memory_space<semaphore_mem>>) src(%dma_wait3A_986 : memref<1000000x64xf32, #tpu.memory_space<hbm>>) dst(%dma_wait3A_980 : memref<50x64xf32, #tpu.memory_space<vmem>>)
    %add3A_987 = arith.constant 16 : i32
    %add3A_988 = arith.addi %mul3A_2, %add3A_987 : i32
    %dma_start3A_989 = arith.constant 1 : i32
    %dma_start3A_990 = arith.constant 0 : i32
    %dma_start3A_991 = arith.constant 0 : i32
    %dma_start3A_992 = arith.constant 0 : i32
    %dma_start3A_993 = tpu.memref_slice %arg6[%dma_start3A_989, %dma_start3A_990, %dma_start3A_991, %dma_start3A_992] : memref<2x16x50x64xf32, #tpu.memory_space<vmem>> -> memref<1x16x50x64xf32, #tpu.memory_space<vmem>>
    %dma_start3A_994 = tpu.memref_squeeze %dma_start3A_993 : memref<1x16x50x64xf32, #tpu.memory_space<vmem>> -> memref<16x50x64xf32, #tpu.memory_space<vmem>>
    %dma_start3A_995 = arith.constant 0 : i32
    %dma_start3A_996 = arith.constant 0 : i32
    %dma_start3A_997 = tpu.memref_slice %arg4[%add3A_988, %dma_start3A_995, %dma_start3A_996] : memref<16384x50x64xf32, #tpu.memory_space<hbm>> -> memref<16x50x64xf32, #tpu.memory_space<hbm>>
    %dma_start3A_998 = arith.constant 0 : i32
    %dma_start3A_999 = arith.constant 0 : i32
    %dma_start3A_1000 = tpu.memref_slice %arg4[%add3A_988, %dma_start3A_998, %dma_start3A_999] : memref<16384x50x64xf32, #tpu.memory_space<hbm>> -> memref<16x50x64xf32, #tpu.memory_space<hbm>>
    %dma_start3A_1001 = arith.constant 0 : i32
    %dma_start3A_1002 = arith.constant 0 : i32
    %dma_start3A_1003 = arith.constant 0 : i32
    %dma_start3A_1004 = tpu.memref_slice %arg6[%dma_start3A_989, %dma_start3A_1001, %dma_start3A_1002, %dma_start3A_1003] : memref<2x16x50x64xf32, #tpu.memory_space<vmem>> -> memref<1x16x50x64xf32, #tpu.memory_space<vmem>>
    %dma_start3A_1005 = tpu.memref_squeeze %dma_start3A_1004 : memref<1x16x50x64xf32, #tpu.memory_space<vmem>> -> memref<16x50x64xf32, #tpu.memory_space<vmem>>
    tpu.enqueue_dma source(%dma_start3A_1005 : memref<16x50x64xf32, #tpu.memory_space<vmem>>) target(%dma_start3A_1000 : memref<16x50x64xf32, #tpu.memory_space<hbm>>) target_semaphore(%arg10 : memref<!tpu.dma_semaphore, #tpu.memory_space<semaphore_mem>>)
    %add3A_1006 = arith.constant 48 : i32
    %add3A_1007 = arith.addi %mul3A_2, %add3A_1006 : i32
    %dma_start3A_1008 = arith.constant 1 : i32
    %dma_start3A_1009 = arith.constant 0 : i32
    %dma_start3A_1010 = arith.constant 0 : i32
    %dma_start3A_1011 = tpu.memref_slice %arg5[%dma_start3A_1008, %dma_start3A_1009, %dma_start3A_1010] : memref<2x16x50xi32, #tpu.memory_space<vmem>> -> memref<1x16x50xi32, #tpu.memory_space<vmem>>
    %dma_start3A_1012 = tpu.memref_squeeze %dma_start3A_1011 : memref<1x16x50xi32, #tpu.memory_space<vmem>> -> memref<16x50xi32, #tpu.memory_space<vmem>>
    %dma_start3A_1013 = arith.constant 0 : i32
    %dma_start3A_1014 = tpu.memref_slice %arg2[%add3A_1007, %dma_start3A_1013] : memref<16384x50xi32, #tpu.memory_space<hbm>> -> memref<16x50xi32, #tpu.memory_space<hbm>>
    %dma_start3A_1015 = arith.constant 0 : i32
    %dma_start3A_1016 = arith.constant 0 : i32
    %dma_start3A_1017 = tpu.memref_slice %arg5[%dma_start3A_1008, %dma_start3A_1015, %dma_start3A_1016] : memref<2x16x50xi32, #tpu.memory_space<vmem>> -> memref<1x16x50xi32, #tpu.memory_space<vmem>>
    %dma_start3A_1018 = tpu.memref_squeeze %dma_start3A_1017 : memref<1x16x50xi32, #tpu.memory_space<vmem>> -> memref<16x50xi32, #tpu.memory_space<vmem>>
    %dma_start3A_1019 = arith.constant 0 : i32
    %dma_start3A_1020 = tpu.memref_slice %arg2[%add3A_1007, %dma_start3A_1019] : memref<16384x50xi32, #tpu.memory_space<hbm>> -> memref<16x50xi32, #tpu.memory_space<hbm>>
    tpu.enqueue_dma source(%dma_start3A_1020 : memref<16x50xi32, #tpu.memory_space<hbm>>) target(%dma_start3A_1018 : memref<16x50xi32, #tpu.memory_space<vmem>>) target_semaphore(%arg8 : memref<!tpu.dma_semaphore, #tpu.memory_space<semaphore_mem>>)
    %scan3A = arith.constant 0 : i32
    %scan3A_1021 = arith.constant 1 : i32
    %scan3A_1022 = arith.constant 15 : i32
    %scan3A_1023 = arith.addi %scan3A_1021, %scan3A_1022 : i32
    %scan3A_1024 = arith.constant 1 : i32
    scf.for %scan3A_1060 = %scan3A_1021 to %scan3A_1023 step %scan3A_1024  : i32 {
      %mul3A_1061 = arith.constant 2 : i32
      %mul3A_1062 = arith.muli %mul3A_1061, %scan3A_1060 : i32
      %add3A_1063 = arith.constant 0 : i32
      %add3A_1064 = arith.addi %mul3A_1062, %add3A_1063 : i32
      %dma_wait3A_1065 = arith.constant 0 : i32
      %dma_wait3A_1066 = arith.constant 0 : i32
      %dma_wait3A_1067 = arith.constant 0 : i32
      %dma_wait3A_1068 = arith.constant 0 : i32
      %dma_wait3A_1069 = tpu.memref_slice %arg6[%dma_wait3A_1065, %dma_wait3A_1066, %dma_wait3A_1067, %dma_wait3A_1068] : memref<2x16x50x64xf32, #tpu.memory_space<vmem>> -> memref<1x16x50x64xf32, #tpu.memory_space<vmem>>
      %dma_wait3A_1070 = tpu.memref_squeeze %dma_wait3A_1069 : memref<1x16x50x64xf32, #tpu.memory_space<vmem>> -> memref<16x50x64xf32, #tpu.memory_space<vmem>>
      %dma_wait3A_1071 = arith.constant 0 : i32
      %dma_wait3A_1072 = arith.constant 0 : i32
      %dma_wait3A_1073 = tpu.memref_slice %arg4[%mul3A_2, %dma_wait3A_1071, %dma_wait3A_1072] : memref<16384x50x64xf32, #tpu.memory_space<hbm>> -> memref<16x50x64xf32, #tpu.memory_space<hbm>>
      %dma_wait3A_1074 = arith.constant 0 : i32
      %dma_wait3A_1075 = arith.constant 0 : i32
      %dma_wait3A_1076 = tpu.memref_slice %arg4[%mul3A_2, %dma_wait3A_1074, %dma_wait3A_1075] : memref<16384x50x64xf32, #tpu.memory_space<hbm>> -> memref<16x50x64xf32, #tpu.memory_space<hbm>>
      %dma_wait3A_1077 = arith.constant 0 : i32
      %dma_wait3A_1078 = arith.constant 0 : i32
      %dma_wait3A_1079 = arith.constant 0 : i32
      %dma_wait3A_1080 = tpu.memref_slice %arg6[%dma_wait3A_1065, %dma_wait3A_1077, %dma_wait3A_1078, %dma_wait3A_1079] : memref<2x16x50x64xf32, #tpu.memory_space<vmem>> -> memref<1x16x50x64xf32, #tpu.memory_space<vmem>>
      %dma_wait3A_1081 = tpu.memref_squeeze %dma_wait3A_1080 : memref<1x16x50x64xf32, #tpu.memory_space<vmem>> -> memref<16x50x64xf32, #tpu.memory_space<vmem>>
      tpu.wait_dma2 semaphore(%arg9 : memref<!tpu.dma_semaphore, #tpu.memory_space<semaphore_mem>>) src(%dma_wait3A_1081 : memref<16x50x64xf32, #tpu.memory_space<vmem>>) dst(%dma_wait3A_1076 : memref<16x50x64xf32, #tpu.memory_space<hbm>>)
      %dma_wait3A_1082 = arith.constant 0 : i32
      %dma_wait3A_1083 = arith.constant 0 : i32
      %dma_wait3A_1084 = arith.constant 0 : i32
      %dma_wait3A_1085 = tpu.memref_slice %arg5[%dma_wait3A_1082, %dma_wait3A_1083, %dma_wait3A_1084] : memref<2x16x50xi32, #tpu.memory_space<vmem>> -> memref<1x16x50xi32, #tpu.memory_space<vmem>>
      %dma_wait3A_1086 = tpu.memref_squeeze %dma_wait3A_1085 : memref<1x16x50xi32, #tpu.memory_space<vmem>> -> memref<16x50xi32, #tpu.memory_space<vmem>>
      %dma_wait3A_1087 = arith.constant 0 : i32
      %dma_wait3A_1088 = tpu.memref_slice %arg2[%mul3A_2, %dma_wait3A_1087] : memref<16384x50xi32, #tpu.memory_space<hbm>> -> memref<16x50xi32, #tpu.memory_space<hbm>>
      %dma_wait3A_1089 = arith.constant 0 : i32
      %dma_wait3A_1090 = arith.constant 0 : i32
      %dma_wait3A_1091 = tpu.memref_slice %arg5[%dma_wait3A_1082, %dma_wait3A_1089, %dma_wait3A_1090] : memref<2x16x50xi32, #tpu.memory_space<vmem>> -> memref<1x16x50xi32, #tpu.memory_space<vmem>>
      %dma_wait3A_1092 = tpu.memref_squeeze %dma_wait3A_1091 : memref<1x16x50xi32, #tpu.memory_space<vmem>> -> memref<16x50xi32, #tpu.memory_space<vmem>>
      %dma_wait3A_1093 = arith.constant 0 : i32
      %dma_wait3A_1094 = tpu.memref_slice %arg2[%mul3A_2, %dma_wait3A_1093] : memref<16384x50xi32, #tpu.memory_space<hbm>> -> memref<16x50xi32, #tpu.memory_space<hbm>>
      tpu.wait_dma2 semaphore(%arg7 : memref<!tpu.dma_semaphore, #tpu.memory_space<semaphore_mem>>) src(%dma_wait3A_1094 : memref<16x50xi32, #tpu.memory_space<hbm>>) dst(%dma_wait3A_1092 : memref<16x50xi32, #tpu.memory_space<vmem>>)
      %dma_start3A_1095 = arith.constant 0 : i32
      %dma_start3A_1096 = arith.constant 0 : i32
      %dma_start3A_1097 = arith.constant 0 : i32
      %dma_start3A_1098 = arith.constant 0 : i32
      %dma_start3A_1099 = arith.constant 0 : i32
      %dma_start3A_1100 = arith.constant 0 : i32
      %dma_start3A_1101 = tpu.memref_slice %arg6[%dma_start3A_1097, %dma_start3A_1098, %dma_start3A_1099, %dma_start3A_1100] : memref<2x16x50x64xf32, #tpu.memory_space<vmem>> -> memref<1x1x50x64xf32, #tpu.memory_space<vmem>>
      %dma_start3A_1102 = tpu.memref_squeeze %dma_start3A_1101 : memref<1x1x50x64xf32, #tpu.memory_space<vmem>> -> memref<50x64xf32, #tpu.memory_space<vmem>>
      %dma_start3A_1103 = arith.constant 0 : i32
      %dma_start3A_1104 = tpu.memref_slice %arg5[%dma_start3A_1095, %dma_start3A_1096, %dma_start3A_1103] : memref<2x16x50xi32, #tpu.memory_space<vmem>> -> memref<1x1x50xi32, #tpu.memory_space<vmem>>
      %dma_start3A_1105 = tpu.memref_squeeze %dma_start3A_1104 : memref<1x1x50xi32, #tpu.memory_space<vmem>> -> memref<50xi32, #tpu.memory_space<vmem>>
      %dma_start3A_1106 = arith.constant 0 : i32
      %dma_start3A_1107 = arith.constant 0 : i32
      %dma_start3A_1108 = tpu.memref_slice %arg3[%dma_start3A_1106, %dma_start3A_1107] : memref<1000000x64xf32, #tpu.memory_space<hbm>> -> memref<1000000x64xf32, #tpu.memory_space<hbm>>
      tpu.enqueue_indirect_dma source(%dma_start3A_1108 : memref<1000000x64xf32, #tpu.memory_space<hbm>>) target(%dma_start3A_1102 : memref<50x64xf32, #tpu.memory_space<vmem>>) offsets(%dma_start3A_1105 : memref<50xi32, #tpu.memory_space<vmem>>) semaphore(%arg11 : memref<!tpu.dma_semaphore, #tpu.memory_space<semaphore_mem>>)
      %dma_start3A_1109 = arith.constant 0 : i32
      %dma_start3A_1110 = arith.constant 1 : i32
      %dma_start3A_1111 = arith.constant 0 : i32
      %dma_start3A_1112 = arith.constant 1 : i32
      %dma_start3A_1113 = arith.constant 0 : i32
      %dma_start3A_1114 = arith.constant 0 : i32
      %dma_start3A_1115 = tpu.memref_slice %arg6[%dma_start3A_1111, %dma_start3A_1112, %dma_start3A_1113, %dma_start3A_1114] : memref<2x16x50x64xf32, #tpu.memory_space<vmem>> -> memref<1x1x50x64xf32, #tpu.memory_space<vmem>>
      %dma_start3A_1116 = tpu.memref_squeeze %dma_start3A_1115 : memref<1x1x50x64xf32, #tpu.memory_space<vmem>> -> memref<50x64xf32, #tpu.memory_space<vmem>>
      %dma_start3A_1117 = arith.constant 0 : i32
      %dma_start3A_1118 = tpu.memref_slice %arg5[%dma_start3A_1109, %dma_start3A_1110, %dma_start3A_1117] : memref<2x16x50xi32, #tpu.memory_space<vmem>> -> memref<1x1x50xi32, #tpu.memory_space<vmem>>
      %dma_start3A_1119 = tpu.memref_squeeze %dma_start3A_1118 : memref<1x1x50xi32, #tpu.memory_space<vmem>> -> memref<50xi32, #tpu.memory_space<vmem>>
      %dma_start3A_1120 = arith.constant 0 : i32
      %dma_start3A_1121 = arith.constant 0 : i32
      %dma_start3A_1122 = tpu.memref_slice %arg3[%dma_start3A_1120, %dma_start3A_1121] : memref<1000000x64xf32, #tpu.memory_space<hbm>> -> memref<1000000x64xf32, #tpu.memory_space<hbm>>
      tpu.enqueue_indirect_dma source(%dma_start3A_1122 : memref<1000000x64xf32, #tpu.memory_space<hbm>>) target(%dma_start3A_1116 : memref<50x64xf32, #tpu.memory_space<vmem>>) offsets(%dma_start3A_1119 : memref<50xi32, #tpu.memory_space<vmem>>) semaphore(%arg11 : memref<!tpu.dma_semaphore, #tpu.memory_space<semaphore_mem>>)
      %dma_start3A_1123 = arith.constant 0 : i32
      %dma_start3A_1124 = arith.constant 2 : i32
      %dma_start3A_1125 = arith.constant 0 : i32
      %dma_start3A_1126 = arith.constant 2 : i32
      %dma_start3A_1127 = arith.constant 0 : i32
      %dma_start3A_1128 = arith.constant 0 : i32
      %dma_start3A_1129 = tpu.memref_slice %arg6[%dma_start3A_1125, %dma_start3A_1126, %dma_start3A_1127, %dma_start3A_1128] : memref<2x16x50x64xf32, #tpu.memory_space<vmem>> -> memref<1x1x50x64xf32, #tpu.memory_space<vmem>>
      %dma_start3A_1130 = tpu.memref_squeeze %dma_start3A_1129 : memref<1x1x50x64xf32, #tpu.memory_space<vmem>> -> memref<50x64xf32, #tpu.memory_space<vmem>>
      %dma_start3A_1131 = arith.constant 0 : i32
      %dma_start3A_1132 = tpu.memref_slice %arg5[%dma_start3A_1123, %dma_start3A_1124, %dma_start3A_1131] : memref<2x16x50xi32, #tpu.memory_space<vmem>> -> memref<1x1x50xi32, #tpu.memory_space<vmem>>
      %dma_start3A_1133 = tpu.memref_squeeze %dma_start3A_1132 : memref<1x1x50xi32, #tpu.memory_space<vmem>> -> memref<50xi32, #tpu.memory_space<vmem>>
      %dma_start3A_1134 = arith.constant 0 : i32
      %dma_start3A_1135 = arith.constant 0 : i32
      %dma_start3A_1136 = tpu.memref_slice %arg3[%dma_start3A_1134, %dma_start3A_1135] : memref<1000000x64xf32, #tpu.memory_space<hbm>> -> memref<1000000x64xf32, #tpu.memory_space<hbm>>
      tpu.enqueue_indirect_dma source(%dma_start3A_1136 : memref<1000000x64xf32, #tpu.memory_space<hbm>>) target(%dma_start3A_1130 : memref<50x64xf32, #tpu.memory_space<vmem>>) offsets(%dma_start3A_1133 : memref<50xi32, #tpu.memory_space<vmem>>) semaphore(%arg11 : memref<!tpu.dma_semaphore, #tpu.memory_space<semaphore_mem>>)
      %dma_start3A_1137 = arith.constant 0 : i32
      %dma_start3A_1138 = arith.constant 3 : i32
      %dma_start3A_1139 = arith.constant 0 : i32
      %dma_start3A_1140 = arith.constant 3 : i32
      %dma_start3A_1141 = arith.constant 0 : i32
      %dma_start3A_1142 = arith.constant 0 : i32
      %dma_start3A_1143 = tpu.memref_slice %arg6[%dma_start3A_1139, %dma_start3A_1140, %dma_start3A_1141, %dma_start3A_1142] : memref<2x16x50x64xf32, #tpu.memory_space<vmem>> -> memref<1x1x50x64xf32, #tpu.memory_space<vmem>>
      %dma_start3A_1144 = tpu.memref_squeeze %dma_start3A_1143 : memref<1x1x50x64xf32, #tpu.memory_space<vmem>> -> memref<50x64xf32, #tpu.memory_space<vmem>>
      %dma_start3A_1145 = arith.constant 0 : i32
      %dma_start3A_1146 = tpu.memref_slice %arg5[%dma_start3A_1137, %dma_start3A_1138, %dma_start3A_1145] : memref<2x16x50xi32, #tpu.memory_space<vmem>> -> memref<1x1x50xi32, #tpu.memory_space<vmem>>
      %dma_start3A_1147 = tpu.memref_squeeze %dma_start3A_1146 : memref<1x1x50xi32, #tpu.memory_space<vmem>> -> memref<50xi32, #tpu.memory_space<vmem>>
      %dma_start3A_1148 = arith.constant 0 : i32
      %dma_start3A_1149 = arith.constant 0 : i32
      %dma_start3A_1150 = tpu.memref_slice %arg3[%dma_start3A_1148, %dma_start3A_1149] : memref<1000000x64xf32, #tpu.memory_space<hbm>> -> memref<1000000x64xf32, #tpu.memory_space<hbm>>
      tpu.enqueue_indirect_dma source(%dma_start3A_1150 : memref<1000000x64xf32, #tpu.memory_space<hbm>>) target(%dma_start3A_1144 : memref<50x64xf32, #tpu.memory_space<vmem>>) offsets(%dma_start3A_1147 : memref<50xi32, #tpu.memory_space<vmem>>) semaphore(%arg11 : memref<!tpu.dma_semaphore, #tpu.memory_space<semaphore_mem>>)
      %dma_start3A_1151 = arith.constant 0 : i32
      %dma_start3A_1152 = arith.constant 4 : i32
      %dma_start3A_1153 = arith.constant 0 : i32
      %dma_start3A_1154 = arith.constant 4 : i32
      %dma_start3A_1155 = arith.constant 0 : i32
      %dma_start3A_1156 = arith.constant 0 : i32
      %dma_start3A_1157 = tpu.memref_slice %arg6[%dma_start3A_1153, %dma_start3A_1154, %dma_start3A_1155, %dma_start3A_1156] : memref<2x16x50x64xf32, #tpu.memory_space<vmem>> -> memref<1x1x50x64xf32, #tpu.memory_space<vmem>>
      %dma_start3A_1158 = tpu.memref_squeeze %dma_start3A_1157 : memref<1x1x50x64xf32, #tpu.memory_space<vmem>> -> memref<50x64xf32, #tpu.memory_space<vmem>>
      %dma_start3A_1159 = arith.constant 0 : i32
      %dma_start3A_1160 = tpu.memref_slice %arg5[%dma_start3A_1151, %dma_start3A_1152, %dma_start3A_1159] : memref<2x16x50xi32, #tpu.memory_space<vmem>> -> memref<1x1x50xi32, #tpu.memory_space<vmem>>
      %dma_start3A_1161 = tpu.memref_squeeze %dma_start3A_1160 : memref<1x1x50xi32, #tpu.memory_space<vmem>> -> memref<50xi32, #tpu.memory_space<vmem>>
      %dma_start3A_1162 = arith.constant 0 : i32
      %dma_start3A_1163 = arith.constant 0 : i32
      %dma_start3A_1164 = tpu.memref_slice %arg3[%dma_start3A_1162, %dma_start3A_1163] : memref<1000000x64xf32, #tpu.memory_space<hbm>> -> memref<1000000x64xf32, #tpu.memory_space<hbm>>
      tpu.enqueue_indirect_dma source(%dma_start3A_1164 : memref<1000000x64xf32, #tpu.memory_space<hbm>>) target(%dma_start3A_1158 : memref<50x64xf32, #tpu.memory_space<vmem>>) offsets(%dma_start3A_1161 : memref<50xi32, #tpu.memory_space<vmem>>) semaphore(%arg11 : memref<!tpu.dma_semaphore, #tpu.memory_space<semaphore_mem>>)
      %dma_start3A_1165 = arith.constant 0 : i32
      %dma_start3A_1166 = arith.constant 5 : i32
      %dma_start3A_1167 = arith.constant 0 : i32
      %dma_start3A_1168 = arith.constant 5 : i32
      %dma_start3A_1169 = arith.constant 0 : i32
      %dma_start3A_1170 = arith.constant 0 : i32
      %dma_start3A_1171 = tpu.memref_slice %arg6[%dma_start3A_1167, %dma_start3A_1168, %dma_start3A_1169, %dma_start3A_1170] : memref<2x16x50x64xf32, #tpu.memory_space<vmem>> -> memref<1x1x50x64xf32, #tpu.memory_space<vmem>>
      %dma_start3A_1172 = tpu.memref_squeeze %dma_start3A_1171 : memref<1x1x50x64xf32, #tpu.memory_space<vmem>> -> memref<50x64xf32, #tpu.memory_space<vmem>>
      %dma_start3A_1173 = arith.constant 0 : i32
      %dma_start3A_1174 = tpu.memref_slice %arg5[%dma_start3A_1165, %dma_start3A_1166, %dma_start3A_1173] : memref<2x16x50xi32, #tpu.memory_space<vmem>> -> memref<1x1x50xi32, #tpu.memory_space<vmem>>
      %dma_start3A_1175 = tpu.memref_squeeze %dma_start3A_1174 : memref<1x1x50xi32, #tpu.memory_space<vmem>> -> memref<50xi32, #tpu.memory_space<vmem>>
      %dma_start3A_1176 = arith.constant 0 : i32
      %dma_start3A_1177 = arith.constant 0 : i32
      %dma_start3A_1178 = tpu.memref_slice %arg3[%dma_start3A_1176, %dma_start3A_1177] : memref<1000000x64xf32, #tpu.memory_space<hbm>> -> memref<1000000x64xf32, #tpu.memory_space<hbm>>
      tpu.enqueue_indirect_dma source(%dma_start3A_1178 : memref<1000000x64xf32, #tpu.memory_space<hbm>>) target(%dma_start3A_1172 : memref<50x64xf32, #tpu.memory_space<vmem>>) offsets(%dma_start3A_1175 : memref<50xi32, #tpu.memory_space<vmem>>) semaphore(%arg11 : memref<!tpu.dma_semaphore, #tpu.memory_space<semaphore_mem>>)
      %dma_start3A_1179 = arith.constant 0 : i32
      %dma_start3A_1180 = arith.constant 6 : i32
      %dma_start3A_1181 = arith.constant 0 : i32
      %dma_start3A_1182 = arith.constant 6 : i32
      %dma_start3A_1183 = arith.constant 0 : i32
      %dma_start3A_1184 = arith.constant 0 : i32
      %dma_start3A_1185 = tpu.memref_slice %arg6[%dma_start3A_1181, %dma_start3A_1182, %dma_start3A_1183, %dma_start3A_1184] : memref<2x16x50x64xf32, #tpu.memory_space<vmem>> -> memref<1x1x50x64xf32, #tpu.memory_space<vmem>>
      %dma_start3A_1186 = tpu.memref_squeeze %dma_start3A_1185 : memref<1x1x50x64xf32, #tpu.memory_space<vmem>> -> memref<50x64xf32, #tpu.memory_space<vmem>>
      %dma_start3A_1187 = arith.constant 0 : i32
      %dma_start3A_1188 = tpu.memref_slice %arg5[%dma_start3A_1179, %dma_start3A_1180, %dma_start3A_1187] : memref<2x16x50xi32, #tpu.memory_space<vmem>> -> memref<1x1x50xi32, #tpu.memory_space<vmem>>
      %dma_start3A_1189 = tpu.memref_squeeze %dma_start3A_1188 : memref<1x1x50xi32, #tpu.memory_space<vmem>> -> memref<50xi32, #tpu.memory_space<vmem>>
      %dma_start3A_1190 = arith.constant 0 : i32
      %dma_start3A_1191 = arith.constant 0 : i32
      %dma_start3A_1192 = tpu.memref_slice %arg3[%dma_start3A_1190, %dma_start3A_1191] : memref<1000000x64xf32, #tpu.memory_space<hbm>> -> memref<1000000x64xf32, #tpu.memory_space<hbm>>
      tpu.enqueue_indirect_dma source(%dma_start3A_1192 : memref<1000000x64xf32, #tpu.memory_space<hbm>>) target(%dma_start3A_1186 : memref<50x64xf32, #tpu.memory_space<vmem>>) offsets(%dma_start3A_1189 : memref<50xi32, #tpu.memory_space<vmem>>) semaphore(%arg11 : memref<!tpu.dma_semaphore, #tpu.memory_space<semaphore_mem>>)
      %dma_start3A_1193 = arith.constant 0 : i32
      %dma_start3A_1194 = arith.constant 7 : i32
      %dma_start3A_1195 = arith.constant 0 : i32
      %dma_start3A_1196 = arith.constant 7 : i32
      %dma_start3A_1197 = arith.constant 0 : i32
      %dma_start3A_1198 = arith.constant 0 : i32
      %dma_start3A_1199 = tpu.memref_slice %arg6[%dma_start3A_1195, %dma_start3A_1196, %dma_start3A_1197, %dma_start3A_1198] : memref<2x16x50x64xf32, #tpu.memory_space<vmem>> -> memref<1x1x50x64xf32, #tpu.memory_space<vmem>>
      %dma_start3A_1200 = tpu.memref_squeeze %dma_start3A_1199 : memref<1x1x50x64xf32, #tpu.memory_space<vmem>> -> memref<50x64xf32, #tpu.memory_space<vmem>>
      %dma_start3A_1201 = arith.constant 0 : i32
      %dma_start3A_1202 = tpu.memref_slice %arg5[%dma_start3A_1193, %dma_start3A_1194, %dma_start3A_1201] : memref<2x16x50xi32, #tpu.memory_space<vmem>> -> memref<1x1x50xi32, #tpu.memory_space<vmem>>
      %dma_start3A_1203 = tpu.memref_squeeze %dma_start3A_1202 : memref<1x1x50xi32, #tpu.memory_space<vmem>> -> memref<50xi32, #tpu.memory_space<vmem>>
      %dma_start3A_1204 = arith.constant 0 : i32
      %dma_start3A_1205 = arith.constant 0 : i32
      %dma_start3A_1206 = tpu.memref_slice %arg3[%dma_start3A_1204, %dma_start3A_1205] : memref<1000000x64xf32, #tpu.memory_space<hbm>> -> memref<1000000x64xf32, #tpu.memory_space<hbm>>
      tpu.enqueue_indirect_dma source(%dma_start3A_1206 : memref<1000000x64xf32, #tpu.memory_space<hbm>>) target(%dma_start3A_1200 : memref<50x64xf32, #tpu.memory_space<vmem>>) offsets(%dma_start3A_1203 : memref<50xi32, #tpu.memory_space<vmem>>) semaphore(%arg11 : memref<!tpu.dma_semaphore, #tpu.memory_space<semaphore_mem>>)
      %dma_start3A_1207 = arith.constant 0 : i32
      %dma_start3A_1208 = arith.constant 8 : i32
      %dma_start3A_1209 = arith.constant 0 : i32
      %dma_start3A_1210 = arith.constant 8 : i32
      %dma_start3A_1211 = arith.constant 0 : i32
      %dma_start3A_1212 = arith.constant 0 : i32
      %dma_start3A_1213 = tpu.memref_slice %arg6[%dma_start3A_1209, %dma_start3A_1210, %dma_start3A_1211, %dma_start3A_1212] : memref<2x16x50x64xf32, #tpu.memory_space<vmem>> -> memref<1x1x50x64xf32, #tpu.memory_space<vmem>>
      %dma_start3A_1214 = tpu.memref_squeeze %dma_start3A_1213 : memref<1x1x50x64xf32, #tpu.memory_space<vmem>> -> memref<50x64xf32, #tpu.memory_space<vmem>>
      %dma_start3A_1215 = arith.constant 0 : i32
      %dma_start3A_1216 = tpu.memref_slice %arg5[%dma_start3A_1207, %dma_start3A_1208, %dma_start3A_1215] : memref<2x16x50xi32, #tpu.memory_space<vmem>> -> memref<1x1x50xi32, #tpu.memory_space<vmem>>
      %dma_start3A_1217 = tpu.memref_squeeze %dma_start3A_1216 : memref<1x1x50xi32, #tpu.memory_space<vmem>> -> memref<50xi32, #tpu.memory_space<vmem>>
      %dma_start3A_1218 = arith.constant 0 : i32
      %dma_start3A_1219 = arith.constant 0 : i32
      %dma_start3A_1220 = tpu.memref_slice %arg3[%dma_start3A_1218, %dma_start3A_1219] : memref<1000000x64xf32, #tpu.memory_space<hbm>> -> memref<1000000x64xf32, #tpu.memory_space<hbm>>
      tpu.enqueue_indirect_dma source(%dma_start3A_1220 : memref<1000000x64xf32, #tpu.memory_space<hbm>>) target(%dma_start3A_1214 : memref<50x64xf32, #tpu.memory_space<vmem>>) offsets(%dma_start3A_1217 : memref<50xi32, #tpu.memory_space<vmem>>) semaphore(%arg11 : memref<!tpu.dma_semaphore, #tpu.memory_space<semaphore_mem>>)
      %dma_start3A_1221 = arith.constant 0 : i32
      %dma_start3A_1222 = arith.constant 9 : i32
      %dma_start3A_1223 = arith.constant 0 : i32
      %dma_start3A_1224 = arith.constant 9 : i32
      %dma_start3A_1225 = arith.constant 0 : i32
      %dma_start3A_1226 = arith.constant 0 : i32
      %dma_start3A_1227 = tpu.memref_slice %arg6[%dma_start3A_1223, %dma_start3A_1224, %dma_start3A_1225, %dma_start3A_1226] : memref<2x16x50x64xf32, #tpu.memory_space<vmem>> -> memref<1x1x50x64xf32, #tpu.memory_space<vmem>>
      %dma_start3A_1228 = tpu.memref_squeeze %dma_start3A_1227 : memref<1x1x50x64xf32, #tpu.memory_space<vmem>> -> memref<50x64xf32, #tpu.memory_space<vmem>>
      %dma_start3A_1229 = arith.constant 0 : i32
      %dma_start3A_1230 = tpu.memref_slice %arg5[%dma_start3A_1221, %dma_start3A_1222, %dma_start3A_1229] : memref<2x16x50xi32, #tpu.memory_space<vmem>> -> memref<1x1x50xi32, #tpu.memory_space<vmem>>
      %dma_start3A_1231 = tpu.memref_squeeze %dma_start3A_1230 : memref<1x1x50xi32, #tpu.memory_space<vmem>> -> memref<50xi32, #tpu.memory_space<vmem>>
      %dma_start3A_1232 = arith.constant 0 : i32
      %dma_start3A_1233 = arith.constant 0 : i32
      %dma_start3A_1234 = tpu.memref_slice %arg3[%dma_start3A_1232, %dma_start3A_1233] : memref<1000000x64xf32, #tpu.memory_space<hbm>> -> memref<1000000x64xf32, #tpu.memory_space<hbm>>
      tpu.enqueue_indirect_dma source(%dma_start3A_1234 : memref<1000000x64xf32, #tpu.memory_space<hbm>>) target(%dma_start3A_1228 : memref<50x64xf32, #tpu.memory_space<vmem>>) offsets(%dma_start3A_1231 : memref<50xi32, #tpu.memory_space<vmem>>) semaphore(%arg11 : memref<!tpu.dma_semaphore, #tpu.memory_space<semaphore_mem>>)
      %dma_start3A_1235 = arith.constant 0 : i32
      %dma_start3A_1236 = arith.constant 10 : i32
      %dma_start3A_1237 = arith.constant 0 : i32
      %dma_start3A_1238 = arith.constant 10 : i32
      %dma_start3A_1239 = arith.constant 0 : i32
      %dma_start3A_1240 = arith.constant 0 : i32
      %dma_start3A_1241 = tpu.memref_slice %arg6[%dma_start3A_1237, %dma_start3A_1238, %dma_start3A_1239, %dma_start3A_1240] : memref<2x16x50x64xf32, #tpu.memory_space<vmem>> -> memref<1x1x50x64xf32, #tpu.memory_space<vmem>>
      %dma_start3A_1242 = tpu.memref_squeeze %dma_start3A_1241 : memref<1x1x50x64xf32, #tpu.memory_space<vmem>> -> memref<50x64xf32, #tpu.memory_space<vmem>>
      %dma_start3A_1243 = arith.constant 0 : i32
      %dma_start3A_1244 = tpu.memref_slice %arg5[%dma_start3A_1235, %dma_start3A_1236, %dma_start3A_1243] : memref<2x16x50xi32, #tpu.memory_space<vmem>> -> memref<1x1x50xi32, #tpu.memory_space<vmem>>
      %dma_start3A_1245 = tpu.memref_squeeze %dma_start3A_1244 : memref<1x1x50xi32, #tpu.memory_space<vmem>> -> memref<50xi32, #tpu.memory_space<vmem>>
      %dma_start3A_1246 = arith.constant 0 : i32
      %dma_start3A_1247 = arith.constant 0 : i32
      %dma_start3A_1248 = tpu.memref_slice %arg3[%dma_start3A_1246, %dma_start3A_1247] : memref<1000000x64xf32, #tpu.memory_space<hbm>> -> memref<1000000x64xf32, #tpu.memory_space<hbm>>
      tpu.enqueue_indirect_dma source(%dma_start3A_1248 : memref<1000000x64xf32, #tpu.memory_space<hbm>>) target(%dma_start3A_1242 : memref<50x64xf32, #tpu.memory_space<vmem>>) offsets(%dma_start3A_1245 : memref<50xi32, #tpu.memory_space<vmem>>) semaphore(%arg11 : memref<!tpu.dma_semaphore, #tpu.memory_space<semaphore_mem>>)
      %dma_start3A_1249 = arith.constant 0 : i32
      %dma_start3A_1250 = arith.constant 11 : i32
      %dma_start3A_1251 = arith.constant 0 : i32
      %dma_start3A_1252 = arith.constant 11 : i32
      %dma_start3A_1253 = arith.constant 0 : i32
      %dma_start3A_1254 = arith.constant 0 : i32
      %dma_start3A_1255 = tpu.memref_slice %arg6[%dma_start3A_1251, %dma_start3A_1252, %dma_start3A_1253, %dma_start3A_1254] : memref<2x16x50x64xf32, #tpu.memory_space<vmem>> -> memref<1x1x50x64xf32, #tpu.memory_space<vmem>>
      %dma_start3A_1256 = tpu.memref_squeeze %dma_start3A_1255 : memref<1x1x50x64xf32, #tpu.memory_space<vmem>> -> memref<50x64xf32, #tpu.memory_space<vmem>>
      %dma_start3A_1257 = arith.constant 0 : i32
      %dma_start3A_1258 = tpu.memref_slice %arg5[%dma_start3A_1249, %dma_start3A_1250, %dma_start3A_1257] : memref<2x16x50xi32, #tpu.memory_space<vmem>> -> memref<1x1x50xi32, #tpu.memory_space<vmem>>
      %dma_start3A_1259 = tpu.memref_squeeze %dma_start3A_1258 : memref<1x1x50xi32, #tpu.memory_space<vmem>> -> memref<50xi32, #tpu.memory_space<vmem>>
      %dma_start3A_1260 = arith.constant 0 : i32
      %dma_start3A_1261 = arith.constant 0 : i32
      %dma_start3A_1262 = tpu.memref_slice %arg3[%dma_start3A_1260, %dma_start3A_1261] : memref<1000000x64xf32, #tpu.memory_space<hbm>> -> memref<1000000x64xf32, #tpu.memory_space<hbm>>
      tpu.enqueue_indirect_dma source(%dma_start3A_1262 : memref<1000000x64xf32, #tpu.memory_space<hbm>>) target(%dma_start3A_1256 : memref<50x64xf32, #tpu.memory_space<vmem>>) offsets(%dma_start3A_1259 : memref<50xi32, #tpu.memory_space<vmem>>) semaphore(%arg11 : memref<!tpu.dma_semaphore, #tpu.memory_space<semaphore_mem>>)
      %dma_start3A_1263 = arith.constant 0 : i32
      %dma_start3A_1264 = arith.constant 12 : i32
      %dma_start3A_1265 = arith.constant 0 : i32
      %dma_start3A_1266 = arith.constant 12 : i32
      %dma_start3A_1267 = arith.constant 0 : i32
      %dma_start3A_1268 = arith.constant 0 : i32
      %dma_start3A_1269 = tpu.memref_slice %arg6[%dma_start3A_1265, %dma_start3A_1266, %dma_start3A_1267, %dma_start3A_1268] : memref<2x16x50x64xf32, #tpu.memory_space<vmem>> -> memref<1x1x50x64xf32, #tpu.memory_space<vmem>>
      %dma_start3A_1270 = tpu.memref_squeeze %dma_start3A_1269 : memref<1x1x50x64xf32, #tpu.memory_space<vmem>> -> memref<50x64xf32, #tpu.memory_space<vmem>>
      %dma_start3A_1271 = arith.constant 0 : i32
      %dma_start3A_1272 = tpu.memref_slice %arg5[%dma_start3A_1263, %dma_start3A_1264, %dma_start3A_1271] : memref<2x16x50xi32, #tpu.memory_space<vmem>> -> memref<1x1x50xi32, #tpu.memory_space<vmem>>
      %dma_start3A_1273 = tpu.memref_squeeze %dma_start3A_1272 : memref<1x1x50xi32, #tpu.memory_space<vmem>> -> memref<50xi32, #tpu.memory_space<vmem>>
      %dma_start3A_1274 = arith.constant 0 : i32
      %dma_start3A_1275 = arith.constant 0 : i32
      %dma_start3A_1276 = tpu.memref_slice %arg3[%dma_start3A_1274, %dma_start3A_1275] : memref<1000000x64xf32, #tpu.memory_space<hbm>> -> memref<1000000x64xf32, #tpu.memory_space<hbm>>
      tpu.enqueue_indirect_dma source(%dma_start3A_1276 : memref<1000000x64xf32, #tpu.memory_space<hbm>>) target(%dma_start3A_1270 : memref<50x64xf32, #tpu.memory_space<vmem>>) offsets(%dma_start3A_1273 : memref<50xi32, #tpu.memory_space<vmem>>) semaphore(%arg11 : memref<!tpu.dma_semaphore, #tpu.memory_space<semaphore_mem>>)
      %dma_start3A_1277 = arith.constant 0 : i32
      %dma_start3A_1278 = arith.constant 13 : i32
      %dma_start3A_1279 = arith.constant 0 : i32
      %dma_start3A_1280 = arith.constant 13 : i32
      %dma_start3A_1281 = arith.constant 0 : i32
      %dma_start3A_1282 = arith.constant 0 : i32
      %dma_start3A_1283 = tpu.memref_slice %arg6[%dma_start3A_1279, %dma_start3A_1280, %dma_start3A_1281, %dma_start3A_1282] : memref<2x16x50x64xf32, #tpu.memory_space<vmem>> -> memref<1x1x50x64xf32, #tpu.memory_space<vmem>>
      %dma_start3A_1284 = tpu.memref_squeeze %dma_start3A_1283 : memref<1x1x50x64xf32, #tpu.memory_space<vmem>> -> memref<50x64xf32, #tpu.memory_space<vmem>>
      %dma_start3A_1285 = arith.constant 0 : i32
      %dma_start3A_1286 = tpu.memref_slice %arg5[%dma_start3A_1277, %dma_start3A_1278, %dma_start3A_1285] : memref<2x16x50xi32, #tpu.memory_space<vmem>> -> memref<1x1x50xi32, #tpu.memory_space<vmem>>
      %dma_start3A_1287 = tpu.memref_squeeze %dma_start3A_1286 : memref<1x1x50xi32, #tpu.memory_space<vmem>> -> memref<50xi32, #tpu.memory_space<vmem>>
      %dma_start3A_1288 = arith.constant 0 : i32
      %dma_start3A_1289 = arith.constant 0 : i32
      %dma_start3A_1290 = tpu.memref_slice %arg3[%dma_start3A_1288, %dma_start3A_1289] : memref<1000000x64xf32, #tpu.memory_space<hbm>> -> memref<1000000x64xf32, #tpu.memory_space<hbm>>
      tpu.enqueue_indirect_dma source(%dma_start3A_1290 : memref<1000000x64xf32, #tpu.memory_space<hbm>>) target(%dma_start3A_1284 : memref<50x64xf32, #tpu.memory_space<vmem>>) offsets(%dma_start3A_1287 : memref<50xi32, #tpu.memory_space<vmem>>) semaphore(%arg11 : memref<!tpu.dma_semaphore, #tpu.memory_space<semaphore_mem>>)
      %dma_start3A_1291 = arith.constant 0 : i32
      %dma_start3A_1292 = arith.constant 14 : i32
      %dma_start3A_1293 = arith.constant 0 : i32
      %dma_start3A_1294 = arith.constant 14 : i32
      %dma_start3A_1295 = arith.constant 0 : i32
      %dma_start3A_1296 = arith.constant 0 : i32
      %dma_start3A_1297 = tpu.memref_slice %arg6[%dma_start3A_1293, %dma_start3A_1294, %dma_start3A_1295, %dma_start3A_1296] : memref<2x16x50x64xf32, #tpu.memory_space<vmem>> -> memref<1x1x50x64xf32, #tpu.memory_space<vmem>>
      %dma_start3A_1298 = tpu.memref_squeeze %dma_start3A_1297 : memref<1x1x50x64xf32, #tpu.memory_space<vmem>> -> memref<50x64xf32, #tpu.memory_space<vmem>>
      %dma_start3A_1299 = arith.constant 0 : i32
      %dma_start3A_1300 = tpu.memref_slice %arg5[%dma_start3A_1291, %dma_start3A_1292, %dma_start3A_1299] : memref<2x16x50xi32, #tpu.memory_space<vmem>> -> memref<1x1x50xi32, #tpu.memory_space<vmem>>
      %dma_start3A_1301 = tpu.memref_squeeze %dma_start3A_1300 : memref<1x1x50xi32, #tpu.memory_space<vmem>> -> memref<50xi32, #tpu.memory_space<vmem>>
      %dma_start3A_1302 = arith.constant 0 : i32
      %dma_start3A_1303 = arith.constant 0 : i32
      %dma_start3A_1304 = tpu.memref_slice %arg3[%dma_start3A_1302, %dma_start3A_1303] : memref<1000000x64xf32, #tpu.memory_space<hbm>> -> memref<1000000x64xf32, #tpu.memory_space<hbm>>
      tpu.enqueue_indirect_dma source(%dma_start3A_1304 : memref<1000000x64xf32, #tpu.memory_space<hbm>>) target(%dma_start3A_1298 : memref<50x64xf32, #tpu.memory_space<vmem>>) offsets(%dma_start3A_1301 : memref<50xi32, #tpu.memory_space<vmem>>) semaphore(%arg11 : memref<!tpu.dma_semaphore, #tpu.memory_space<semaphore_mem>>)
      %dma_start3A_1305 = arith.constant 0 : i32
      %dma_start3A_1306 = arith.constant 15 : i32
      %dma_start3A_1307 = arith.constant 0 : i32
      %dma_start3A_1308 = arith.constant 15 : i32
      %dma_start3A_1309 = arith.constant 0 : i32
      %dma_start3A_1310 = arith.constant 0 : i32
      %dma_start3A_1311 = tpu.memref_slice %arg6[%dma_start3A_1307, %dma_start3A_1308, %dma_start3A_1309, %dma_start3A_1310] : memref<2x16x50x64xf32, #tpu.memory_space<vmem>> -> memref<1x1x50x64xf32, #tpu.memory_space<vmem>>
      %dma_start3A_1312 = tpu.memref_squeeze %dma_start3A_1311 : memref<1x1x50x64xf32, #tpu.memory_space<vmem>> -> memref<50x64xf32, #tpu.memory_space<vmem>>
      %dma_start3A_1313 = arith.constant 0 : i32
      %dma_start3A_1314 = tpu.memref_slice %arg5[%dma_start3A_1305, %dma_start3A_1306, %dma_start3A_1313] : memref<2x16x50xi32, #tpu.memory_space<vmem>> -> memref<1x1x50xi32, #tpu.memory_space<vmem>>
      %dma_start3A_1315 = tpu.memref_squeeze %dma_start3A_1314 : memref<1x1x50xi32, #tpu.memory_space<vmem>> -> memref<50xi32, #tpu.memory_space<vmem>>
      %dma_start3A_1316 = arith.constant 0 : i32
      %dma_start3A_1317 = arith.constant 0 : i32
      %dma_start3A_1318 = tpu.memref_slice %arg3[%dma_start3A_1316, %dma_start3A_1317] : memref<1000000x64xf32, #tpu.memory_space<hbm>> -> memref<1000000x64xf32, #tpu.memory_space<hbm>>
      tpu.enqueue_indirect_dma source(%dma_start3A_1318 : memref<1000000x64xf32, #tpu.memory_space<hbm>>) target(%dma_start3A_1312 : memref<50x64xf32, #tpu.memory_space<vmem>>) offsets(%dma_start3A_1315 : memref<50xi32, #tpu.memory_space<vmem>>) semaphore(%arg11 : memref<!tpu.dma_semaphore, #tpu.memory_space<semaphore_mem>>)
      %dma_wait3A_1319 = arith.constant 0 : i32
      %dma_wait3A_1320 = arith.constant 0 : i32
      %dma_wait3A_1321 = arith.constant 0 : i32
      %dma_wait3A_1322 = arith.constant 0 : i32
      %dma_wait3A_1323 = arith.constant 0 : i32
      %dma_wait3A_1324 = arith.constant 0 : i32
      %dma_wait3A_1325 = tpu.memref_slice %arg6[%dma_wait3A_1321, %dma_wait3A_1322, %dma_wait3A_1323, %dma_wait3A_1324] : memref<2x16x50x64xf32, #tpu.memory_space<vmem>> -> memref<1x1x50x64xf32, #tpu.memory_space<vmem>>
      %dma_wait3A_1326 = tpu.memref_squeeze %dma_wait3A_1325 : memref<1x1x50x64xf32, #tpu.memory_space<vmem>> -> memref<50x64xf32, #tpu.memory_space<vmem>>
      %dma_wait3A_1327 = arith.constant 0 : i32
      %dma_wait3A_1328 = tpu.memref_slice %arg5[%dma_wait3A_1319, %dma_wait3A_1320, %dma_wait3A_1327] : memref<2x16x50xi32, #tpu.memory_space<vmem>> -> memref<1x1x50xi32, #tpu.memory_space<vmem>>
      %dma_wait3A_1329 = tpu.memref_squeeze %dma_wait3A_1328 : memref<1x1x50xi32, #tpu.memory_space<vmem>> -> memref<50xi32, #tpu.memory_space<vmem>>
      %dma_wait3A_1330 = arith.constant 0 : i32
      %dma_wait3A_1331 = arith.constant 0 : i32
      %dma_wait3A_1332 = tpu.memref_slice %arg3[%dma_wait3A_1330, %dma_wait3A_1331] : memref<1000000x64xf32, #tpu.memory_space<hbm>> -> memref<1000000x64xf32, #tpu.memory_space<hbm>>
      tpu.wait_indirect_dma semaphore(%arg11 : memref<!tpu.dma_semaphore, #tpu.memory_space<semaphore_mem>>) src(%dma_wait3A_1332 : memref<1000000x64xf32, #tpu.memory_space<hbm>>) dst(%dma_wait3A_1326 : memref<50x64xf32, #tpu.memory_space<vmem>>)
      %dma_wait3A_1333 = arith.constant 0 : i32
      %dma_wait3A_1334 = arith.constant 1 : i32
      %dma_wait3A_1335 = arith.constant 0 : i32
      %dma_wait3A_1336 = arith.constant 1 : i32
      %dma_wait3A_1337 = arith.constant 0 : i32
      %dma_wait3A_1338 = arith.constant 0 : i32
      %dma_wait3A_1339 = tpu.memref_slice %arg6[%dma_wait3A_1335, %dma_wait3A_1336, %dma_wait3A_1337, %dma_wait3A_1338] : memref<2x16x50x64xf32, #tpu.memory_space<vmem>> -> memref<1x1x50x64xf32, #tpu.memory_space<vmem>>
      %dma_wait3A_1340 = tpu.memref_squeeze %dma_wait3A_1339 : memref<1x1x50x64xf32, #tpu.memory_space<vmem>> -> memref<50x64xf32, #tpu.memory_space<vmem>>
      %dma_wait3A_1341 = arith.constant 0 : i32
      %dma_wait3A_1342 = tpu.memref_slice %arg5[%dma_wait3A_1333, %dma_wait3A_1334, %dma_wait3A_1341] : memref<2x16x50xi32, #tpu.memory_space<vmem>> -> memref<1x1x50xi32, #tpu.memory_space<vmem>>
      %dma_wait3A_1343 = tpu.memref_squeeze %dma_wait3A_1342 : memref<1x1x50xi32, #tpu.memory_space<vmem>> -> memref<50xi32, #tpu.memory_space<vmem>>
      %dma_wait3A_1344 = arith.constant 0 : i32
      %dma_wait3A_1345 = arith.constant 0 : i32
      %dma_wait3A_1346 = tpu.memref_slice %arg3[%dma_wait3A_1344, %dma_wait3A_1345] : memref<1000000x64xf32, #tpu.memory_space<hbm>> -> memref<1000000x64xf32, #tpu.memory_space<hbm>>
      tpu.wait_indirect_dma semaphore(%arg11 : memref<!tpu.dma_semaphore, #tpu.memory_space<semaphore_mem>>) src(%dma_wait3A_1346 : memref<1000000x64xf32, #tpu.memory_space<hbm>>) dst(%dma_wait3A_1340 : memref<50x64xf32, #tpu.memory_space<vmem>>)
      %dma_wait3A_1347 = arith.constant 0 : i32
      %dma_wait3A_1348 = arith.constant 2 : i32
      %dma_wait3A_1349 = arith.constant 0 : i32
      %dma_wait3A_1350 = arith.constant 2 : i32
      %dma_wait3A_1351 = arith.constant 0 : i32
      %dma_wait3A_1352 = arith.constant 0 : i32
      %dma_wait3A_1353 = tpu.memref_slice %arg6[%dma_wait3A_1349, %dma_wait3A_1350, %dma_wait3A_1351, %dma_wait3A_1352] : memref<2x16x50x64xf32, #tpu.memory_space<vmem>> -> memref<1x1x50x64xf32, #tpu.memory_space<vmem>>
      %dma_wait3A_1354 = tpu.memref_squeeze %dma_wait3A_1353 : memref<1x1x50x64xf32, #tpu.memory_space<vmem>> -> memref<50x64xf32, #tpu.memory_space<vmem>>
      %dma_wait3A_1355 = arith.constant 0 : i32
      %dma_wait3A_1356 = tpu.memref_slice %arg5[%dma_wait3A_1347, %dma_wait3A_1348, %dma_wait3A_1355] : memref<2x16x50xi32, #tpu.memory_space<vmem>> -> memref<1x1x50xi32, #tpu.memory_space<vmem>>
      %dma_wait3A_1357 = tpu.memref_squeeze %dma_wait3A_1356 : memref<1x1x50xi32, #tpu.memory_space<vmem>> -> memref<50xi32, #tpu.memory_space<vmem>>
      %dma_wait3A_1358 = arith.constant 0 : i32
      %dma_wait3A_1359 = arith.constant 0 : i32
      %dma_wait3A_1360 = tpu.memref_slice %arg3[%dma_wait3A_1358, %dma_wait3A_1359] : memref<1000000x64xf32, #tpu.memory_space<hbm>> -> memref<1000000x64xf32, #tpu.memory_space<hbm>>
      tpu.wait_indirect_dma semaphore(%arg11 : memref<!tpu.dma_semaphore, #tpu.memory_space<semaphore_mem>>) src(%dma_wait3A_1360 : memref<1000000x64xf32, #tpu.memory_space<hbm>>) dst(%dma_wait3A_1354 : memref<50x64xf32, #tpu.memory_space<vmem>>)
      %dma_wait3A_1361 = arith.constant 0 : i32
      %dma_wait3A_1362 = arith.constant 3 : i32
      %dma_wait3A_1363 = arith.constant 0 : i32
      %dma_wait3A_1364 = arith.constant 3 : i32
      %dma_wait3A_1365 = arith.constant 0 : i32
      %dma_wait3A_1366 = arith.constant 0 : i32
      %dma_wait3A_1367 = tpu.memref_slice %arg6[%dma_wait3A_1363, %dma_wait3A_1364, %dma_wait3A_1365, %dma_wait3A_1366] : memref<2x16x50x64xf32, #tpu.memory_space<vmem>> -> memref<1x1x50x64xf32, #tpu.memory_space<vmem>>
      %dma_wait3A_1368 = tpu.memref_squeeze %dma_wait3A_1367 : memref<1x1x50x64xf32, #tpu.memory_space<vmem>> -> memref<50x64xf32, #tpu.memory_space<vmem>>
      %dma_wait3A_1369 = arith.constant 0 : i32
      %dma_wait3A_1370 = tpu.memref_slice %arg5[%dma_wait3A_1361, %dma_wait3A_1362, %dma_wait3A_1369] : memref<2x16x50xi32, #tpu.memory_space<vmem>> -> memref<1x1x50xi32, #tpu.memory_space<vmem>>
      %dma_wait3A_1371 = tpu.memref_squeeze %dma_wait3A_1370 : memref<1x1x50xi32, #tpu.memory_space<vmem>> -> memref<50xi32, #tpu.memory_space<vmem>>
      %dma_wait3A_1372 = arith.constant 0 : i32
      %dma_wait3A_1373 = arith.constant 0 : i32
      %dma_wait3A_1374 = tpu.memref_slice %arg3[%dma_wait3A_1372, %dma_wait3A_1373] : memref<1000000x64xf32, #tpu.memory_space<hbm>> -> memref<1000000x64xf32, #tpu.memory_space<hbm>>
      tpu.wait_indirect_dma semaphore(%arg11 : memref<!tpu.dma_semaphore, #tpu.memory_space<semaphore_mem>>) src(%dma_wait3A_1374 : memref<1000000x64xf32, #tpu.memory_space<hbm>>) dst(%dma_wait3A_1368 : memref<50x64xf32, #tpu.memory_space<vmem>>)
      %dma_wait3A_1375 = arith.constant 0 : i32
      %dma_wait3A_1376 = arith.constant 4 : i32
      %dma_wait3A_1377 = arith.constant 0 : i32
      %dma_wait3A_1378 = arith.constant 4 : i32
      %dma_wait3A_1379 = arith.constant 0 : i32
      %dma_wait3A_1380 = arith.constant 0 : i32
      %dma_wait3A_1381 = tpu.memref_slice %arg6[%dma_wait3A_1377, %dma_wait3A_1378, %dma_wait3A_1379, %dma_wait3A_1380] : memref<2x16x50x64xf32, #tpu.memory_space<vmem>> -> memref<1x1x50x64xf32, #tpu.memory_space<vmem>>
      %dma_wait3A_1382 = tpu.memref_squeeze %dma_wait3A_1381 : memref<1x1x50x64xf32, #tpu.memory_space<vmem>> -> memref<50x64xf32, #tpu.memory_space<vmem>>
      %dma_wait3A_1383 = arith.constant 0 : i32
      %dma_wait3A_1384 = tpu.memref_slice %arg5[%dma_wait3A_1375, %dma_wait3A_1376, %dma_wait3A_1383] : memref<2x16x50xi32, #tpu.memory_space<vmem>> -> memref<1x1x50xi32, #tpu.memory_space<vmem>>
      %dma_wait3A_1385 = tpu.memref_squeeze %dma_wait3A_1384 : memref<1x1x50xi32, #tpu.memory_space<vmem>> -> memref<50xi32, #tpu.memory_space<vmem>>
      %dma_wait3A_1386 = arith.constant 0 : i32
      %dma_wait3A_1387 = arith.constant 0 : i32
      %dma_wait3A_1388 = tpu.memref_slice %arg3[%dma_wait3A_1386, %dma_wait3A_1387] : memref<1000000x64xf32, #tpu.memory_space<hbm>> -> memref<1000000x64xf32, #tpu.memory_space<hbm>>
      tpu.wait_indirect_dma semaphore(%arg11 : memref<!tpu.dma_semaphore, #tpu.memory_space<semaphore_mem>>) src(%dma_wait3A_1388 : memref<1000000x64xf32, #tpu.memory_space<hbm>>) dst(%dma_wait3A_1382 : memref<50x64xf32, #tpu.memory_space<vmem>>)
      %dma_wait3A_1389 = arith.constant 0 : i32
      %dma_wait3A_1390 = arith.constant 5 : i32
      %dma_wait3A_1391 = arith.constant 0 : i32
      %dma_wait3A_1392 = arith.constant 5 : i32
      %dma_wait3A_1393 = arith.constant 0 : i32
      %dma_wait3A_1394 = arith.constant 0 : i32
      %dma_wait3A_1395 = tpu.memref_slice %arg6[%dma_wait3A_1391, %dma_wait3A_1392, %dma_wait3A_1393, %dma_wait3A_1394] : memref<2x16x50x64xf32, #tpu.memory_space<vmem>> -> memref<1x1x50x64xf32, #tpu.memory_space<vmem>>
      %dma_wait3A_1396 = tpu.memref_squeeze %dma_wait3A_1395 : memref<1x1x50x64xf32, #tpu.memory_space<vmem>> -> memref<50x64xf32, #tpu.memory_space<vmem>>
      %dma_wait3A_1397 = arith.constant 0 : i32
      %dma_wait3A_1398 = tpu.memref_slice %arg5[%dma_wait3A_1389, %dma_wait3A_1390, %dma_wait3A_1397] : memref<2x16x50xi32, #tpu.memory_space<vmem>> -> memref<1x1x50xi32, #tpu.memory_space<vmem>>
      %dma_wait3A_1399 = tpu.memref_squeeze %dma_wait3A_1398 : memref<1x1x50xi32, #tpu.memory_space<vmem>> -> memref<50xi32, #tpu.memory_space<vmem>>
      %dma_wait3A_1400 = arith.constant 0 : i32
      %dma_wait3A_1401 = arith.constant 0 : i32
      %dma_wait3A_1402 = tpu.memref_slice %arg3[%dma_wait3A_1400, %dma_wait3A_1401] : memref<1000000x64xf32, #tpu.memory_space<hbm>> -> memref<1000000x64xf32, #tpu.memory_space<hbm>>
      tpu.wait_indirect_dma semaphore(%arg11 : memref<!tpu.dma_semaphore, #tpu.memory_space<semaphore_mem>>) src(%dma_wait3A_1402 : memref<1000000x64xf32, #tpu.memory_space<hbm>>) dst(%dma_wait3A_1396 : memref<50x64xf32, #tpu.memory_space<vmem>>)
      %dma_wait3A_1403 = arith.constant 0 : i32
      %dma_wait3A_1404 = arith.constant 6 : i32
      %dma_wait3A_1405 = arith.constant 0 : i32
      %dma_wait3A_1406 = arith.constant 6 : i32
      %dma_wait3A_1407 = arith.constant 0 : i32
      %dma_wait3A_1408 = arith.constant 0 : i32
      %dma_wait3A_1409 = tpu.memref_slice %arg6[%dma_wait3A_1405, %dma_wait3A_1406, %dma_wait3A_1407, %dma_wait3A_1408] : memref<2x16x50x64xf32, #tpu.memory_space<vmem>> -> memref<1x1x50x64xf32, #tpu.memory_space<vmem>>
      %dma_wait3A_1410 = tpu.memref_squeeze %dma_wait3A_1409 : memref<1x1x50x64xf32, #tpu.memory_space<vmem>> -> memref<50x64xf32, #tpu.memory_space<vmem>>
      %dma_wait3A_1411 = arith.constant 0 : i32
      %dma_wait3A_1412 = tpu.memref_slice %arg5[%dma_wait3A_1403, %dma_wait3A_1404, %dma_wait3A_1411] : memref<2x16x50xi32, #tpu.memory_space<vmem>> -> memref<1x1x50xi32, #tpu.memory_space<vmem>>
      %dma_wait3A_1413 = tpu.memref_squeeze %dma_wait3A_1412 : memref<1x1x50xi32, #tpu.memory_space<vmem>> -> memref<50xi32, #tpu.memory_space<vmem>>
      %dma_wait3A_1414 = arith.constant 0 : i32
      %dma_wait3A_1415 = arith.constant 0 : i32
      %dma_wait3A_1416 = tpu.memref_slice %arg3[%dma_wait3A_1414, %dma_wait3A_1415] : memref<1000000x64xf32, #tpu.memory_space<hbm>> -> memref<1000000x64xf32, #tpu.memory_space<hbm>>
      tpu.wait_indirect_dma semaphore(%arg11 : memref<!tpu.dma_semaphore, #tpu.memory_space<semaphore_mem>>) src(%dma_wait3A_1416 : memref<1000000x64xf32, #tpu.memory_space<hbm>>) dst(%dma_wait3A_1410 : memref<50x64xf32, #tpu.memory_space<vmem>>)
      %dma_wait3A_1417 = arith.constant 0 : i32
      %dma_wait3A_1418 = arith.constant 7 : i32
      %dma_wait3A_1419 = arith.constant 0 : i32
      %dma_wait3A_1420 = arith.constant 7 : i32
      %dma_wait3A_1421 = arith.constant 0 : i32
      %dma_wait3A_1422 = arith.constant 0 : i32
      %dma_wait3A_1423 = tpu.memref_slice %arg6[%dma_wait3A_1419, %dma_wait3A_1420, %dma_wait3A_1421, %dma_wait3A_1422] : memref<2x16x50x64xf32, #tpu.memory_space<vmem>> -> memref<1x1x50x64xf32, #tpu.memory_space<vmem>>
      %dma_wait3A_1424 = tpu.memref_squeeze %dma_wait3A_1423 : memref<1x1x50x64xf32, #tpu.memory_space<vmem>> -> memref<50x64xf32, #tpu.memory_space<vmem>>
      %dma_wait3A_1425 = arith.constant 0 : i32
      %dma_wait3A_1426 = tpu.memref_slice %arg5[%dma_wait3A_1417, %dma_wait3A_1418, %dma_wait3A_1425] : memref<2x16x50xi32, #tpu.memory_space<vmem>> -> memref<1x1x50xi32, #tpu.memory_space<vmem>>
      %dma_wait3A_1427 = tpu.memref_squeeze %dma_wait3A_1426 : memref<1x1x50xi32, #tpu.memory_space<vmem>> -> memref<50xi32, #tpu.memory_space<vmem>>
      %dma_wait3A_1428 = arith.constant 0 : i32
      %dma_wait3A_1429 = arith.constant 0 : i32
      %dma_wait3A_1430 = tpu.memref_slice %arg3[%dma_wait3A_1428, %dma_wait3A_1429] : memref<1000000x64xf32, #tpu.memory_space<hbm>> -> memref<1000000x64xf32, #tpu.memory_space<hbm>>
      tpu.wait_indirect_dma semaphore(%arg11 : memref<!tpu.dma_semaphore, #tpu.memory_space<semaphore_mem>>) src(%dma_wait3A_1430 : memref<1000000x64xf32, #tpu.memory_space<hbm>>) dst(%dma_wait3A_1424 : memref<50x64xf32, #tpu.memory_space<vmem>>)
      %dma_wait3A_1431 = arith.constant 0 : i32
      %dma_wait3A_1432 = arith.constant 8 : i32
      %dma_wait3A_1433 = arith.constant 0 : i32
      %dma_wait3A_1434 = arith.constant 8 : i32
      %dma_wait3A_1435 = arith.constant 0 : i32
      %dma_wait3A_1436 = arith.constant 0 : i32
      %dma_wait3A_1437 = tpu.memref_slice %arg6[%dma_wait3A_1433, %dma_wait3A_1434, %dma_wait3A_1435, %dma_wait3A_1436] : memref<2x16x50x64xf32, #tpu.memory_space<vmem>> -> memref<1x1x50x64xf32, #tpu.memory_space<vmem>>
      %dma_wait3A_1438 = tpu.memref_squeeze %dma_wait3A_1437 : memref<1x1x50x64xf32, #tpu.memory_space<vmem>> -> memref<50x64xf32, #tpu.memory_space<vmem>>
      %dma_wait3A_1439 = arith.constant 0 : i32
      %dma_wait3A_1440 = tpu.memref_slice %arg5[%dma_wait3A_1431, %dma_wait3A_1432, %dma_wait3A_1439] : memref<2x16x50xi32, #tpu.memory_space<vmem>> -> memref<1x1x50xi32, #tpu.memory_space<vmem>>
      %dma_wait3A_1441 = tpu.memref_squeeze %dma_wait3A_1440 : memref<1x1x50xi32, #tpu.memory_space<vmem>> -> memref<50xi32, #tpu.memory_space<vmem>>
      %dma_wait3A_1442 = arith.constant 0 : i32
      %dma_wait3A_1443 = arith.constant 0 : i32
      %dma_wait3A_1444 = tpu.memref_slice %arg3[%dma_wait3A_1442, %dma_wait3A_1443] : memref<1000000x64xf32, #tpu.memory_space<hbm>> -> memref<1000000x64xf32, #tpu.memory_space<hbm>>
      tpu.wait_indirect_dma semaphore(%arg11 : memref<!tpu.dma_semaphore, #tpu.memory_space<semaphore_mem>>) src(%dma_wait3A_1444 : memref<1000000x64xf32, #tpu.memory_space<hbm>>) dst(%dma_wait3A_1438 : memref<50x64xf32, #tpu.memory_space<vmem>>)
      %dma_wait3A_1445 = arith.constant 0 : i32
      %dma_wait3A_1446 = arith.constant 9 : i32
      %dma_wait3A_1447 = arith.constant 0 : i32
      %dma_wait3A_1448 = arith.constant 9 : i32
      %dma_wait3A_1449 = arith.constant 0 : i32
      %dma_wait3A_1450 = arith.constant 0 : i32
      %dma_wait3A_1451 = tpu.memref_slice %arg6[%dma_wait3A_1447, %dma_wait3A_1448, %dma_wait3A_1449, %dma_wait3A_1450] : memref<2x16x50x64xf32, #tpu.memory_space<vmem>> -> memref<1x1x50x64xf32, #tpu.memory_space<vmem>>
      %dma_wait3A_1452 = tpu.memref_squeeze %dma_wait3A_1451 : memref<1x1x50x64xf32, #tpu.memory_space<vmem>> -> memref<50x64xf32, #tpu.memory_space<vmem>>
      %dma_wait3A_1453 = arith.constant 0 : i32
      %dma_wait3A_1454 = tpu.memref_slice %arg5[%dma_wait3A_1445, %dma_wait3A_1446, %dma_wait3A_1453] : memref<2x16x50xi32, #tpu.memory_space<vmem>> -> memref<1x1x50xi32, #tpu.memory_space<vmem>>
      %dma_wait3A_1455 = tpu.memref_squeeze %dma_wait3A_1454 : memref<1x1x50xi32, #tpu.memory_space<vmem>> -> memref<50xi32, #tpu.memory_space<vmem>>
      %dma_wait3A_1456 = arith.constant 0 : i32
      %dma_wait3A_1457 = arith.constant 0 : i32
      %dma_wait3A_1458 = tpu.memref_slice %arg3[%dma_wait3A_1456, %dma_wait3A_1457] : memref<1000000x64xf32, #tpu.memory_space<hbm>> -> memref<1000000x64xf32, #tpu.memory_space<hbm>>
      tpu.wait_indirect_dma semaphore(%arg11 : memref<!tpu.dma_semaphore, #tpu.memory_space<semaphore_mem>>) src(%dma_wait3A_1458 : memref<1000000x64xf32, #tpu.memory_space<hbm>>) dst(%dma_wait3A_1452 : memref<50x64xf32, #tpu.memory_space<vmem>>)
      %dma_wait3A_1459 = arith.constant 0 : i32
      %dma_wait3A_1460 = arith.constant 10 : i32
      %dma_wait3A_1461 = arith.constant 0 : i32
      %dma_wait3A_1462 = arith.constant 10 : i32
      %dma_wait3A_1463 = arith.constant 0 : i32
      %dma_wait3A_1464 = arith.constant 0 : i32
      %dma_wait3A_1465 = tpu.memref_slice %arg6[%dma_wait3A_1461, %dma_wait3A_1462, %dma_wait3A_1463, %dma_wait3A_1464] : memref<2x16x50x64xf32, #tpu.memory_space<vmem>> -> memref<1x1x50x64xf32, #tpu.memory_space<vmem>>
      %dma_wait3A_1466 = tpu.memref_squeeze %dma_wait3A_1465 : memref<1x1x50x64xf32, #tpu.memory_space<vmem>> -> memref<50x64xf32, #tpu.memory_space<vmem>>
      %dma_wait3A_1467 = arith.constant 0 : i32
      %dma_wait3A_1468 = tpu.memref_slice %arg5[%dma_wait3A_1459, %dma_wait3A_1460, %dma_wait3A_1467] : memref<2x16x50xi32, #tpu.memory_space<vmem>> -> memref<1x1x50xi32, #tpu.memory_space<vmem>>
      %dma_wait3A_1469 = tpu.memref_squeeze %dma_wait3A_1468 : memref<1x1x50xi32, #tpu.memory_space<vmem>> -> memref<50xi32, #tpu.memory_space<vmem>>
      %dma_wait3A_1470 = arith.constant 0 : i32
      %dma_wait3A_1471 = arith.constant 0 : i32
      %dma_wait3A_1472 = tpu.memref_slice %arg3[%dma_wait3A_1470, %dma_wait3A_1471] : memref<1000000x64xf32, #tpu.memory_space<hbm>> -> memref<1000000x64xf32, #tpu.memory_space<hbm>>
      tpu.wait_indirect_dma semaphore(%arg11 : memref<!tpu.dma_semaphore, #tpu.memory_space<semaphore_mem>>) src(%dma_wait3A_1472 : memref<1000000x64xf32, #tpu.memory_space<hbm>>) dst(%dma_wait3A_1466 : memref<50x64xf32, #tpu.memory_space<vmem>>)
      %dma_wait3A_1473 = arith.constant 0 : i32
      %dma_wait3A_1474 = arith.constant 11 : i32
      %dma_wait3A_1475 = arith.constant 0 : i32
      %dma_wait3A_1476 = arith.constant 11 : i32
      %dma_wait3A_1477 = arith.constant 0 : i32
      %dma_wait3A_1478 = arith.constant 0 : i32
      %dma_wait3A_1479 = tpu.memref_slice %arg6[%dma_wait3A_1475, %dma_wait3A_1476, %dma_wait3A_1477, %dma_wait3A_1478] : memref<2x16x50x64xf32, #tpu.memory_space<vmem>> -> memref<1x1x50x64xf32, #tpu.memory_space<vmem>>
      %dma_wait3A_1480 = tpu.memref_squeeze %dma_wait3A_1479 : memref<1x1x50x64xf32, #tpu.memory_space<vmem>> -> memref<50x64xf32, #tpu.memory_space<vmem>>
      %dma_wait3A_1481 = arith.constant 0 : i32
      %dma_wait3A_1482 = tpu.memref_slice %arg5[%dma_wait3A_1473, %dma_wait3A_1474, %dma_wait3A_1481] : memref<2x16x50xi32, #tpu.memory_space<vmem>> -> memref<1x1x50xi32, #tpu.memory_space<vmem>>
      %dma_wait3A_1483 = tpu.memref_squeeze %dma_wait3A_1482 : memref<1x1x50xi32, #tpu.memory_space<vmem>> -> memref<50xi32, #tpu.memory_space<vmem>>
      %dma_wait3A_1484 = arith.constant 0 : i32
      %dma_wait3A_1485 = arith.constant 0 : i32
      %dma_wait3A_1486 = tpu.memref_slice %arg3[%dma_wait3A_1484, %dma_wait3A_1485] : memref<1000000x64xf32, #tpu.memory_space<hbm>> -> memref<1000000x64xf32, #tpu.memory_space<hbm>>
      tpu.wait_indirect_dma semaphore(%arg11 : memref<!tpu.dma_semaphore, #tpu.memory_space<semaphore_mem>>) src(%dma_wait3A_1486 : memref<1000000x64xf32, #tpu.memory_space<hbm>>) dst(%dma_wait3A_1480 : memref<50x64xf32, #tpu.memory_space<vmem>>)
      %dma_wait3A_1487 = arith.constant 0 : i32
      %dma_wait3A_1488 = arith.constant 12 : i32
      %dma_wait3A_1489 = arith.constant 0 : i32
      %dma_wait3A_1490 = arith.constant 12 : i32
      %dma_wait3A_1491 = arith.constant 0 : i32
      %dma_wait3A_1492 = arith.constant 0 : i32
      %dma_wait3A_1493 = tpu.memref_slice %arg6[%dma_wait3A_1489, %dma_wait3A_1490, %dma_wait3A_1491, %dma_wait3A_1492] : memref<2x16x50x64xf32, #tpu.memory_space<vmem>> -> memref<1x1x50x64xf32, #tpu.memory_space<vmem>>
      %dma_wait3A_1494 = tpu.memref_squeeze %dma_wait3A_1493 : memref<1x1x50x64xf32, #tpu.memory_space<vmem>> -> memref<50x64xf32, #tpu.memory_space<vmem>>
      %dma_wait3A_1495 = arith.constant 0 : i32
      %dma_wait3A_1496 = tpu.memref_slice %arg5[%dma_wait3A_1487, %dma_wait3A_1488, %dma_wait3A_1495] : memref<2x16x50xi32, #tpu.memory_space<vmem>> -> memref<1x1x50xi32, #tpu.memory_space<vmem>>
      %dma_wait3A_1497 = tpu.memref_squeeze %dma_wait3A_1496 : memref<1x1x50xi32, #tpu.memory_space<vmem>> -> memref<50xi32, #tpu.memory_space<vmem>>
      %dma_wait3A_1498 = arith.constant 0 : i32
      %dma_wait3A_1499 = arith.constant 0 : i32
      %dma_wait3A_1500 = tpu.memref_slice %arg3[%dma_wait3A_1498, %dma_wait3A_1499] : memref<1000000x64xf32, #tpu.memory_space<hbm>> -> memref<1000000x64xf32, #tpu.memory_space<hbm>>
      tpu.wait_indirect_dma semaphore(%arg11 : memref<!tpu.dma_semaphore, #tpu.memory_space<semaphore_mem>>) src(%dma_wait3A_1500 : memref<1000000x64xf32, #tpu.memory_space<hbm>>) dst(%dma_wait3A_1494 : memref<50x64xf32, #tpu.memory_space<vmem>>)
      %dma_wait3A_1501 = arith.constant 0 : i32
      %dma_wait3A_1502 = arith.constant 13 : i32
      %dma_wait3A_1503 = arith.constant 0 : i32
      %dma_wait3A_1504 = arith.constant 13 : i32
      %dma_wait3A_1505 = arith.constant 0 : i32
      %dma_wait3A_1506 = arith.constant 0 : i32
      %dma_wait3A_1507 = tpu.memref_slice %arg6[%dma_wait3A_1503, %dma_wait3A_1504, %dma_wait3A_1505, %dma_wait3A_1506] : memref<2x16x50x64xf32, #tpu.memory_space<vmem>> -> memref<1x1x50x64xf32, #tpu.memory_space<vmem>>
      %dma_wait3A_1508 = tpu.memref_squeeze %dma_wait3A_1507 : memref<1x1x50x64xf32, #tpu.memory_space<vmem>> -> memref<50x64xf32, #tpu.memory_space<vmem>>
      %dma_wait3A_1509 = arith.constant 0 : i32
      %dma_wait3A_1510 = tpu.memref_slice %arg5[%dma_wait3A_1501, %dma_wait3A_1502, %dma_wait3A_1509] : memref<2x16x50xi32, #tpu.memory_space<vmem>> -> memref<1x1x50xi32, #tpu.memory_space<vmem>>
      %dma_wait3A_1511 = tpu.memref_squeeze %dma_wait3A_1510 : memref<1x1x50xi32, #tpu.memory_space<vmem>> -> memref<50xi32, #tpu.memory_space<vmem>>
      %dma_wait3A_1512 = arith.constant 0 : i32
      %dma_wait3A_1513 = arith.constant 0 : i32
      %dma_wait3A_1514 = tpu.memref_slice %arg3[%dma_wait3A_1512, %dma_wait3A_1513] : memref<1000000x64xf32, #tpu.memory_space<hbm>> -> memref<1000000x64xf32, #tpu.memory_space<hbm>>
      tpu.wait_indirect_dma semaphore(%arg11 : memref<!tpu.dma_semaphore, #tpu.memory_space<semaphore_mem>>) src(%dma_wait3A_1514 : memref<1000000x64xf32, #tpu.memory_space<hbm>>) dst(%dma_wait3A_1508 : memref<50x64xf32, #tpu.memory_space<vmem>>)
      %dma_wait3A_1515 = arith.constant 0 : i32
      %dma_wait3A_1516 = arith.constant 14 : i32
      %dma_wait3A_1517 = arith.constant 0 : i32
      %dma_wait3A_1518 = arith.constant 14 : i32
      %dma_wait3A_1519 = arith.constant 0 : i32
      %dma_wait3A_1520 = arith.constant 0 : i32
      %dma_wait3A_1521 = tpu.memref_slice %arg6[%dma_wait3A_1517, %dma_wait3A_1518, %dma_wait3A_1519, %dma_wait3A_1520] : memref<2x16x50x64xf32, #tpu.memory_space<vmem>> -> memref<1x1x50x64xf32, #tpu.memory_space<vmem>>
      %dma_wait3A_1522 = tpu.memref_squeeze %dma_wait3A_1521 : memref<1x1x50x64xf32, #tpu.memory_space<vmem>> -> memref<50x64xf32, #tpu.memory_space<vmem>>
      %dma_wait3A_1523 = arith.constant 0 : i32
      %dma_wait3A_1524 = tpu.memref_slice %arg5[%dma_wait3A_1515, %dma_wait3A_1516, %dma_wait3A_1523] : memref<2x16x50xi32, #tpu.memory_space<vmem>> -> memref<1x1x50xi32, #tpu.memory_space<vmem>>
      %dma_wait3A_1525 = tpu.memref_squeeze %dma_wait3A_1524 : memref<1x1x50xi32, #tpu.memory_space<vmem>> -> memref<50xi32, #tpu.memory_space<vmem>>
      %dma_wait3A_1526 = arith.constant 0 : i32
      %dma_wait3A_1527 = arith.constant 0 : i32
      %dma_wait3A_1528 = tpu.memref_slice %arg3[%dma_wait3A_1526, %dma_wait3A_1527] : memref<1000000x64xf32, #tpu.memory_space<hbm>> -> memref<1000000x64xf32, #tpu.memory_space<hbm>>
      tpu.wait_indirect_dma semaphore(%arg11 : memref<!tpu.dma_semaphore, #tpu.memory_space<semaphore_mem>>) src(%dma_wait3A_1528 : memref<1000000x64xf32, #tpu.memory_space<hbm>>) dst(%dma_wait3A_1522 : memref<50x64xf32, #tpu.memory_space<vmem>>)
      %dma_wait3A_1529 = arith.constant 0 : i32
      %dma_wait3A_1530 = arith.constant 15 : i32
      %dma_wait3A_1531 = arith.constant 0 : i32
      %dma_wait3A_1532 = arith.constant 15 : i32
      %dma_wait3A_1533 = arith.constant 0 : i32
      %dma_wait3A_1534 = arith.constant 0 : i32
      %dma_wait3A_1535 = tpu.memref_slice %arg6[%dma_wait3A_1531, %dma_wait3A_1532, %dma_wait3A_1533, %dma_wait3A_1534] : memref<2x16x50x64xf32, #tpu.memory_space<vmem>> -> memref<1x1x50x64xf32, #tpu.memory_space<vmem>>
      %dma_wait3A_1536 = tpu.memref_squeeze %dma_wait3A_1535 : memref<1x1x50x64xf32, #tpu.memory_space<vmem>> -> memref<50x64xf32, #tpu.memory_space<vmem>>
      %dma_wait3A_1537 = arith.constant 0 : i32
      %dma_wait3A_1538 = tpu.memref_slice %arg5[%dma_wait3A_1529, %dma_wait3A_1530, %dma_wait3A_1537] : memref<2x16x50xi32, #tpu.memory_space<vmem>> -> memref<1x1x50xi32, #tpu.memory_space<vmem>>
      %dma_wait3A_1539 = tpu.memref_squeeze %dma_wait3A_1538 : memref<1x1x50xi32, #tpu.memory_space<vmem>> -> memref<50xi32, #tpu.memory_space<vmem>>
      %dma_wait3A_1540 = arith.constant 0 : i32
      %dma_wait3A_1541 = arith.constant 0 : i32
      %dma_wait3A_1542 = tpu.memref_slice %arg3[%dma_wait3A_1540, %dma_wait3A_1541] : memref<1000000x64xf32, #tpu.memory_space<hbm>> -> memref<1000000x64xf32, #tpu.memory_space<hbm>>
      tpu.wait_indirect_dma semaphore(%arg11 : memref<!tpu.dma_semaphore, #tpu.memory_space<semaphore_mem>>) src(%dma_wait3A_1542 : memref<1000000x64xf32, #tpu.memory_space<hbm>>) dst(%dma_wait3A_1536 : memref<50x64xf32, #tpu.memory_space<vmem>>)
      %mul3A_1543 = arith.constant 16 : i32
      %mul3A_1544 = arith.muli %add3A_1064, %mul3A_1543 : i32
      %add3A_1545 = arith.addi %mul3A_2, %mul3A_1544 : i32
      %dma_start3A_1546 = arith.constant 0 : i32
      %dma_start3A_1547 = arith.constant 0 : i32
      %dma_start3A_1548 = arith.constant 0 : i32
      %dma_start3A_1549 = arith.constant 0 : i32
      %dma_start3A_1550 = tpu.memref_slice %arg6[%dma_start3A_1546, %dma_start3A_1547, %dma_start3A_1548, %dma_start3A_1549] : memref<2x16x50x64xf32, #tpu.memory_space<vmem>> -> memref<1x16x50x64xf32, #tpu.memory_space<vmem>>
      %dma_start3A_1551 = tpu.memref_squeeze %dma_start3A_1550 : memref<1x16x50x64xf32, #tpu.memory_space<vmem>> -> memref<16x50x64xf32, #tpu.memory_space<vmem>>
      %dma_start3A_1552 = arith.constant 0 : i32
      %dma_start3A_1553 = arith.constant 0 : i32
      %dma_start3A_1554 = tpu.memref_slice %arg4[%add3A_1545, %dma_start3A_1552, %dma_start3A_1553] : memref<16384x50x64xf32, #tpu.memory_space<hbm>> -> memref<16x50x64xf32, #tpu.memory_space<hbm>>
      %dma_start3A_1555 = arith.constant 0 : i32
      %dma_start3A_1556 = arith.constant 0 : i32
      %dma_start3A_1557 = tpu.memref_slice %arg4[%add3A_1545, %dma_start3A_1555, %dma_start3A_1556] : memref<16384x50x64xf32, #tpu.memory_space<hbm>> -> memref<16x50x64xf32, #tpu.memory_space<hbm>>
      %dma_start3A_1558 = arith.constant 0 : i32
      %dma_start3A_1559 = arith.constant 0 : i32
      %dma_start3A_1560 = arith.constant 0 : i32
      %dma_start3A_1561 = tpu.memref_slice %arg6[%dma_start3A_1546, %dma_start3A_1558, %dma_start3A_1559, %dma_start3A_1560] : memref<2x16x50x64xf32, #tpu.memory_space<vmem>> -> memref<1x16x50x64xf32, #tpu.memory_space<vmem>>
      %dma_start3A_1562 = tpu.memref_squeeze %dma_start3A_1561 : memref<1x16x50x64xf32, #tpu.memory_space<vmem>> -> memref<16x50x64xf32, #tpu.memory_space<vmem>>
      tpu.enqueue_dma source(%dma_start3A_1562 : memref<16x50x64xf32, #tpu.memory_space<vmem>>) target(%dma_start3A_1557 : memref<16x50x64xf32, #tpu.memory_space<hbm>>) target_semaphore(%arg9 : memref<!tpu.dma_semaphore, #tpu.memory_space<semaphore_mem>>)
      %add3A_1563 = arith.constant 2 : i32
      %add3A_1564 = arith.addi %add3A_1064, %add3A_1563 : i32
      %lt3A = arith.constant 32 : i32
      %lt3A_1565 = arith.cmpi slt, %add3A_1564, %lt3A : i32
      %convert_element_type3A = arith.extui %lt3A_1565 : i1 to i32
      %cond3A = arith.constant 0 : i32
      %cond3A_1566 = arith.cmpi ne, %convert_element_type3A, %cond3A : i32
      scf.if %cond3A_1566 {
        %add3A_2076 = arith.constant 2 : i32
        %add3A_2077 = arith.addi %add3A_1064, %add3A_2076 : i32
        %mul3A_2078 = arith.constant 16 : i32
        %mul3A_2079 = arith.muli %add3A_2077, %mul3A_2078 : i32
        %add3A_2080 = arith.addi %mul3A_2, %mul3A_2079 : i32
        %dma_start3A_2081 = arith.constant 0 : i32
        %dma_start3A_2082 = arith.constant 0 : i32
        %dma_start3A_2083 = arith.constant 0 : i32
        %dma_start3A_2084 = tpu.memref_slice %arg5[%dma_start3A_2081, %dma_start3A_2082, %dma_start3A_2083] : memref<2x16x50xi32, #tpu.memory_space<vmem>> -> memref<1x16x50xi32, #tpu.memory_space<vmem>>
        %dma_start3A_2085 = tpu.memref_squeeze %dma_start3A_2084 : memref<1x16x50xi32, #tpu.memory_space<vmem>> -> memref<16x50xi32, #tpu.memory_space<vmem>>
        %dma_start3A_2086 = arith.constant 0 : i32
        %dma_start3A_2087 = tpu.memref_slice %arg2[%add3A_2080, %dma_start3A_2086] : memref<16384x50xi32, #tpu.memory_space<hbm>> -> memref<16x50xi32, #tpu.memory_space<hbm>>
        %dma_start3A_2088 = arith.constant 0 : i32
        %dma_start3A_2089 = arith.constant 0 : i32
        %dma_start3A_2090 = tpu.memref_slice %arg5[%dma_start3A_2081, %dma_start3A_2088, %dma_start3A_2089] : memref<2x16x50xi32, #tpu.memory_space<vmem>> -> memref<1x16x50xi32, #tpu.memory_space<vmem>>
        %dma_start3A_2091 = tpu.memref_squeeze %dma_start3A_2090 : memref<1x16x50xi32, #tpu.memory_space<vmem>> -> memref<16x50xi32, #tpu.memory_space<vmem>>
        %dma_start3A_2092 = arith.constant 0 : i32
        %dma_start3A_2093 = tpu.memref_slice %arg2[%add3A_2080, %dma_start3A_2092] : memref<16384x50xi32, #tpu.memory_space<hbm>> -> memref<16x50xi32, #tpu.memory_space<hbm>>
        tpu.enqueue_dma source(%dma_start3A_2093 : memref<16x50xi32, #tpu.memory_space<hbm>>) target(%dma_start3A_2091 : memref<16x50xi32, #tpu.memory_space<vmem>>) target_semaphore(%arg7 : memref<!tpu.dma_semaphore, #tpu.memory_space<semaphore_mem>>)
      } else {
      }
      %mul3A_1567 = arith.constant 2 : i32
      %mul3A_1568 = arith.muli %mul3A_1567, %scan3A_1060 : i32
      %add3A_1569 = arith.constant 1 : i32
      %add3A_1570 = arith.addi %mul3A_1568, %add3A_1569 : i32
      %dma_wait3A_1571 = arith.constant 1 : i32
      %dma_wait3A_1572 = arith.constant 0 : i32
      %dma_wait3A_1573 = arith.constant 0 : i32
      %dma_wait3A_1574 = arith.constant 0 : i32
      %dma_wait3A_1575 = tpu.memref_slice %arg6[%dma_wait3A_1571, %dma_wait3A_1572, %dma_wait3A_1573, %dma_wait3A_1574] : memref<2x16x50x64xf32, #tpu.memory_space<vmem>> -> memref<1x16x50x64xf32, #tpu.memory_space<vmem>>
      %dma_wait3A_1576 = tpu.memref_squeeze %dma_wait3A_1575 : memref<1x16x50x64xf32, #tpu.memory_space<vmem>> -> memref<16x50x64xf32, #tpu.memory_space<vmem>>
      %dma_wait3A_1577 = arith.constant 0 : i32
      %dma_wait3A_1578 = arith.constant 0 : i32
      %dma_wait3A_1579 = tpu.memref_slice %arg4[%mul3A_2, %dma_wait3A_1577, %dma_wait3A_1578] : memref<16384x50x64xf32, #tpu.memory_space<hbm>> -> memref<16x50x64xf32, #tpu.memory_space<hbm>>
      %dma_wait3A_1580 = arith.constant 0 : i32
      %dma_wait3A_1581 = arith.constant 0 : i32
      %dma_wait3A_1582 = tpu.memref_slice %arg4[%mul3A_2, %dma_wait3A_1580, %dma_wait3A_1581] : memref<16384x50x64xf32, #tpu.memory_space<hbm>> -> memref<16x50x64xf32, #tpu.memory_space<hbm>>
      %dma_wait3A_1583 = arith.constant 0 : i32
      %dma_wait3A_1584 = arith.constant 0 : i32
      %dma_wait3A_1585 = arith.constant 0 : i32
      %dma_wait3A_1586 = tpu.memref_slice %arg6[%dma_wait3A_1571, %dma_wait3A_1583, %dma_wait3A_1584, %dma_wait3A_1585] : memref<2x16x50x64xf32, #tpu.memory_space<vmem>> -> memref<1x16x50x64xf32, #tpu.memory_space<vmem>>
      %dma_wait3A_1587 = tpu.memref_squeeze %dma_wait3A_1586 : memref<1x16x50x64xf32, #tpu.memory_space<vmem>> -> memref<16x50x64xf32, #tpu.memory_space<vmem>>
      tpu.wait_dma2 semaphore(%arg10 : memref<!tpu.dma_semaphore, #tpu.memory_space<semaphore_mem>>) src(%dma_wait3A_1587 : memref<16x50x64xf32, #tpu.memory_space<vmem>>) dst(%dma_wait3A_1582 : memref<16x50x64xf32, #tpu.memory_space<hbm>>)
      %dma_wait3A_1588 = arith.constant 1 : i32
      %dma_wait3A_1589 = arith.constant 0 : i32
      %dma_wait3A_1590 = arith.constant 0 : i32
      %dma_wait3A_1591 = tpu.memref_slice %arg5[%dma_wait3A_1588, %dma_wait3A_1589, %dma_wait3A_1590] : memref<2x16x50xi32, #tpu.memory_space<vmem>> -> memref<1x16x50xi32, #tpu.memory_space<vmem>>
      %dma_wait3A_1592 = tpu.memref_squeeze %dma_wait3A_1591 : memref<1x16x50xi32, #tpu.memory_space<vmem>> -> memref<16x50xi32, #tpu.memory_space<vmem>>
      %dma_wait3A_1593 = arith.constant 0 : i32
      %dma_wait3A_1594 = tpu.memref_slice %arg2[%mul3A_2, %dma_wait3A_1593] : memref<16384x50xi32, #tpu.memory_space<hbm>> -> memref<16x50xi32, #tpu.memory_space<hbm>>
      %dma_wait3A_1595 = arith.constant 0 : i32
      %dma_wait3A_1596 = arith.constant 0 : i32
      %dma_wait3A_1597 = tpu.memref_slice %arg5[%dma_wait3A_1588, %dma_wait3A_1595, %dma_wait3A_1596] : memref<2x16x50xi32, #tpu.memory_space<vmem>> -> memref<1x16x50xi32, #tpu.memory_space<vmem>>
      %dma_wait3A_1598 = tpu.memref_squeeze %dma_wait3A_1597 : memref<1x16x50xi32, #tpu.memory_space<vmem>> -> memref<16x50xi32, #tpu.memory_space<vmem>>
      %dma_wait3A_1599 = arith.constant 0 : i32
      %dma_wait3A_1600 = tpu.memref_slice %arg2[%mul3A_2, %dma_wait3A_1599] : memref<16384x50xi32, #tpu.memory_space<hbm>> -> memref<16x50xi32, #tpu.memory_space<hbm>>
      tpu.wait_dma2 semaphore(%arg8 : memref<!tpu.dma_semaphore, #tpu.memory_space<semaphore_mem>>) src(%dma_wait3A_1600 : memref<16x50xi32, #tpu.memory_space<hbm>>) dst(%dma_wait3A_1598 : memref<16x50xi32, #tpu.memory_space<vmem>>)
      %dma_start3A_1601 = arith.constant 1 : i32
      %dma_start3A_1602 = arith.constant 0 : i32
      %dma_start3A_1603 = arith.constant 1 : i32
      %dma_start3A_1604 = arith.constant 0 : i32
      %dma_start3A_1605 = arith.constant 0 : i32
      %dma_start3A_1606 = arith.constant 0 : i32
      %dma_start3A_1607 = tpu.memref_slice %arg6[%dma_start3A_1603, %dma_start3A_1604, %dma_start3A_1605, %dma_start3A_1606] : memref<2x16x50x64xf32, #tpu.memory_space<vmem>> -> memref<1x1x50x64xf32, #tpu.memory_space<vmem>>
      %dma_start3A_1608 = tpu.memref_squeeze %dma_start3A_1607 : memref<1x1x50x64xf32, #tpu.memory_space<vmem>> -> memref<50x64xf32, #tpu.memory_space<vmem>>
      %dma_start3A_1609 = arith.constant 0 : i32
      %dma_start3A_1610 = tpu.memref_slice %arg5[%dma_start3A_1601, %dma_start3A_1602, %dma_start3A_1609] : memref<2x16x50xi32, #tpu.memory_space<vmem>> -> memref<1x1x50xi32, #tpu.memory_space<vmem>>
      %dma_start3A_1611 = tpu.memref_squeeze %dma_start3A_1610 : memref<1x1x50xi32, #tpu.memory_space<vmem>> -> memref<50xi32, #tpu.memory_space<vmem>>
      %dma_start3A_1612 = arith.constant 0 : i32
      %dma_start3A_1613 = arith.constant 0 : i32
      %dma_start3A_1614 = tpu.memref_slice %arg3[%dma_start3A_1612, %dma_start3A_1613] : memref<1000000x64xf32, #tpu.memory_space<hbm>> -> memref<1000000x64xf32, #tpu.memory_space<hbm>>
      tpu.enqueue_indirect_dma source(%dma_start3A_1614 : memref<1000000x64xf32, #tpu.memory_space<hbm>>) target(%dma_start3A_1608 : memref<50x64xf32, #tpu.memory_space<vmem>>) offsets(%dma_start3A_1611 : memref<50xi32, #tpu.memory_space<vmem>>) semaphore(%arg11 : memref<!tpu.dma_semaphore, #tpu.memory_space<semaphore_mem>>)
      %dma_start3A_1615 = arith.constant 1 : i32
      %dma_start3A_1616 = arith.constant 1 : i32
      %dma_start3A_1617 = arith.constant 1 : i32
      %dma_start3A_1618 = arith.constant 1 : i32
      %dma_start3A_1619 = arith.constant 0 : i32
      %dma_start3A_1620 = arith.constant 0 : i32
      %dma_start3A_1621 = tpu.memref_slice %arg6[%dma_start3A_1617, %dma_start3A_1618, %dma_start3A_1619, %dma_start3A_1620] : memref<2x16x50x64xf32, #tpu.memory_space<vmem>> -> memref<1x1x50x64xf32, #tpu.memory_space<vmem>>
      %dma_start3A_1622 = tpu.memref_squeeze %dma_start3A_1621 : memref<1x1x50x64xf32, #tpu.memory_space<vmem>> -> memref<50x64xf32, #tpu.memory_space<vmem>>
      %dma_start3A_1623 = arith.constant 0 : i32
      %dma_start3A_1624 = tpu.memref_slice %arg5[%dma_start3A_1615, %dma_start3A_1616, %dma_start3A_1623] : memref<2x16x50xi32, #tpu.memory_space<vmem>> -> memref<1x1x50xi32, #tpu.memory_space<vmem>>
      %dma_start3A_1625 = tpu.memref_squeeze %dma_start3A_1624 : memref<1x1x50xi32, #tpu.memory_space<vmem>> -> memref<50xi32, #tpu.memory_space<vmem>>
      %dma_start3A_1626 = arith.constant 0 : i32
      %dma_start3A_1627 = arith.constant 0 : i32
      %dma_start3A_1628 = tpu.memref_slice %arg3[%dma_start3A_1626, %dma_start3A_1627] : memref<1000000x64xf32, #tpu.memory_space<hbm>> -> memref<1000000x64xf32, #tpu.memory_space<hbm>>
      tpu.enqueue_indirect_dma source(%dma_start3A_1628 : memref<1000000x64xf32, #tpu.memory_space<hbm>>) target(%dma_start3A_1622 : memref<50x64xf32, #tpu.memory_space<vmem>>) offsets(%dma_start3A_1625 : memref<50xi32, #tpu.memory_space<vmem>>) semaphore(%arg11 : memref<!tpu.dma_semaphore, #tpu.memory_space<semaphore_mem>>)
      %dma_start3A_1629 = arith.constant 1 : i32
      %dma_start3A_1630 = arith.constant 2 : i32
      %dma_start3A_1631 = arith.constant 1 : i32
      %dma_start3A_1632 = arith.constant 2 : i32
      %dma_start3A_1633 = arith.constant 0 : i32
      %dma_start3A_1634 = arith.constant 0 : i32
      %dma_start3A_1635 = tpu.memref_slice %arg6[%dma_start3A_1631, %dma_start3A_1632, %dma_start3A_1633, %dma_start3A_1634] : memref<2x16x50x64xf32, #tpu.memory_space<vmem>> -> memref<1x1x50x64xf32, #tpu.memory_space<vmem>>
      %dma_start3A_1636 = tpu.memref_squeeze %dma_start3A_1635 : memref<1x1x50x64xf32, #tpu.memory_space<vmem>> -> memref<50x64xf32, #tpu.memory_space<vmem>>
      %dma_start3A_1637 = arith.constant 0 : i32
      %dma_start3A_1638 = tpu.memref_slice %arg5[%dma_start3A_1629, %dma_start3A_1630, %dma_start3A_1637] : memref<2x16x50xi32, #tpu.memory_space<vmem>> -> memref<1x1x50xi32, #tpu.memory_space<vmem>>
      %dma_start3A_1639 = tpu.memref_squeeze %dma_start3A_1638 : memref<1x1x50xi32, #tpu.memory_space<vmem>> -> memref<50xi32, #tpu.memory_space<vmem>>
      %dma_start3A_1640 = arith.constant 0 : i32
      %dma_start3A_1641 = arith.constant 0 : i32
      %dma_start3A_1642 = tpu.memref_slice %arg3[%dma_start3A_1640, %dma_start3A_1641] : memref<1000000x64xf32, #tpu.memory_space<hbm>> -> memref<1000000x64xf32, #tpu.memory_space<hbm>>
      tpu.enqueue_indirect_dma source(%dma_start3A_1642 : memref<1000000x64xf32, #tpu.memory_space<hbm>>) target(%dma_start3A_1636 : memref<50x64xf32, #tpu.memory_space<vmem>>) offsets(%dma_start3A_1639 : memref<50xi32, #tpu.memory_space<vmem>>) semaphore(%arg11 : memref<!tpu.dma_semaphore, #tpu.memory_space<semaphore_mem>>)
      %dma_start3A_1643 = arith.constant 1 : i32
      %dma_start3A_1644 = arith.constant 3 : i32
      %dma_start3A_1645 = arith.constant 1 : i32
      %dma_start3A_1646 = arith.constant 3 : i32
      %dma_start3A_1647 = arith.constant 0 : i32
      %dma_start3A_1648 = arith.constant 0 : i32
      %dma_start3A_1649 = tpu.memref_slice %arg6[%dma_start3A_1645, %dma_start3A_1646, %dma_start3A_1647, %dma_start3A_1648] : memref<2x16x50x64xf32, #tpu.memory_space<vmem>> -> memref<1x1x50x64xf32, #tpu.memory_space<vmem>>
      %dma_start3A_1650 = tpu.memref_squeeze %dma_start3A_1649 : memref<1x1x50x64xf32, #tpu.memory_space<vmem>> -> memref<50x64xf32, #tpu.memory_space<vmem>>
      %dma_start3A_1651 = arith.constant 0 : i32
      %dma_start3A_1652 = tpu.memref_slice %arg5[%dma_start3A_1643, %dma_start3A_1644, %dma_start3A_1651] : memref<2x16x50xi32, #tpu.memory_space<vmem>> -> memref<1x1x50xi32, #tpu.memory_space<vmem>>
      %dma_start3A_1653 = tpu.memref_squeeze %dma_start3A_1652 : memref<1x1x50xi32, #tpu.memory_space<vmem>> -> memref<50xi32, #tpu.memory_space<vmem>>
      %dma_start3A_1654 = arith.constant 0 : i32
      %dma_start3A_1655 = arith.constant 0 : i32
      %dma_start3A_1656 = tpu.memref_slice %arg3[%dma_start3A_1654, %dma_start3A_1655] : memref<1000000x64xf32, #tpu.memory_space<hbm>> -> memref<1000000x64xf32, #tpu.memory_space<hbm>>
      tpu.enqueue_indirect_dma source(%dma_start3A_1656 : memref<1000000x64xf32, #tpu.memory_space<hbm>>) target(%dma_start3A_1650 : memref<50x64xf32, #tpu.memory_space<vmem>>) offsets(%dma_start3A_1653 : memref<50xi32, #tpu.memory_space<vmem>>) semaphore(%arg11 : memref<!tpu.dma_semaphore, #tpu.memory_space<semaphore_mem>>)
      %dma_start3A_1657 = arith.constant 1 : i32
      %dma_start3A_1658 = arith.constant 4 : i32
      %dma_start3A_1659 = arith.constant 1 : i32
      %dma_start3A_1660 = arith.constant 4 : i32
      %dma_start3A_1661 = arith.constant 0 : i32
      %dma_start3A_1662 = arith.constant 0 : i32
      %dma_start3A_1663 = tpu.memref_slice %arg6[%dma_start3A_1659, %dma_start3A_1660, %dma_start3A_1661, %dma_start3A_1662] : memref<2x16x50x64xf32, #tpu.memory_space<vmem>> -> memref<1x1x50x64xf32, #tpu.memory_space<vmem>>
      %dma_start3A_1664 = tpu.memref_squeeze %dma_start3A_1663 : memref<1x1x50x64xf32, #tpu.memory_space<vmem>> -> memref<50x64xf32, #tpu.memory_space<vmem>>
      %dma_start3A_1665 = arith.constant 0 : i32
      %dma_start3A_1666 = tpu.memref_slice %arg5[%dma_start3A_1657, %dma_start3A_1658, %dma_start3A_1665] : memref<2x16x50xi32, #tpu.memory_space<vmem>> -> memref<1x1x50xi32, #tpu.memory_space<vmem>>
      %dma_start3A_1667 = tpu.memref_squeeze %dma_start3A_1666 : memref<1x1x50xi32, #tpu.memory_space<vmem>> -> memref<50xi32, #tpu.memory_space<vmem>>
      %dma_start3A_1668 = arith.constant 0 : i32
      %dma_start3A_1669 = arith.constant 0 : i32
      %dma_start3A_1670 = tpu.memref_slice %arg3[%dma_start3A_1668, %dma_start3A_1669] : memref<1000000x64xf32, #tpu.memory_space<hbm>> -> memref<1000000x64xf32, #tpu.memory_space<hbm>>
      tpu.enqueue_indirect_dma source(%dma_start3A_1670 : memref<1000000x64xf32, #tpu.memory_space<hbm>>) target(%dma_start3A_1664 : memref<50x64xf32, #tpu.memory_space<vmem>>) offsets(%dma_start3A_1667 : memref<50xi32, #tpu.memory_space<vmem>>) semaphore(%arg11 : memref<!tpu.dma_semaphore, #tpu.memory_space<semaphore_mem>>)
      %dma_start3A_1671 = arith.constant 1 : i32
      %dma_start3A_1672 = arith.constant 5 : i32
      %dma_start3A_1673 = arith.constant 1 : i32
      %dma_start3A_1674 = arith.constant 5 : i32
      %dma_start3A_1675 = arith.constant 0 : i32
      %dma_start3A_1676 = arith.constant 0 : i32
      %dma_start3A_1677 = tpu.memref_slice %arg6[%dma_start3A_1673, %dma_start3A_1674, %dma_start3A_1675, %dma_start3A_1676] : memref<2x16x50x64xf32, #tpu.memory_space<vmem>> -> memref<1x1x50x64xf32, #tpu.memory_space<vmem>>
      %dma_start3A_1678 = tpu.memref_squeeze %dma_start3A_1677 : memref<1x1x50x64xf32, #tpu.memory_space<vmem>> -> memref<50x64xf32, #tpu.memory_space<vmem>>
      %dma_start3A_1679 = arith.constant 0 : i32
      %dma_start3A_1680 = tpu.memref_slice %arg5[%dma_start3A_1671, %dma_start3A_1672, %dma_start3A_1679] : memref<2x16x50xi32, #tpu.memory_space<vmem>> -> memref<1x1x50xi32, #tpu.memory_space<vmem>>
      %dma_start3A_1681 = tpu.memref_squeeze %dma_start3A_1680 : memref<1x1x50xi32, #tpu.memory_space<vmem>> -> memref<50xi32, #tpu.memory_space<vmem>>
      %dma_start3A_1682 = arith.constant 0 : i32
      %dma_start3A_1683 = arith.constant 0 : i32
      %dma_start3A_1684 = tpu.memref_slice %arg3[%dma_start3A_1682, %dma_start3A_1683] : memref<1000000x64xf32, #tpu.memory_space<hbm>> -> memref<1000000x64xf32, #tpu.memory_space<hbm>>
      tpu.enqueue_indirect_dma source(%dma_start3A_1684 : memref<1000000x64xf32, #tpu.memory_space<hbm>>) target(%dma_start3A_1678 : memref<50x64xf32, #tpu.memory_space<vmem>>) offsets(%dma_start3A_1681 : memref<50xi32, #tpu.memory_space<vmem>>) semaphore(%arg11 : memref<!tpu.dma_semaphore, #tpu.memory_space<semaphore_mem>>)
      %dma_start3A_1685 = arith.constant 1 : i32
      %dma_start3A_1686 = arith.constant 6 : i32
      %dma_start3A_1687 = arith.constant 1 : i32
      %dma_start3A_1688 = arith.constant 6 : i32
      %dma_start3A_1689 = arith.constant 0 : i32
      %dma_start3A_1690 = arith.constant 0 : i32
      %dma_start3A_1691 = tpu.memref_slice %arg6[%dma_start3A_1687, %dma_start3A_1688, %dma_start3A_1689, %dma_start3A_1690] : memref<2x16x50x64xf32, #tpu.memory_space<vmem>> -> memref<1x1x50x64xf32, #tpu.memory_space<vmem>>
      %dma_start3A_1692 = tpu.memref_squeeze %dma_start3A_1691 : memref<1x1x50x64xf32, #tpu.memory_space<vmem>> -> memref<50x64xf32, #tpu.memory_space<vmem>>
      %dma_start3A_1693 = arith.constant 0 : i32
      %dma_start3A_1694 = tpu.memref_slice %arg5[%dma_start3A_1685, %dma_start3A_1686, %dma_start3A_1693] : memref<2x16x50xi32, #tpu.memory_space<vmem>> -> memref<1x1x50xi32, #tpu.memory_space<vmem>>
      %dma_start3A_1695 = tpu.memref_squeeze %dma_start3A_1694 : memref<1x1x50xi32, #tpu.memory_space<vmem>> -> memref<50xi32, #tpu.memory_space<vmem>>
      %dma_start3A_1696 = arith.constant 0 : i32
      %dma_start3A_1697 = arith.constant 0 : i32
      %dma_start3A_1698 = tpu.memref_slice %arg3[%dma_start3A_1696, %dma_start3A_1697] : memref<1000000x64xf32, #tpu.memory_space<hbm>> -> memref<1000000x64xf32, #tpu.memory_space<hbm>>
      tpu.enqueue_indirect_dma source(%dma_start3A_1698 : memref<1000000x64xf32, #tpu.memory_space<hbm>>) target(%dma_start3A_1692 : memref<50x64xf32, #tpu.memory_space<vmem>>) offsets(%dma_start3A_1695 : memref<50xi32, #tpu.memory_space<vmem>>) semaphore(%arg11 : memref<!tpu.dma_semaphore, #tpu.memory_space<semaphore_mem>>)
      %dma_start3A_1699 = arith.constant 1 : i32
      %dma_start3A_1700 = arith.constant 7 : i32
      %dma_start3A_1701 = arith.constant 1 : i32
      %dma_start3A_1702 = arith.constant 7 : i32
      %dma_start3A_1703 = arith.constant 0 : i32
      %dma_start3A_1704 = arith.constant 0 : i32
      %dma_start3A_1705 = tpu.memref_slice %arg6[%dma_start3A_1701, %dma_start3A_1702, %dma_start3A_1703, %dma_start3A_1704] : memref<2x16x50x64xf32, #tpu.memory_space<vmem>> -> memref<1x1x50x64xf32, #tpu.memory_space<vmem>>
      %dma_start3A_1706 = tpu.memref_squeeze %dma_start3A_1705 : memref<1x1x50x64xf32, #tpu.memory_space<vmem>> -> memref<50x64xf32, #tpu.memory_space<vmem>>
      %dma_start3A_1707 = arith.constant 0 : i32
      %dma_start3A_1708 = tpu.memref_slice %arg5[%dma_start3A_1699, %dma_start3A_1700, %dma_start3A_1707] : memref<2x16x50xi32, #tpu.memory_space<vmem>> -> memref<1x1x50xi32, #tpu.memory_space<vmem>>
      %dma_start3A_1709 = tpu.memref_squeeze %dma_start3A_1708 : memref<1x1x50xi32, #tpu.memory_space<vmem>> -> memref<50xi32, #tpu.memory_space<vmem>>
      %dma_start3A_1710 = arith.constant 0 : i32
      %dma_start3A_1711 = arith.constant 0 : i32
      %dma_start3A_1712 = tpu.memref_slice %arg3[%dma_start3A_1710, %dma_start3A_1711] : memref<1000000x64xf32, #tpu.memory_space<hbm>> -> memref<1000000x64xf32, #tpu.memory_space<hbm>>
      tpu.enqueue_indirect_dma source(%dma_start3A_1712 : memref<1000000x64xf32, #tpu.memory_space<hbm>>) target(%dma_start3A_1706 : memref<50x64xf32, #tpu.memory_space<vmem>>) offsets(%dma_start3A_1709 : memref<50xi32, #tpu.memory_space<vmem>>) semaphore(%arg11 : memref<!tpu.dma_semaphore, #tpu.memory_space<semaphore_mem>>)
      %dma_start3A_1713 = arith.constant 1 : i32
      %dma_start3A_1714 = arith.constant 8 : i32
      %dma_start3A_1715 = arith.constant 1 : i32
      %dma_start3A_1716 = arith.constant 8 : i32
      %dma_start3A_1717 = arith.constant 0 : i32
      %dma_start3A_1718 = arith.constant 0 : i32
      %dma_start3A_1719 = tpu.memref_slice %arg6[%dma_start3A_1715, %dma_start3A_1716, %dma_start3A_1717, %dma_start3A_1718] : memref<2x16x50x64xf32, #tpu.memory_space<vmem>> -> memref<1x1x50x64xf32, #tpu.memory_space<vmem>>
      %dma_start3A_1720 = tpu.memref_squeeze %dma_start3A_1719 : memref<1x1x50x64xf32, #tpu.memory_space<vmem>> -> memref<50x64xf32, #tpu.memory_space<vmem>>
      %dma_start3A_1721 = arith.constant 0 : i32
      %dma_start3A_1722 = tpu.memref_slice %arg5[%dma_start3A_1713, %dma_start3A_1714, %dma_start3A_1721] : memref<2x16x50xi32, #tpu.memory_space<vmem>> -> memref<1x1x50xi32, #tpu.memory_space<vmem>>
      %dma_start3A_1723 = tpu.memref_squeeze %dma_start3A_1722 : memref<1x1x50xi32, #tpu.memory_space<vmem>> -> memref<50xi32, #tpu.memory_space<vmem>>
      %dma_start3A_1724 = arith.constant 0 : i32
      %dma_start3A_1725 = arith.constant 0 : i32
      %dma_start3A_1726 = tpu.memref_slice %arg3[%dma_start3A_1724, %dma_start3A_1725] : memref<1000000x64xf32, #tpu.memory_space<hbm>> -> memref<1000000x64xf32, #tpu.memory_space<hbm>>
      tpu.enqueue_indirect_dma source(%dma_start3A_1726 : memref<1000000x64xf32, #tpu.memory_space<hbm>>) target(%dma_start3A_1720 : memref<50x64xf32, #tpu.memory_space<vmem>>) offsets(%dma_start3A_1723 : memref<50xi32, #tpu.memory_space<vmem>>) semaphore(%arg11 : memref<!tpu.dma_semaphore, #tpu.memory_space<semaphore_mem>>)
      %dma_start3A_1727 = arith.constant 1 : i32
      %dma_start3A_1728 = arith.constant 9 : i32
      %dma_start3A_1729 = arith.constant 1 : i32
      %dma_start3A_1730 = arith.constant 9 : i32
      %dma_start3A_1731 = arith.constant 0 : i32
      %dma_start3A_1732 = arith.constant 0 : i32
      %dma_start3A_1733 = tpu.memref_slice %arg6[%dma_start3A_1729, %dma_start3A_1730, %dma_start3A_1731, %dma_start3A_1732] : memref<2x16x50x64xf32, #tpu.memory_space<vmem>> -> memref<1x1x50x64xf32, #tpu.memory_space<vmem>>
      %dma_start3A_1734 = tpu.memref_squeeze %dma_start3A_1733 : memref<1x1x50x64xf32, #tpu.memory_space<vmem>> -> memref<50x64xf32, #tpu.memory_space<vmem>>
      %dma_start3A_1735 = arith.constant 0 : i32
      %dma_start3A_1736 = tpu.memref_slice %arg5[%dma_start3A_1727, %dma_start3A_1728, %dma_start3A_1735] : memref<2x16x50xi32, #tpu.memory_space<vmem>> -> memref<1x1x50xi32, #tpu.memory_space<vmem>>
      %dma_start3A_1737 = tpu.memref_squeeze %dma_start3A_1736 : memref<1x1x50xi32, #tpu.memory_space<vmem>> -> memref<50xi32, #tpu.memory_space<vmem>>
      %dma_start3A_1738 = arith.constant 0 : i32
      %dma_start3A_1739 = arith.constant 0 : i32
      %dma_start3A_1740 = tpu.memref_slice %arg3[%dma_start3A_1738, %dma_start3A_1739] : memref<1000000x64xf32, #tpu.memory_space<hbm>> -> memref<1000000x64xf32, #tpu.memory_space<hbm>>
      tpu.enqueue_indirect_dma source(%dma_start3A_1740 : memref<1000000x64xf32, #tpu.memory_space<hbm>>) target(%dma_start3A_1734 : memref<50x64xf32, #tpu.memory_space<vmem>>) offsets(%dma_start3A_1737 : memref<50xi32, #tpu.memory_space<vmem>>) semaphore(%arg11 : memref<!tpu.dma_semaphore, #tpu.memory_space<semaphore_mem>>)
      %dma_start3A_1741 = arith.constant 1 : i32
      %dma_start3A_1742 = arith.constant 10 : i32
      %dma_start3A_1743 = arith.constant 1 : i32
      %dma_start3A_1744 = arith.constant 10 : i32
      %dma_start3A_1745 = arith.constant 0 : i32
      %dma_start3A_1746 = arith.constant 0 : i32
      %dma_start3A_1747 = tpu.memref_slice %arg6[%dma_start3A_1743, %dma_start3A_1744, %dma_start3A_1745, %dma_start3A_1746] : memref<2x16x50x64xf32, #tpu.memory_space<vmem>> -> memref<1x1x50x64xf32, #tpu.memory_space<vmem>>
      %dma_start3A_1748 = tpu.memref_squeeze %dma_start3A_1747 : memref<1x1x50x64xf32, #tpu.memory_space<vmem>> -> memref<50x64xf32, #tpu.memory_space<vmem>>
      %dma_start3A_1749 = arith.constant 0 : i32
      %dma_start3A_1750 = tpu.memref_slice %arg5[%dma_start3A_1741, %dma_start3A_1742, %dma_start3A_1749] : memref<2x16x50xi32, #tpu.memory_space<vmem>> -> memref<1x1x50xi32, #tpu.memory_space<vmem>>
      %dma_start3A_1751 = tpu.memref_squeeze %dma_start3A_1750 : memref<1x1x50xi32, #tpu.memory_space<vmem>> -> memref<50xi32, #tpu.memory_space<vmem>>
      %dma_start3A_1752 = arith.constant 0 : i32
      %dma_start3A_1753 = arith.constant 0 : i32
      %dma_start3A_1754 = tpu.memref_slice %arg3[%dma_start3A_1752, %dma_start3A_1753] : memref<1000000x64xf32, #tpu.memory_space<hbm>> -> memref<1000000x64xf32, #tpu.memory_space<hbm>>
      tpu.enqueue_indirect_dma source(%dma_start3A_1754 : memref<1000000x64xf32, #tpu.memory_space<hbm>>) target(%dma_start3A_1748 : memref<50x64xf32, #tpu.memory_space<vmem>>) offsets(%dma_start3A_1751 : memref<50xi32, #tpu.memory_space<vmem>>) semaphore(%arg11 : memref<!tpu.dma_semaphore, #tpu.memory_space<semaphore_mem>>)
      %dma_start3A_1755 = arith.constant 1 : i32
      %dma_start3A_1756 = arith.constant 11 : i32
      %dma_start3A_1757 = arith.constant 1 : i32
      %dma_start3A_1758 = arith.constant 11 : i32
      %dma_start3A_1759 = arith.constant 0 : i32
      %dma_start3A_1760 = arith.constant 0 : i32
      %dma_start3A_1761 = tpu.memref_slice %arg6[%dma_start3A_1757, %dma_start3A_1758, %dma_start3A_1759, %dma_start3A_1760] : memref<2x16x50x64xf32, #tpu.memory_space<vmem>> -> memref<1x1x50x64xf32, #tpu.memory_space<vmem>>
      %dma_start3A_1762 = tpu.memref_squeeze %dma_start3A_1761 : memref<1x1x50x64xf32, #tpu.memory_space<vmem>> -> memref<50x64xf32, #tpu.memory_space<vmem>>
      %dma_start3A_1763 = arith.constant 0 : i32
      %dma_start3A_1764 = tpu.memref_slice %arg5[%dma_start3A_1755, %dma_start3A_1756, %dma_start3A_1763] : memref<2x16x50xi32, #tpu.memory_space<vmem>> -> memref<1x1x50xi32, #tpu.memory_space<vmem>>
      %dma_start3A_1765 = tpu.memref_squeeze %dma_start3A_1764 : memref<1x1x50xi32, #tpu.memory_space<vmem>> -> memref<50xi32, #tpu.memory_space<vmem>>
      %dma_start3A_1766 = arith.constant 0 : i32
      %dma_start3A_1767 = arith.constant 0 : i32
      %dma_start3A_1768 = tpu.memref_slice %arg3[%dma_start3A_1766, %dma_start3A_1767] : memref<1000000x64xf32, #tpu.memory_space<hbm>> -> memref<1000000x64xf32, #tpu.memory_space<hbm>>
      tpu.enqueue_indirect_dma source(%dma_start3A_1768 : memref<1000000x64xf32, #tpu.memory_space<hbm>>) target(%dma_start3A_1762 : memref<50x64xf32, #tpu.memory_space<vmem>>) offsets(%dma_start3A_1765 : memref<50xi32, #tpu.memory_space<vmem>>) semaphore(%arg11 : memref<!tpu.dma_semaphore, #tpu.memory_space<semaphore_mem>>)
      %dma_start3A_1769 = arith.constant 1 : i32
      %dma_start3A_1770 = arith.constant 12 : i32
      %dma_start3A_1771 = arith.constant 1 : i32
      %dma_start3A_1772 = arith.constant 12 : i32
      %dma_start3A_1773 = arith.constant 0 : i32
      %dma_start3A_1774 = arith.constant 0 : i32
      %dma_start3A_1775 = tpu.memref_slice %arg6[%dma_start3A_1771, %dma_start3A_1772, %dma_start3A_1773, %dma_start3A_1774] : memref<2x16x50x64xf32, #tpu.memory_space<vmem>> -> memref<1x1x50x64xf32, #tpu.memory_space<vmem>>
      %dma_start3A_1776 = tpu.memref_squeeze %dma_start3A_1775 : memref<1x1x50x64xf32, #tpu.memory_space<vmem>> -> memref<50x64xf32, #tpu.memory_space<vmem>>
      %dma_start3A_1777 = arith.constant 0 : i32
      %dma_start3A_1778 = tpu.memref_slice %arg5[%dma_start3A_1769, %dma_start3A_1770, %dma_start3A_1777] : memref<2x16x50xi32, #tpu.memory_space<vmem>> -> memref<1x1x50xi32, #tpu.memory_space<vmem>>
      %dma_start3A_1779 = tpu.memref_squeeze %dma_start3A_1778 : memref<1x1x50xi32, #tpu.memory_space<vmem>> -> memref<50xi32, #tpu.memory_space<vmem>>
      %dma_start3A_1780 = arith.constant 0 : i32
      %dma_start3A_1781 = arith.constant 0 : i32
      %dma_start3A_1782 = tpu.memref_slice %arg3[%dma_start3A_1780, %dma_start3A_1781] : memref<1000000x64xf32, #tpu.memory_space<hbm>> -> memref<1000000x64xf32, #tpu.memory_space<hbm>>
      tpu.enqueue_indirect_dma source(%dma_start3A_1782 : memref<1000000x64xf32, #tpu.memory_space<hbm>>) target(%dma_start3A_1776 : memref<50x64xf32, #tpu.memory_space<vmem>>) offsets(%dma_start3A_1779 : memref<50xi32, #tpu.memory_space<vmem>>) semaphore(%arg11 : memref<!tpu.dma_semaphore, #tpu.memory_space<semaphore_mem>>)
      %dma_start3A_1783 = arith.constant 1 : i32
      %dma_start3A_1784 = arith.constant 13 : i32
      %dma_start3A_1785 = arith.constant 1 : i32
      %dma_start3A_1786 = arith.constant 13 : i32
      %dma_start3A_1787 = arith.constant 0 : i32
      %dma_start3A_1788 = arith.constant 0 : i32
      %dma_start3A_1789 = tpu.memref_slice %arg6[%dma_start3A_1785, %dma_start3A_1786, %dma_start3A_1787, %dma_start3A_1788] : memref<2x16x50x64xf32, #tpu.memory_space<vmem>> -> memref<1x1x50x64xf32, #tpu.memory_space<vmem>>
      %dma_start3A_1790 = tpu.memref_squeeze %dma_start3A_1789 : memref<1x1x50x64xf32, #tpu.memory_space<vmem>> -> memref<50x64xf32, #tpu.memory_space<vmem>>
      %dma_start3A_1791 = arith.constant 0 : i32
      %dma_start3A_1792 = tpu.memref_slice %arg5[%dma_start3A_1783, %dma_start3A_1784, %dma_start3A_1791] : memref<2x16x50xi32, #tpu.memory_space<vmem>> -> memref<1x1x50xi32, #tpu.memory_space<vmem>>
      %dma_start3A_1793 = tpu.memref_squeeze %dma_start3A_1792 : memref<1x1x50xi32, #tpu.memory_space<vmem>> -> memref<50xi32, #tpu.memory_space<vmem>>
      %dma_start3A_1794 = arith.constant 0 : i32
      %dma_start3A_1795 = arith.constant 0 : i32
      %dma_start3A_1796 = tpu.memref_slice %arg3[%dma_start3A_1794, %dma_start3A_1795] : memref<1000000x64xf32, #tpu.memory_space<hbm>> -> memref<1000000x64xf32, #tpu.memory_space<hbm>>
      tpu.enqueue_indirect_dma source(%dma_start3A_1796 : memref<1000000x64xf32, #tpu.memory_space<hbm>>) target(%dma_start3A_1790 : memref<50x64xf32, #tpu.memory_space<vmem>>) offsets(%dma_start3A_1793 : memref<50xi32, #tpu.memory_space<vmem>>) semaphore(%arg11 : memref<!tpu.dma_semaphore, #tpu.memory_space<semaphore_mem>>)
      %dma_start3A_1797 = arith.constant 1 : i32
      %dma_start3A_1798 = arith.constant 14 : i32
      %dma_start3A_1799 = arith.constant 1 : i32
      %dma_start3A_1800 = arith.constant 14 : i32
      %dma_start3A_1801 = arith.constant 0 : i32
      %dma_start3A_1802 = arith.constant 0 : i32
      %dma_start3A_1803 = tpu.memref_slice %arg6[%dma_start3A_1799, %dma_start3A_1800, %dma_start3A_1801, %dma_start3A_1802] : memref<2x16x50x64xf32, #tpu.memory_space<vmem>> -> memref<1x1x50x64xf32, #tpu.memory_space<vmem>>
      %dma_start3A_1804 = tpu.memref_squeeze %dma_start3A_1803 : memref<1x1x50x64xf32, #tpu.memory_space<vmem>> -> memref<50x64xf32, #tpu.memory_space<vmem>>
      %dma_start3A_1805 = arith.constant 0 : i32
      %dma_start3A_1806 = tpu.memref_slice %arg5[%dma_start3A_1797, %dma_start3A_1798, %dma_start3A_1805] : memref<2x16x50xi32, #tpu.memory_space<vmem>> -> memref<1x1x50xi32, #tpu.memory_space<vmem>>
      %dma_start3A_1807 = tpu.memref_squeeze %dma_start3A_1806 : memref<1x1x50xi32, #tpu.memory_space<vmem>> -> memref<50xi32, #tpu.memory_space<vmem>>
      %dma_start3A_1808 = arith.constant 0 : i32
      %dma_start3A_1809 = arith.constant 0 : i32
      %dma_start3A_1810 = tpu.memref_slice %arg3[%dma_start3A_1808, %dma_start3A_1809] : memref<1000000x64xf32, #tpu.memory_space<hbm>> -> memref<1000000x64xf32, #tpu.memory_space<hbm>>
      tpu.enqueue_indirect_dma source(%dma_start3A_1810 : memref<1000000x64xf32, #tpu.memory_space<hbm>>) target(%dma_start3A_1804 : memref<50x64xf32, #tpu.memory_space<vmem>>) offsets(%dma_start3A_1807 : memref<50xi32, #tpu.memory_space<vmem>>) semaphore(%arg11 : memref<!tpu.dma_semaphore, #tpu.memory_space<semaphore_mem>>)
      %dma_start3A_1811 = arith.constant 1 : i32
      %dma_start3A_1812 = arith.constant 15 : i32
      %dma_start3A_1813 = arith.constant 1 : i32
      %dma_start3A_1814 = arith.constant 15 : i32
      %dma_start3A_1815 = arith.constant 0 : i32
      %dma_start3A_1816 = arith.constant 0 : i32
      %dma_start3A_1817 = tpu.memref_slice %arg6[%dma_start3A_1813, %dma_start3A_1814, %dma_start3A_1815, %dma_start3A_1816] : memref<2x16x50x64xf32, #tpu.memory_space<vmem>> -> memref<1x1x50x64xf32, #tpu.memory_space<vmem>>
      %dma_start3A_1818 = tpu.memref_squeeze %dma_start3A_1817 : memref<1x1x50x64xf32, #tpu.memory_space<vmem>> -> memref<50x64xf32, #tpu.memory_space<vmem>>
      %dma_start3A_1819 = arith.constant 0 : i32
      %dma_start3A_1820 = tpu.memref_slice %arg5[%dma_start3A_1811, %dma_start3A_1812, %dma_start3A_1819] : memref<2x16x50xi32, #tpu.memory_space<vmem>> -> memref<1x1x50xi32, #tpu.memory_space<vmem>>
      %dma_start3A_1821 = tpu.memref_squeeze %dma_start3A_1820 : memref<1x1x50xi32, #tpu.memory_space<vmem>> -> memref<50xi32, #tpu.memory_space<vmem>>
      %dma_start3A_1822 = arith.constant 0 : i32
      %dma_start3A_1823 = arith.constant 0 : i32
      %dma_start3A_1824 = tpu.memref_slice %arg3[%dma_start3A_1822, %dma_start3A_1823] : memref<1000000x64xf32, #tpu.memory_space<hbm>> -> memref<1000000x64xf32, #tpu.memory_space<hbm>>
      tpu.enqueue_indirect_dma source(%dma_start3A_1824 : memref<1000000x64xf32, #tpu.memory_space<hbm>>) target(%dma_start3A_1818 : memref<50x64xf32, #tpu.memory_space<vmem>>) offsets(%dma_start3A_1821 : memref<50xi32, #tpu.memory_space<vmem>>) semaphore(%arg11 : memref<!tpu.dma_semaphore, #tpu.memory_space<semaphore_mem>>)
      %dma_wait3A_1825 = arith.constant 1 : i32
      %dma_wait3A_1826 = arith.constant 0 : i32
      %dma_wait3A_1827 = arith.constant 1 : i32
      %dma_wait3A_1828 = arith.constant 0 : i32
      %dma_wait3A_1829 = arith.constant 0 : i32
      %dma_wait3A_1830 = arith.constant 0 : i32
      %dma_wait3A_1831 = tpu.memref_slice %arg6[%dma_wait3A_1827, %dma_wait3A_1828, %dma_wait3A_1829, %dma_wait3A_1830] : memref<2x16x50x64xf32, #tpu.memory_space<vmem>> -> memref<1x1x50x64xf32, #tpu.memory_space<vmem>>
      %dma_wait3A_1832 = tpu.memref_squeeze %dma_wait3A_1831 : memref<1x1x50x64xf32, #tpu.memory_space<vmem>> -> memref<50x64xf32, #tpu.memory_space<vmem>>
      %dma_wait3A_1833 = arith.constant 0 : i32
      %dma_wait3A_1834 = tpu.memref_slice %arg5[%dma_wait3A_1825, %dma_wait3A_1826, %dma_wait3A_1833] : memref<2x16x50xi32, #tpu.memory_space<vmem>> -> memref<1x1x50xi32, #tpu.memory_space<vmem>>
      %dma_wait3A_1835 = tpu.memref_squeeze %dma_wait3A_1834 : memref<1x1x50xi32, #tpu.memory_space<vmem>> -> memref<50xi32, #tpu.memory_space<vmem>>
      %dma_wait3A_1836 = arith.constant 0 : i32
      %dma_wait3A_1837 = arith.constant 0 : i32
      %dma_wait3A_1838 = tpu.memref_slice %arg3[%dma_wait3A_1836, %dma_wait3A_1837] : memref<1000000x64xf32, #tpu.memory_space<hbm>> -> memref<1000000x64xf32, #tpu.memory_space<hbm>>
      tpu.wait_indirect_dma semaphore(%arg11 : memref<!tpu.dma_semaphore, #tpu.memory_space<semaphore_mem>>) src(%dma_wait3A_1838 : memref<1000000x64xf32, #tpu.memory_space<hbm>>) dst(%dma_wait3A_1832 : memref<50x64xf32, #tpu.memory_space<vmem>>)
      %dma_wait3A_1839 = arith.constant 1 : i32
      %dma_wait3A_1840 = arith.constant 1 : i32
      %dma_wait3A_1841 = arith.constant 1 : i32
      %dma_wait3A_1842 = arith.constant 1 : i32
      %dma_wait3A_1843 = arith.constant 0 : i32
      %dma_wait3A_1844 = arith.constant 0 : i32
      %dma_wait3A_1845 = tpu.memref_slice %arg6[%dma_wait3A_1841, %dma_wait3A_1842, %dma_wait3A_1843, %dma_wait3A_1844] : memref<2x16x50x64xf32, #tpu.memory_space<vmem>> -> memref<1x1x50x64xf32, #tpu.memory_space<vmem>>
      %dma_wait3A_1846 = tpu.memref_squeeze %dma_wait3A_1845 : memref<1x1x50x64xf32, #tpu.memory_space<vmem>> -> memref<50x64xf32, #tpu.memory_space<vmem>>
      %dma_wait3A_1847 = arith.constant 0 : i32
      %dma_wait3A_1848 = tpu.memref_slice %arg5[%dma_wait3A_1839, %dma_wait3A_1840, %dma_wait3A_1847] : memref<2x16x50xi32, #tpu.memory_space<vmem>> -> memref<1x1x50xi32, #tpu.memory_space<vmem>>
      %dma_wait3A_1849 = tpu.memref_squeeze %dma_wait3A_1848 : memref<1x1x50xi32, #tpu.memory_space<vmem>> -> memref<50xi32, #tpu.memory_space<vmem>>
      %dma_wait3A_1850 = arith.constant 0 : i32
      %dma_wait3A_1851 = arith.constant 0 : i32
      %dma_wait3A_1852 = tpu.memref_slice %arg3[%dma_wait3A_1850, %dma_wait3A_1851] : memref<1000000x64xf32, #tpu.memory_space<hbm>> -> memref<1000000x64xf32, #tpu.memory_space<hbm>>
      tpu.wait_indirect_dma semaphore(%arg11 : memref<!tpu.dma_semaphore, #tpu.memory_space<semaphore_mem>>) src(%dma_wait3A_1852 : memref<1000000x64xf32, #tpu.memory_space<hbm>>) dst(%dma_wait3A_1846 : memref<50x64xf32, #tpu.memory_space<vmem>>)
      %dma_wait3A_1853 = arith.constant 1 : i32
      %dma_wait3A_1854 = arith.constant 2 : i32
      %dma_wait3A_1855 = arith.constant 1 : i32
      %dma_wait3A_1856 = arith.constant 2 : i32
      %dma_wait3A_1857 = arith.constant 0 : i32
      %dma_wait3A_1858 = arith.constant 0 : i32
      %dma_wait3A_1859 = tpu.memref_slice %arg6[%dma_wait3A_1855, %dma_wait3A_1856, %dma_wait3A_1857, %dma_wait3A_1858] : memref<2x16x50x64xf32, #tpu.memory_space<vmem>> -> memref<1x1x50x64xf32, #tpu.memory_space<vmem>>
      %dma_wait3A_1860 = tpu.memref_squeeze %dma_wait3A_1859 : memref<1x1x50x64xf32, #tpu.memory_space<vmem>> -> memref<50x64xf32, #tpu.memory_space<vmem>>
      %dma_wait3A_1861 = arith.constant 0 : i32
      %dma_wait3A_1862 = tpu.memref_slice %arg5[%dma_wait3A_1853, %dma_wait3A_1854, %dma_wait3A_1861] : memref<2x16x50xi32, #tpu.memory_space<vmem>> -> memref<1x1x50xi32, #tpu.memory_space<vmem>>
      %dma_wait3A_1863 = tpu.memref_squeeze %dma_wait3A_1862 : memref<1x1x50xi32, #tpu.memory_space<vmem>> -> memref<50xi32, #tpu.memory_space<vmem>>
      %dma_wait3A_1864 = arith.constant 0 : i32
      %dma_wait3A_1865 = arith.constant 0 : i32
      %dma_wait3A_1866 = tpu.memref_slice %arg3[%dma_wait3A_1864, %dma_wait3A_1865] : memref<1000000x64xf32, #tpu.memory_space<hbm>> -> memref<1000000x64xf32, #tpu.memory_space<hbm>>
      tpu.wait_indirect_dma semaphore(%arg11 : memref<!tpu.dma_semaphore, #tpu.memory_space<semaphore_mem>>) src(%dma_wait3A_1866 : memref<1000000x64xf32, #tpu.memory_space<hbm>>) dst(%dma_wait3A_1860 : memref<50x64xf32, #tpu.memory_space<vmem>>)
      %dma_wait3A_1867 = arith.constant 1 : i32
      %dma_wait3A_1868 = arith.constant 3 : i32
      %dma_wait3A_1869 = arith.constant 1 : i32
      %dma_wait3A_1870 = arith.constant 3 : i32
      %dma_wait3A_1871 = arith.constant 0 : i32
      %dma_wait3A_1872 = arith.constant 0 : i32
      %dma_wait3A_1873 = tpu.memref_slice %arg6[%dma_wait3A_1869, %dma_wait3A_1870, %dma_wait3A_1871, %dma_wait3A_1872] : memref<2x16x50x64xf32, #tpu.memory_space<vmem>> -> memref<1x1x50x64xf32, #tpu.memory_space<vmem>>
      %dma_wait3A_1874 = tpu.memref_squeeze %dma_wait3A_1873 : memref<1x1x50x64xf32, #tpu.memory_space<vmem>> -> memref<50x64xf32, #tpu.memory_space<vmem>>
      %dma_wait3A_1875 = arith.constant 0 : i32
      %dma_wait3A_1876 = tpu.memref_slice %arg5[%dma_wait3A_1867, %dma_wait3A_1868, %dma_wait3A_1875] : memref<2x16x50xi32, #tpu.memory_space<vmem>> -> memref<1x1x50xi32, #tpu.memory_space<vmem>>
      %dma_wait3A_1877 = tpu.memref_squeeze %dma_wait3A_1876 : memref<1x1x50xi32, #tpu.memory_space<vmem>> -> memref<50xi32, #tpu.memory_space<vmem>>
      %dma_wait3A_1878 = arith.constant 0 : i32
      %dma_wait3A_1879 = arith.constant 0 : i32
      %dma_wait3A_1880 = tpu.memref_slice %arg3[%dma_wait3A_1878, %dma_wait3A_1879] : memref<1000000x64xf32, #tpu.memory_space<hbm>> -> memref<1000000x64xf32, #tpu.memory_space<hbm>>
      tpu.wait_indirect_dma semaphore(%arg11 : memref<!tpu.dma_semaphore, #tpu.memory_space<semaphore_mem>>) src(%dma_wait3A_1880 : memref<1000000x64xf32, #tpu.memory_space<hbm>>) dst(%dma_wait3A_1874 : memref<50x64xf32, #tpu.memory_space<vmem>>)
      %dma_wait3A_1881 = arith.constant 1 : i32
      %dma_wait3A_1882 = arith.constant 4 : i32
      %dma_wait3A_1883 = arith.constant 1 : i32
      %dma_wait3A_1884 = arith.constant 4 : i32
      %dma_wait3A_1885 = arith.constant 0 : i32
      %dma_wait3A_1886 = arith.constant 0 : i32
      %dma_wait3A_1887 = tpu.memref_slice %arg6[%dma_wait3A_1883, %dma_wait3A_1884, %dma_wait3A_1885, %dma_wait3A_1886] : memref<2x16x50x64xf32, #tpu.memory_space<vmem>> -> memref<1x1x50x64xf32, #tpu.memory_space<vmem>>
      %dma_wait3A_1888 = tpu.memref_squeeze %dma_wait3A_1887 : memref<1x1x50x64xf32, #tpu.memory_space<vmem>> -> memref<50x64xf32, #tpu.memory_space<vmem>>
      %dma_wait3A_1889 = arith.constant 0 : i32
      %dma_wait3A_1890 = tpu.memref_slice %arg5[%dma_wait3A_1881, %dma_wait3A_1882, %dma_wait3A_1889] : memref<2x16x50xi32, #tpu.memory_space<vmem>> -> memref<1x1x50xi32, #tpu.memory_space<vmem>>
      %dma_wait3A_1891 = tpu.memref_squeeze %dma_wait3A_1890 : memref<1x1x50xi32, #tpu.memory_space<vmem>> -> memref<50xi32, #tpu.memory_space<vmem>>
      %dma_wait3A_1892 = arith.constant 0 : i32
      %dma_wait3A_1893 = arith.constant 0 : i32
      %dma_wait3A_1894 = tpu.memref_slice %arg3[%dma_wait3A_1892, %dma_wait3A_1893] : memref<1000000x64xf32, #tpu.memory_space<hbm>> -> memref<1000000x64xf32, #tpu.memory_space<hbm>>
      tpu.wait_indirect_dma semaphore(%arg11 : memref<!tpu.dma_semaphore, #tpu.memory_space<semaphore_mem>>) src(%dma_wait3A_1894 : memref<1000000x64xf32, #tpu.memory_space<hbm>>) dst(%dma_wait3A_1888 : memref<50x64xf32, #tpu.memory_space<vmem>>)
      %dma_wait3A_1895 = arith.constant 1 : i32
      %dma_wait3A_1896 = arith.constant 5 : i32
      %dma_wait3A_1897 = arith.constant 1 : i32
      %dma_wait3A_1898 = arith.constant 5 : i32
      %dma_wait3A_1899 = arith.constant 0 : i32
      %dma_wait3A_1900 = arith.constant 0 : i32
      %dma_wait3A_1901 = tpu.memref_slice %arg6[%dma_wait3A_1897, %dma_wait3A_1898, %dma_wait3A_1899, %dma_wait3A_1900] : memref<2x16x50x64xf32, #tpu.memory_space<vmem>> -> memref<1x1x50x64xf32, #tpu.memory_space<vmem>>
      %dma_wait3A_1902 = tpu.memref_squeeze %dma_wait3A_1901 : memref<1x1x50x64xf32, #tpu.memory_space<vmem>> -> memref<50x64xf32, #tpu.memory_space<vmem>>
      %dma_wait3A_1903 = arith.constant 0 : i32
      %dma_wait3A_1904 = tpu.memref_slice %arg5[%dma_wait3A_1895, %dma_wait3A_1896, %dma_wait3A_1903] : memref<2x16x50xi32, #tpu.memory_space<vmem>> -> memref<1x1x50xi32, #tpu.memory_space<vmem>>
      %dma_wait3A_1905 = tpu.memref_squeeze %dma_wait3A_1904 : memref<1x1x50xi32, #tpu.memory_space<vmem>> -> memref<50xi32, #tpu.memory_space<vmem>>
      %dma_wait3A_1906 = arith.constant 0 : i32
      %dma_wait3A_1907 = arith.constant 0 : i32
      %dma_wait3A_1908 = tpu.memref_slice %arg3[%dma_wait3A_1906, %dma_wait3A_1907] : memref<1000000x64xf32, #tpu.memory_space<hbm>> -> memref<1000000x64xf32, #tpu.memory_space<hbm>>
      tpu.wait_indirect_dma semaphore(%arg11 : memref<!tpu.dma_semaphore, #tpu.memory_space<semaphore_mem>>) src(%dma_wait3A_1908 : memref<1000000x64xf32, #tpu.memory_space<hbm>>) dst(%dma_wait3A_1902 : memref<50x64xf32, #tpu.memory_space<vmem>>)
      %dma_wait3A_1909 = arith.constant 1 : i32
      %dma_wait3A_1910 = arith.constant 6 : i32
      %dma_wait3A_1911 = arith.constant 1 : i32
      %dma_wait3A_1912 = arith.constant 6 : i32
      %dma_wait3A_1913 = arith.constant 0 : i32
      %dma_wait3A_1914 = arith.constant 0 : i32
      %dma_wait3A_1915 = tpu.memref_slice %arg6[%dma_wait3A_1911, %dma_wait3A_1912, %dma_wait3A_1913, %dma_wait3A_1914] : memref<2x16x50x64xf32, #tpu.memory_space<vmem>> -> memref<1x1x50x64xf32, #tpu.memory_space<vmem>>
      %dma_wait3A_1916 = tpu.memref_squeeze %dma_wait3A_1915 : memref<1x1x50x64xf32, #tpu.memory_space<vmem>> -> memref<50x64xf32, #tpu.memory_space<vmem>>
      %dma_wait3A_1917 = arith.constant 0 : i32
      %dma_wait3A_1918 = tpu.memref_slice %arg5[%dma_wait3A_1909, %dma_wait3A_1910, %dma_wait3A_1917] : memref<2x16x50xi32, #tpu.memory_space<vmem>> -> memref<1x1x50xi32, #tpu.memory_space<vmem>>
      %dma_wait3A_1919 = tpu.memref_squeeze %dma_wait3A_1918 : memref<1x1x50xi32, #tpu.memory_space<vmem>> -> memref<50xi32, #tpu.memory_space<vmem>>
      %dma_wait3A_1920 = arith.constant 0 : i32
      %dma_wait3A_1921 = arith.constant 0 : i32
      %dma_wait3A_1922 = tpu.memref_slice %arg3[%dma_wait3A_1920, %dma_wait3A_1921] : memref<1000000x64xf32, #tpu.memory_space<hbm>> -> memref<1000000x64xf32, #tpu.memory_space<hbm>>
      tpu.wait_indirect_dma semaphore(%arg11 : memref<!tpu.dma_semaphore, #tpu.memory_space<semaphore_mem>>) src(%dma_wait3A_1922 : memref<1000000x64xf32, #tpu.memory_space<hbm>>) dst(%dma_wait3A_1916 : memref<50x64xf32, #tpu.memory_space<vmem>>)
      %dma_wait3A_1923 = arith.constant 1 : i32
      %dma_wait3A_1924 = arith.constant 7 : i32
      %dma_wait3A_1925 = arith.constant 1 : i32
      %dma_wait3A_1926 = arith.constant 7 : i32
      %dma_wait3A_1927 = arith.constant 0 : i32
      %dma_wait3A_1928 = arith.constant 0 : i32
      %dma_wait3A_1929 = tpu.memref_slice %arg6[%dma_wait3A_1925, %dma_wait3A_1926, %dma_wait3A_1927, %dma_wait3A_1928] : memref<2x16x50x64xf32, #tpu.memory_space<vmem>> -> memref<1x1x50x64xf32, #tpu.memory_space<vmem>>
      %dma_wait3A_1930 = tpu.memref_squeeze %dma_wait3A_1929 : memref<1x1x50x64xf32, #tpu.memory_space<vmem>> -> memref<50x64xf32, #tpu.memory_space<vmem>>
      %dma_wait3A_1931 = arith.constant 0 : i32
      %dma_wait3A_1932 = tpu.memref_slice %arg5[%dma_wait3A_1923, %dma_wait3A_1924, %dma_wait3A_1931] : memref<2x16x50xi32, #tpu.memory_space<vmem>> -> memref<1x1x50xi32, #tpu.memory_space<vmem>>
      %dma_wait3A_1933 = tpu.memref_squeeze %dma_wait3A_1932 : memref<1x1x50xi32, #tpu.memory_space<vmem>> -> memref<50xi32, #tpu.memory_space<vmem>>
      %dma_wait3A_1934 = arith.constant 0 : i32
      %dma_wait3A_1935 = arith.constant 0 : i32
      %dma_wait3A_1936 = tpu.memref_slice %arg3[%dma_wait3A_1934, %dma_wait3A_1935] : memref<1000000x64xf32, #tpu.memory_space<hbm>> -> memref<1000000x64xf32, #tpu.memory_space<hbm>>
      tpu.wait_indirect_dma semaphore(%arg11 : memref<!tpu.dma_semaphore, #tpu.memory_space<semaphore_mem>>) src(%dma_wait3A_1936 : memref<1000000x64xf32, #tpu.memory_space<hbm>>) dst(%dma_wait3A_1930 : memref<50x64xf32, #tpu.memory_space<vmem>>)
      %dma_wait3A_1937 = arith.constant 1 : i32
      %dma_wait3A_1938 = arith.constant 8 : i32
      %dma_wait3A_1939 = arith.constant 1 : i32
      %dma_wait3A_1940 = arith.constant 8 : i32
      %dma_wait3A_1941 = arith.constant 0 : i32
      %dma_wait3A_1942 = arith.constant 0 : i32
      %dma_wait3A_1943 = tpu.memref_slice %arg6[%dma_wait3A_1939, %dma_wait3A_1940, %dma_wait3A_1941, %dma_wait3A_1942] : memref<2x16x50x64xf32, #tpu.memory_space<vmem>> -> memref<1x1x50x64xf32, #tpu.memory_space<vmem>>
      %dma_wait3A_1944 = tpu.memref_squeeze %dma_wait3A_1943 : memref<1x1x50x64xf32, #tpu.memory_space<vmem>> -> memref<50x64xf32, #tpu.memory_space<vmem>>
      %dma_wait3A_1945 = arith.constant 0 : i32
      %dma_wait3A_1946 = tpu.memref_slice %arg5[%dma_wait3A_1937, %dma_wait3A_1938, %dma_wait3A_1945] : memref<2x16x50xi32, #tpu.memory_space<vmem>> -> memref<1x1x50xi32, #tpu.memory_space<vmem>>
      %dma_wait3A_1947 = tpu.memref_squeeze %dma_wait3A_1946 : memref<1x1x50xi32, #tpu.memory_space<vmem>> -> memref<50xi32, #tpu.memory_space<vmem>>
      %dma_wait3A_1948 = arith.constant 0 : i32
      %dma_wait3A_1949 = arith.constant 0 : i32
      %dma_wait3A_1950 = tpu.memref_slice %arg3[%dma_wait3A_1948, %dma_wait3A_1949] : memref<1000000x64xf32, #tpu.memory_space<hbm>> -> memref<1000000x64xf32, #tpu.memory_space<hbm>>
      tpu.wait_indirect_dma semaphore(%arg11 : memref<!tpu.dma_semaphore, #tpu.memory_space<semaphore_mem>>) src(%dma_wait3A_1950 : memref<1000000x64xf32, #tpu.memory_space<hbm>>) dst(%dma_wait3A_1944 : memref<50x64xf32, #tpu.memory_space<vmem>>)
      %dma_wait3A_1951 = arith.constant 1 : i32
      %dma_wait3A_1952 = arith.constant 9 : i32
      %dma_wait3A_1953 = arith.constant 1 : i32
      %dma_wait3A_1954 = arith.constant 9 : i32
      %dma_wait3A_1955 = arith.constant 0 : i32
      %dma_wait3A_1956 = arith.constant 0 : i32
      %dma_wait3A_1957 = tpu.memref_slice %arg6[%dma_wait3A_1953, %dma_wait3A_1954, %dma_wait3A_1955, %dma_wait3A_1956] : memref<2x16x50x64xf32, #tpu.memory_space<vmem>> -> memref<1x1x50x64xf32, #tpu.memory_space<vmem>>
      %dma_wait3A_1958 = tpu.memref_squeeze %dma_wait3A_1957 : memref<1x1x50x64xf32, #tpu.memory_space<vmem>> -> memref<50x64xf32, #tpu.memory_space<vmem>>
      %dma_wait3A_1959 = arith.constant 0 : i32
      %dma_wait3A_1960 = tpu.memref_slice %arg5[%dma_wait3A_1951, %dma_wait3A_1952, %dma_wait3A_1959] : memref<2x16x50xi32, #tpu.memory_space<vmem>> -> memref<1x1x50xi32, #tpu.memory_space<vmem>>
      %dma_wait3A_1961 = tpu.memref_squeeze %dma_wait3A_1960 : memref<1x1x50xi32, #tpu.memory_space<vmem>> -> memref<50xi32, #tpu.memory_space<vmem>>
      %dma_wait3A_1962 = arith.constant 0 : i32
      %dma_wait3A_1963 = arith.constant 0 : i32
      %dma_wait3A_1964 = tpu.memref_slice %arg3[%dma_wait3A_1962, %dma_wait3A_1963] : memref<1000000x64xf32, #tpu.memory_space<hbm>> -> memref<1000000x64xf32, #tpu.memory_space<hbm>>
      tpu.wait_indirect_dma semaphore(%arg11 : memref<!tpu.dma_semaphore, #tpu.memory_space<semaphore_mem>>) src(%dma_wait3A_1964 : memref<1000000x64xf32, #tpu.memory_space<hbm>>) dst(%dma_wait3A_1958 : memref<50x64xf32, #tpu.memory_space<vmem>>)
      %dma_wait3A_1965 = arith.constant 1 : i32
      %dma_wait3A_1966 = arith.constant 10 : i32
      %dma_wait3A_1967 = arith.constant 1 : i32
      %dma_wait3A_1968 = arith.constant 10 : i32
      %dma_wait3A_1969 = arith.constant 0 : i32
      %dma_wait3A_1970 = arith.constant 0 : i32
      %dma_wait3A_1971 = tpu.memref_slice %arg6[%dma_wait3A_1967, %dma_wait3A_1968, %dma_wait3A_1969, %dma_wait3A_1970] : memref<2x16x50x64xf32, #tpu.memory_space<vmem>> -> memref<1x1x50x64xf32, #tpu.memory_space<vmem>>
      %dma_wait3A_1972 = tpu.memref_squeeze %dma_wait3A_1971 : memref<1x1x50x64xf32, #tpu.memory_space<vmem>> -> memref<50x64xf32, #tpu.memory_space<vmem>>
      %dma_wait3A_1973 = arith.constant 0 : i32
      %dma_wait3A_1974 = tpu.memref_slice %arg5[%dma_wait3A_1965, %dma_wait3A_1966, %dma_wait3A_1973] : memref<2x16x50xi32, #tpu.memory_space<vmem>> -> memref<1x1x50xi32, #tpu.memory_space<vmem>>
      %dma_wait3A_1975 = tpu.memref_squeeze %dma_wait3A_1974 : memref<1x1x50xi32, #tpu.memory_space<vmem>> -> memref<50xi32, #tpu.memory_space<vmem>>
      %dma_wait3A_1976 = arith.constant 0 : i32
      %dma_wait3A_1977 = arith.constant 0 : i32
      %dma_wait3A_1978 = tpu.memref_slice %arg3[%dma_wait3A_1976, %dma_wait3A_1977] : memref<1000000x64xf32, #tpu.memory_space<hbm>> -> memref<1000000x64xf32, #tpu.memory_space<hbm>>
      tpu.wait_indirect_dma semaphore(%arg11 : memref<!tpu.dma_semaphore, #tpu.memory_space<semaphore_mem>>) src(%dma_wait3A_1978 : memref<1000000x64xf32, #tpu.memory_space<hbm>>) dst(%dma_wait3A_1972 : memref<50x64xf32, #tpu.memory_space<vmem>>)
      %dma_wait3A_1979 = arith.constant 1 : i32
      %dma_wait3A_1980 = arith.constant 11 : i32
      %dma_wait3A_1981 = arith.constant 1 : i32
      %dma_wait3A_1982 = arith.constant 11 : i32
      %dma_wait3A_1983 = arith.constant 0 : i32
      %dma_wait3A_1984 = arith.constant 0 : i32
      %dma_wait3A_1985 = tpu.memref_slice %arg6[%dma_wait3A_1981, %dma_wait3A_1982, %dma_wait3A_1983, %dma_wait3A_1984] : memref<2x16x50x64xf32, #tpu.memory_space<vmem>> -> memref<1x1x50x64xf32, #tpu.memory_space<vmem>>
      %dma_wait3A_1986 = tpu.memref_squeeze %dma_wait3A_1985 : memref<1x1x50x64xf32, #tpu.memory_space<vmem>> -> memref<50x64xf32, #tpu.memory_space<vmem>>
      %dma_wait3A_1987 = arith.constant 0 : i32
      %dma_wait3A_1988 = tpu.memref_slice %arg5[%dma_wait3A_1979, %dma_wait3A_1980, %dma_wait3A_1987] : memref<2x16x50xi32, #tpu.memory_space<vmem>> -> memref<1x1x50xi32, #tpu.memory_space<vmem>>
      %dma_wait3A_1989 = tpu.memref_squeeze %dma_wait3A_1988 : memref<1x1x50xi32, #tpu.memory_space<vmem>> -> memref<50xi32, #tpu.memory_space<vmem>>
      %dma_wait3A_1990 = arith.constant 0 : i32
      %dma_wait3A_1991 = arith.constant 0 : i32
      %dma_wait3A_1992 = tpu.memref_slice %arg3[%dma_wait3A_1990, %dma_wait3A_1991] : memref<1000000x64xf32, #tpu.memory_space<hbm>> -> memref<1000000x64xf32, #tpu.memory_space<hbm>>
      tpu.wait_indirect_dma semaphore(%arg11 : memref<!tpu.dma_semaphore, #tpu.memory_space<semaphore_mem>>) src(%dma_wait3A_1992 : memref<1000000x64xf32, #tpu.memory_space<hbm>>) dst(%dma_wait3A_1986 : memref<50x64xf32, #tpu.memory_space<vmem>>)
      %dma_wait3A_1993 = arith.constant 1 : i32
      %dma_wait3A_1994 = arith.constant 12 : i32
      %dma_wait3A_1995 = arith.constant 1 : i32
      %dma_wait3A_1996 = arith.constant 12 : i32
      %dma_wait3A_1997 = arith.constant 0 : i32
      %dma_wait3A_1998 = arith.constant 0 : i32
      %dma_wait3A_1999 = tpu.memref_slice %arg6[%dma_wait3A_1995, %dma_wait3A_1996, %dma_wait3A_1997, %dma_wait3A_1998] : memref<2x16x50x64xf32, #tpu.memory_space<vmem>> -> memref<1x1x50x64xf32, #tpu.memory_space<vmem>>
      %dma_wait3A_2000 = tpu.memref_squeeze %dma_wait3A_1999 : memref<1x1x50x64xf32, #tpu.memory_space<vmem>> -> memref<50x64xf32, #tpu.memory_space<vmem>>
      %dma_wait3A_2001 = arith.constant 0 : i32
      %dma_wait3A_2002 = tpu.memref_slice %arg5[%dma_wait3A_1993, %dma_wait3A_1994, %dma_wait3A_2001] : memref<2x16x50xi32, #tpu.memory_space<vmem>> -> memref<1x1x50xi32, #tpu.memory_space<vmem>>
      %dma_wait3A_2003 = tpu.memref_squeeze %dma_wait3A_2002 : memref<1x1x50xi32, #tpu.memory_space<vmem>> -> memref<50xi32, #tpu.memory_space<vmem>>
      %dma_wait3A_2004 = arith.constant 0 : i32
      %dma_wait3A_2005 = arith.constant 0 : i32
      %dma_wait3A_2006 = tpu.memref_slice %arg3[%dma_wait3A_2004, %dma_wait3A_2005] : memref<1000000x64xf32, #tpu.memory_space<hbm>> -> memref<1000000x64xf32, #tpu.memory_space<hbm>>
      tpu.wait_indirect_dma semaphore(%arg11 : memref<!tpu.dma_semaphore, #tpu.memory_space<semaphore_mem>>) src(%dma_wait3A_2006 : memref<1000000x64xf32, #tpu.memory_space<hbm>>) dst(%dma_wait3A_2000 : memref<50x64xf32, #tpu.memory_space<vmem>>)
      %dma_wait3A_2007 = arith.constant 1 : i32
      %dma_wait3A_2008 = arith.constant 13 : i32
      %dma_wait3A_2009 = arith.constant 1 : i32
      %dma_wait3A_2010 = arith.constant 13 : i32
      %dma_wait3A_2011 = arith.constant 0 : i32
      %dma_wait3A_2012 = arith.constant 0 : i32
      %dma_wait3A_2013 = tpu.memref_slice %arg6[%dma_wait3A_2009, %dma_wait3A_2010, %dma_wait3A_2011, %dma_wait3A_2012] : memref<2x16x50x64xf32, #tpu.memory_space<vmem>> -> memref<1x1x50x64xf32, #tpu.memory_space<vmem>>
      %dma_wait3A_2014 = tpu.memref_squeeze %dma_wait3A_2013 : memref<1x1x50x64xf32, #tpu.memory_space<vmem>> -> memref<50x64xf32, #tpu.memory_space<vmem>>
      %dma_wait3A_2015 = arith.constant 0 : i32
      %dma_wait3A_2016 = tpu.memref_slice %arg5[%dma_wait3A_2007, %dma_wait3A_2008, %dma_wait3A_2015] : memref<2x16x50xi32, #tpu.memory_space<vmem>> -> memref<1x1x50xi32, #tpu.memory_space<vmem>>
      %dma_wait3A_2017 = tpu.memref_squeeze %dma_wait3A_2016 : memref<1x1x50xi32, #tpu.memory_space<vmem>> -> memref<50xi32, #tpu.memory_space<vmem>>
      %dma_wait3A_2018 = arith.constant 0 : i32
      %dma_wait3A_2019 = arith.constant 0 : i32
      %dma_wait3A_2020 = tpu.memref_slice %arg3[%dma_wait3A_2018, %dma_wait3A_2019] : memref<1000000x64xf32, #tpu.memory_space<hbm>> -> memref<1000000x64xf32, #tpu.memory_space<hbm>>
      tpu.wait_indirect_dma semaphore(%arg11 : memref<!tpu.dma_semaphore, #tpu.memory_space<semaphore_mem>>) src(%dma_wait3A_2020 : memref<1000000x64xf32, #tpu.memory_space<hbm>>) dst(%dma_wait3A_2014 : memref<50x64xf32, #tpu.memory_space<vmem>>)
      %dma_wait3A_2021 = arith.constant 1 : i32
      %dma_wait3A_2022 = arith.constant 14 : i32
      %dma_wait3A_2023 = arith.constant 1 : i32
      %dma_wait3A_2024 = arith.constant 14 : i32
      %dma_wait3A_2025 = arith.constant 0 : i32
      %dma_wait3A_2026 = arith.constant 0 : i32
      %dma_wait3A_2027 = tpu.memref_slice %arg6[%dma_wait3A_2023, %dma_wait3A_2024, %dma_wait3A_2025, %dma_wait3A_2026] : memref<2x16x50x64xf32, #tpu.memory_space<vmem>> -> memref<1x1x50x64xf32, #tpu.memory_space<vmem>>
      %dma_wait3A_2028 = tpu.memref_squeeze %dma_wait3A_2027 : memref<1x1x50x64xf32, #tpu.memory_space<vmem>> -> memref<50x64xf32, #tpu.memory_space<vmem>>
      %dma_wait3A_2029 = arith.constant 0 : i32
      %dma_wait3A_2030 = tpu.memref_slice %arg5[%dma_wait3A_2021, %dma_wait3A_2022, %dma_wait3A_2029] : memref<2x16x50xi32, #tpu.memory_space<vmem>> -> memref<1x1x50xi32, #tpu.memory_space<vmem>>
      %dma_wait3A_2031 = tpu.memref_squeeze %dma_wait3A_2030 : memref<1x1x50xi32, #tpu.memory_space<vmem>> -> memref<50xi32, #tpu.memory_space<vmem>>
      %dma_wait3A_2032 = arith.constant 0 : i32
      %dma_wait3A_2033 = arith.constant 0 : i32
      %dma_wait3A_2034 = tpu.memref_slice %arg3[%dma_wait3A_2032, %dma_wait3A_2033] : memref<1000000x64xf32, #tpu.memory_space<hbm>> -> memref<1000000x64xf32, #tpu.memory_space<hbm>>
      tpu.wait_indirect_dma semaphore(%arg11 : memref<!tpu.dma_semaphore, #tpu.memory_space<semaphore_mem>>) src(%dma_wait3A_2034 : memref<1000000x64xf32, #tpu.memory_space<hbm>>) dst(%dma_wait3A_2028 : memref<50x64xf32, #tpu.memory_space<vmem>>)
      %dma_wait3A_2035 = arith.constant 1 : i32
      %dma_wait3A_2036 = arith.constant 15 : i32
      %dma_wait3A_2037 = arith.constant 1 : i32
      %dma_wait3A_2038 = arith.constant 15 : i32
      %dma_wait3A_2039 = arith.constant 0 : i32
      %dma_wait3A_2040 = arith.constant 0 : i32
      %dma_wait3A_2041 = tpu.memref_slice %arg6[%dma_wait3A_2037, %dma_wait3A_2038, %dma_wait3A_2039, %dma_wait3A_2040] : memref<2x16x50x64xf32, #tpu.memory_space<vmem>> -> memref<1x1x50x64xf32, #tpu.memory_space<vmem>>
      %dma_wait3A_2042 = tpu.memref_squeeze %dma_wait3A_2041 : memref<1x1x50x64xf32, #tpu.memory_space<vmem>> -> memref<50x64xf32, #tpu.memory_space<vmem>>
      %dma_wait3A_2043 = arith.constant 0 : i32
      %dma_wait3A_2044 = tpu.memref_slice %arg5[%dma_wait3A_2035, %dma_wait3A_2036, %dma_wait3A_2043] : memref<2x16x50xi32, #tpu.memory_space<vmem>> -> memref<1x1x50xi32, #tpu.memory_space<vmem>>
      %dma_wait3A_2045 = tpu.memref_squeeze %dma_wait3A_2044 : memref<1x1x50xi32, #tpu.memory_space<vmem>> -> memref<50xi32, #tpu.memory_space<vmem>>
      %dma_wait3A_2046 = arith.constant 0 : i32
      %dma_wait3A_2047 = arith.constant 0 : i32
      %dma_wait3A_2048 = tpu.memref_slice %arg3[%dma_wait3A_2046, %dma_wait3A_2047] : memref<1000000x64xf32, #tpu.memory_space<hbm>> -> memref<1000000x64xf32, #tpu.memory_space<hbm>>
      tpu.wait_indirect_dma semaphore(%arg11 : memref<!tpu.dma_semaphore, #tpu.memory_space<semaphore_mem>>) src(%dma_wait3A_2048 : memref<1000000x64xf32, #tpu.memory_space<hbm>>) dst(%dma_wait3A_2042 : memref<50x64xf32, #tpu.memory_space<vmem>>)
      %mul3A_2049 = arith.constant 16 : i32
      %mul3A_2050 = arith.muli %add3A_1570, %mul3A_2049 : i32
      %add3A_2051 = arith.addi %mul3A_2, %mul3A_2050 : i32
      %dma_start3A_2052 = arith.constant 1 : i32
      %dma_start3A_2053 = arith.constant 0 : i32
      %dma_start3A_2054 = arith.constant 0 : i32
      %dma_start3A_2055 = arith.constant 0 : i32
      %dma_start3A_2056 = tpu.memref_slice %arg6[%dma_start3A_2052, %dma_start3A_2053, %dma_start3A_2054, %dma_start3A_2055] : memref<2x16x50x64xf32, #tpu.memory_space<vmem>> -> memref<1x16x50x64xf32, #tpu.memory_space<vmem>>
      %dma_start3A_2057 = tpu.memref_squeeze %dma_start3A_2056 : memref<1x16x50x64xf32, #tpu.memory_space<vmem>> -> memref<16x50x64xf32, #tpu.memory_space<vmem>>
      %dma_start3A_2058 = arith.constant 0 : i32
      %dma_start3A_2059 = arith.constant 0 : i32
      %dma_start3A_2060 = tpu.memref_slice %arg4[%add3A_2051, %dma_start3A_2058, %dma_start3A_2059] : memref<16384x50x64xf32, #tpu.memory_space<hbm>> -> memref<16x50x64xf32, #tpu.memory_space<hbm>>
      %dma_start3A_2061 = arith.constant 0 : i32
      %dma_start3A_2062 = arith.constant 0 : i32
      %dma_start3A_2063 = tpu.memref_slice %arg4[%add3A_2051, %dma_start3A_2061, %dma_start3A_2062] : memref<16384x50x64xf32, #tpu.memory_space<hbm>> -> memref<16x50x64xf32, #tpu.memory_space<hbm>>
      %dma_start3A_2064 = arith.constant 0 : i32
      %dma_start3A_2065 = arith.constant 0 : i32
      %dma_start3A_2066 = arith.constant 0 : i32
      %dma_start3A_2067 = tpu.memref_slice %arg6[%dma_start3A_2052, %dma_start3A_2064, %dma_start3A_2065, %dma_start3A_2066] : memref<2x16x50x64xf32, #tpu.memory_space<vmem>> -> memref<1x16x50x64xf32, #tpu.memory_space<vmem>>
      %dma_start3A_2068 = tpu.memref_squeeze %dma_start3A_2067 : memref<1x16x50x64xf32, #tpu.memory_space<vmem>> -> memref<16x50x64xf32, #tpu.memory_space<vmem>>
      tpu.enqueue_dma source(%dma_start3A_2068 : memref<16x50x64xf32, #tpu.memory_space<vmem>>) target(%dma_start3A_2063 : memref<16x50x64xf32, #tpu.memory_space<hbm>>) target_semaphore(%arg10 : memref<!tpu.dma_semaphore, #tpu.memory_space<semaphore_mem>>)
      %add3A_2069 = arith.constant 2 : i32
      %add3A_2070 = arith.addi %add3A_1570, %add3A_2069 : i32
      %lt3A_2071 = arith.constant 32 : i32
      %lt3A_2072 = arith.cmpi slt, %add3A_2070, %lt3A_2071 : i32
      %convert_element_type3A_2073 = arith.extui %lt3A_2072 : i1 to i32
      %cond3A_2074 = arith.constant 0 : i32
      %cond3A_2075 = arith.cmpi ne, %convert_element_type3A_2073, %cond3A_2074 : i32
      scf.if %cond3A_2075 {
        %add3A_2076 = arith.constant 2 : i32
        %add3A_2077 = arith.addi %add3A_1570, %add3A_2076 : i32
        %mul3A_2078 = arith.constant 16 : i32
        %mul3A_2079 = arith.muli %add3A_2077, %mul3A_2078 : i32
        %add3A_2080 = arith.addi %mul3A_2, %mul3A_2079 : i32
        %dma_start3A_2081 = arith.constant 1 : i32
        %dma_start3A_2082 = arith.constant 0 : i32
        %dma_start3A_2083 = arith.constant 0 : i32
        %dma_start3A_2084 = tpu.memref_slice %arg5[%dma_start3A_2081, %dma_start3A_2082, %dma_start3A_2083] : memref<2x16x50xi32, #tpu.memory_space<vmem>> -> memref<1x16x50xi32, #tpu.memory_space<vmem>>
        %dma_start3A_2085 = tpu.memref_squeeze %dma_start3A_2084 : memref<1x16x50xi32, #tpu.memory_space<vmem>> -> memref<16x50xi32, #tpu.memory_space<vmem>>
        %dma_start3A_2086 = arith.constant 0 : i32
        %dma_start3A_2087 = tpu.memref_slice %arg2[%add3A_2080, %dma_start3A_2086] : memref<16384x50xi32, #tpu.memory_space<hbm>> -> memref<16x50xi32, #tpu.memory_space<hbm>>
        %dma_start3A_2088 = arith.constant 0 : i32
        %dma_start3A_2089 = arith.constant 0 : i32
        %dma_start3A_2090 = tpu.memref_slice %arg5[%dma_start3A_2081, %dma_start3A_2088, %dma_start3A_2089] : memref<2x16x50xi32, #tpu.memory_space<vmem>> -> memref<1x16x50xi32, #tpu.memory_space<vmem>>
        %dma_start3A_2091 = tpu.memref_squeeze %dma_start3A_2090 : memref<1x16x50xi32, #tpu.memory_space<vmem>> -> memref<16x50xi32, #tpu.memory_space<vmem>>
        %dma_start3A_2092 = arith.constant 0 : i32
        %dma_start3A_2093 = tpu.memref_slice %arg2[%add3A_2080, %dma_start3A_2092] : memref<16384x50xi32, #tpu.memory_space<hbm>> -> memref<16x50xi32, #tpu.memory_space<hbm>>
        tpu.enqueue_dma source(%dma_start3A_2093 : memref<16x50xi32, #tpu.memory_space<hbm>>) target(%dma_start3A_2091 : memref<16x50xi32, #tpu.memory_space<vmem>>) target_semaphore(%arg8 : memref<!tpu.dma_semaphore, #tpu.memory_space<semaphore_mem>>)
      } else {
      }
    }
    %scan3A_1025 = arith.constant 15 : i32
    %dma_wait3A_1026 = arith.constant 0 : i32
    %dma_wait3A_1027 = arith.constant 0 : i32
    %dma_wait3A_1028 = arith.constant 0 : i32
    %dma_wait3A_1029 = arith.constant 0 : i32
    %dma_wait3A_1030 = tpu.memref_slice %arg6[%dma_wait3A_1026, %dma_wait3A_1027, %dma_wait3A_1028, %dma_wait3A_1029] : memref<2x16x50x64xf32, #tpu.memory_space<vmem>> -> memref<1x16x50x64xf32, #tpu.memory_space<vmem>>
    %dma_wait3A_1031 = tpu.memref_squeeze %dma_wait3A_1030 : memref<1x16x50x64xf32, #tpu.memory_space<vmem>> -> memref<16x50x64xf32, #tpu.memory_space<vmem>>
    %dma_wait3A_1032 = arith.constant 0 : i32
    %dma_wait3A_1033 = arith.constant 0 : i32
    %dma_wait3A_1034 = tpu.memref_slice %arg4[%mul3A_2, %dma_wait3A_1032, %dma_wait3A_1033] : memref<16384x50x64xf32, #tpu.memory_space<hbm>> -> memref<16x50x64xf32, #tpu.memory_space<hbm>>
    %dma_wait3A_1035 = arith.constant 0 : i32
    %dma_wait3A_1036 = arith.constant 0 : i32
    %dma_wait3A_1037 = tpu.memref_slice %arg4[%mul3A_2, %dma_wait3A_1035, %dma_wait3A_1036] : memref<16384x50x64xf32, #tpu.memory_space<hbm>> -> memref<16x50x64xf32, #tpu.memory_space<hbm>>
    %dma_wait3A_1038 = arith.constant 0 : i32
    %dma_wait3A_1039 = arith.constant 0 : i32
    %dma_wait3A_1040 = arith.constant 0 : i32
    %dma_wait3A_1041 = tpu.memref_slice %arg6[%dma_wait3A_1026, %dma_wait3A_1038, %dma_wait3A_1039, %dma_wait3A_1040] : memref<2x16x50x64xf32, #tpu.memory_space<vmem>> -> memref<1x16x50x64xf32, #tpu.memory_space<vmem>>
    %dma_wait3A_1042 = tpu.memref_squeeze %dma_wait3A_1041 : memref<1x16x50x64xf32, #tpu.memory_space<vmem>> -> memref<16x50x64xf32, #tpu.memory_space<vmem>>
    tpu.wait_dma2 semaphore(%arg9 : memref<!tpu.dma_semaphore, #tpu.memory_space<semaphore_mem>>) src(%dma_wait3A_1042 : memref<16x50x64xf32, #tpu.memory_space<vmem>>) dst(%dma_wait3A_1037 : memref<16x50x64xf32, #tpu.memory_space<hbm>>)
    %dma_wait3A_1043 = arith.constant 1 : i32
    %dma_wait3A_1044 = arith.constant 0 : i32
    %dma_wait3A_1045 = arith.constant 0 : i32
    %dma_wait3A_1046 = arith.constant 0 : i32
    %dma_wait3A_1047 = tpu.memref_slice %arg6[%dma_wait3A_1043, %dma_wait3A_1044, %dma_wait3A_1045, %dma_wait3A_1046] : memref<2x16x50x64xf32, #tpu.memory_space<vmem>> -> memref<1x16x50x64xf32, #tpu.memory_space<vmem>>
    %dma_wait3A_1048 = tpu.memref_squeeze %dma_wait3A_1047 : memref<1x16x50x64xf32, #tpu.memory_space<vmem>> -> memref<16x50x64xf32, #tpu.memory_space<vmem>>
    %dma_wait3A_1049 = arith.constant 0 : i32
    %dma_wait3A_1050 = arith.constant 0 : i32
    %dma_wait3A_1051 = tpu.memref_slice %arg4[%mul3A_2, %dma_wait3A_1049, %dma_wait3A_1050] : memref<16384x50x64xf32, #tpu.memory_space<hbm>> -> memref<16x50x64xf32, #tpu.memory_space<hbm>>
    %dma_wait3A_1052 = arith.constant 0 : i32
    %dma_wait3A_1053 = arith.constant 0 : i32
    %dma_wait3A_1054 = tpu.memref_slice %arg4[%mul3A_2, %dma_wait3A_1052, %dma_wait3A_1053] : memref<16384x50x64xf32, #tpu.memory_space<hbm>> -> memref<16x50x64xf32, #tpu.memory_space<hbm>>
    %dma_wait3A_1055 = arith.constant 0 : i32
    %dma_wait3A_1056 = arith.constant 0 : i32
    %dma_wait3A_1057 = arith.constant 0 : i32
    %dma_wait3A_1058 = tpu.memref_slice %arg6[%dma_wait3A_1043, %dma_wait3A_1055, %dma_wait3A_1056, %dma_wait3A_1057] : memref<2x16x50x64xf32, #tpu.memory_space<vmem>> -> memref<1x16x50x64xf32, #tpu.memory_space<vmem>>
    %dma_wait3A_1059 = tpu.memref_squeeze %dma_wait3A_1058 : memref<1x16x50x64xf32, #tpu.memory_space<vmem>> -> memref<16x50x64xf32, #tpu.memory_space<vmem>>
    tpu.wait_dma2 semaphore(%arg10 : memref<!tpu.dma_semaphore, #tpu.memory_space<semaphore_mem>>) src(%dma_wait3A_1059 : memref<16x50x64xf32, #tpu.memory_space<vmem>>) dst(%dma_wait3A_1054 : memref<16x50x64xf32, #tpu.memory_space<hbm>>)
    return
  }
}

</mosaic_0001>

<sc_bundles>
// kernel: kernel.3.cloned.1.call-start
scs
__scs_entry_jumppad:
0x0: {  	(pc) =	sbr.rel $0x88, $3  }
0x1: {  	(tag) =	ssettag $0x0;
	lr =	simm.s32 $0x1  }
0x2: {  	[smem:$0x3F9F] =	sst lr;
	_ =	strace $0xD0000000  }
0x3: {  	_ = 	snop  }
0x4: {  	_ = 	snop  }
0x5: {  	_ = 	snop  }
0x6: {  	_ = 	snop  }
0x7: {  	_ = 	snop  }
__scs_overlays_trampoline_lowered:
0x8: {  	[smem:$0x3FAE] =	sst s0  }
0x9: {  	[smem:$0x3FAF] =	sst s1  }
0xa: {  	[smem:$0x3FB0] =	sst s2  }
0xb: {  	[smem:$0x3FB1] =	sst s3  }
0xc: {  	[smem:$0x3FB2] =	sst s4  }
0xd: {  	[smem:$0x3FB3] =	sst s5  }
0xe: {  	[smem:$0x3FB4] =	sst s6  }
0xf: {  	[smem:$0x3FB5] =	sst s7  }
0x10: {  	[smem:$0x3FB6] =	sst s8  }
0x11: {  	[smem:$0x3FB7] =	sst s9;
	s0 =	simm.s32 @!p0 $0x0  }
0x12: {  	s1 =	sld [smem:$0x3F9D];
	s0 =	simm.s32 @p0 $0x1  }
0x13: {  	[smem:$0x3FB8] =	sst s0;
	s0 =	simm.s32 @!p1 $0x0  }
0x14: {  	s2 =	sld [smem:$0x3F9C];
	s0 =	simm.s32 @p1 $0x1  }
0x15: {  	[smem:$0x3FB9] =	sst s0;
	s0 =	simm.s32 @!p2 $0x0  }
0x16: {  	s3 =	sld [smem:$0x3FDB];
	s0 =	simm.s32 @p2 $0x1  }
0x17: {  	s4 =	simm.s32 $0x1BF5;
	[smem:$0x3FBB] =	sst s0  }
0x18: {  	s0 =	sld [smem:$0x3F9E];
	_ =	swait.ge [sflag:s4], $0x0  }
0x19: {  	s7 =	sld [smem:$0x3F9F]  }
0x1a: {  	s8 =	sadd.s32 $0xFFFFE003, lr  }
0x1b: {  	s9 =	sadd.s32 $0xFFFFFEF7, lr;
	s5 =	simm.s32 $0xFFFFFFFF;
	p2 =	slt.u32 s8, $0xFFFFF086  }
0x1c: {  	p1 =	slt.u32 s9, $0xF7A;
	s5 =	simm.s32 @!p2 $0x0  }
0x1d: {  	s5 =	simm.s32 @p1 $0x1;
	p0 =	seq.s32 s7, s2  }
0x1e: {  	s7 =	smul.u32 @!p0 $0xF7A, s2;
	p2 =	seq.s32 @!p0 s5, $0x0  }
0x1f: {  	s9 =	smul.u32 $0xF7A, s1;
	s8 =	simm.s32 @!p0 $0x1BF5;
	p2 =	por !p2, p0  }
0x20: {  	[sflag:s8] =	ssyncset.s32 @!p0 $0xFFFFF086;
	s6 =	sadd.s32 @!p0 s3, s7;
	s7 =	simm.s32 @!p0 $0x108  }
0x21: {  	s3 =	sadd.s32 s3, s9;
	s6 =	sadd.s32 @!p0 $0x88, s6;
	s7 =	simm.s32 @p2 $0x1082  }
0x22: {  	[simem:s7], [sflag:s8] =	dma.local @!p0 [hbm:s6], $0xF7A  }
0x23: {  	s9 =	sor.u32 $0xD0000000, s2;
	s6 =	simm.s32 $0x108;
	_ =	swait.ge @!p0 [sflag:s8], $0x0  }
0x24: {  	s3 =	sadd.s32 $0x88, s3;
	s6 =	simm.s32 @!p1 $0x1082;
	[sflag:s4] =	ssyncset.s32 $0xFFFFF086  }
0x25: {  	[simem:s6], [sflag:s4] =	dma.local [hbm:s3], $0xF7A  }
0x26: {  	[smem:$0x3F9F] =	sst s1;
	(tag) =	ssettag s2;
	_ =	strace s9  }
0x27: {  	s1 =	sld [smem:$0x3FAF]  }
0x28: {  	s2 =	sld [smem:$0x3FB0]  }
0x29: {  	s4 =	sld [smem:$0x3FB2]  }
0x2a: {  	p0 =	seq.s32 s5, $0x0;
	s5 =	sld [smem:$0x3FB3]  }
0x2b: {  	s6 =	sld [smem:$0x3FB4]  }
0x2c: {  	s7 =	sld [smem:$0x3FB5]  }
0x2d: {  	s3 =	simm.s32 $0x108;
	s8 =	sld [smem:$0x3FB6]  }
0x2e: {  	s3 =	simm.s32 @!p0 $0x1082;
	s9 =	sld [smem:$0x3FB7]  }
0x2f: {  	lr =	sadd.s32 s0, s3;
	s0 =	sld [smem:$0x3FAE]  }
0x30: {  	s3 =	sld [smem:$0x3FB1]  }
0x31: {  	[smem:$0x3FBA] =	sst s10  }
0x32: {  	s10 =	sld [smem:$0x3FB8];
	_ =	sdelay $0x3  }
0x33: {  	p0 =	seq.s32 s10, $0x1;
	s10 =	sld [smem:$0x3FBA];
	_ =	sdelay $0x3  }
0x34: {  	[smem:$0x3FBA] =	sst s10  }
0x35: {  	s10 =	sld [smem:$0x3FB9];
	_ =	sdelay $0x3  }
0x36: {  	p1 =	seq.s32 s10, $0x1;
	s10 =	sld [smem:$0x3FBA];
	_ =	sdelay $0x3  }
0x37: {  	[smem:$0x3FBA] =	sst s10  }
0x38: {  	s10 =	sld [smem:$0x3FBB]  }
0x39: {  	_ = 	snop;
	(pc) =	sbr.ind lr, $3  }
0x3a: {  	_ = 	snop  }
0x3b: {  	_ = 	snop  }
0x3c: {  	p2 =	seq.s32 s10, $0x1;
	s10 =	sld [smem:$0x3FBA]  }
0x3d: {  	_ =	shalt  }
0x3e: {  	_ =	shalt  }
0x3f: {  	_ =	shalt  }
0x40: {  	_ =	shalt  }
0x41: {  	_ =	shalt  }
0x42: {  	_ =	shalt  }
0x43: {  	_ =	shalt  }
0x44: {  	_ =	shalt  }
0x45: {  	_ =	shalt  }
0x46: {  	_ =	shalt  }
0x47: {  	_ =	shalt  }
0x48: {  	_ =	shalt  }
0x49: {  	_ =	shalt  }
0x4a: {  	_ =	shalt  }
0x4b: {  	_ =	shalt  }
0x4c: {  	_ =	shalt  }
0x4d: {  	_ =	shalt  }
0x4e: {  	_ =	shalt  }
0x4f: {  	_ =	shalt  }
0x50: {  	_ =	shalt  }
0x51: {  	_ =	shalt  }
0x52: {  	_ =	shalt  }
0x53: {  	_ =	shalt  }
0x54: {  	_ =	shalt  }
0x55: {  	_ =	shalt  }
0x56: {  	_ =	shalt  }
0x57: {  	_ =	shalt  }
0x58: {  	_ =	shalt  }
0x59: {  	_ =	shalt  }
0x5a: {  	_ =	shalt  }
0x5b: {  	_ =	shalt  }
0x5c: {  	_ =	shalt  }
0x5d: {  	_ =	shalt  }
0x5e: {  	_ =	shalt  }
0x5f: {  	_ =	shalt  }
0x60: {  	_ =	shalt  }
0x61: {  	_ =	shalt  }
0x62: {  	_ =	shalt  }
0x63: {  	_ =	shalt  }
0x64: {  	_ =	shalt  }
0x65: {  	_ =	shalt  }
0x66: {  	_ =	shalt  }
0x67: {  	_ =	shalt  }
0x68: {  	_ =	shalt  }
0x69: {  	_ =	shalt  }
0x6a: {  	_ =	shalt  }
0x6b: {  	_ =	shalt  }
0x6c: {  	_ =	shalt  }
0x6d: {  	_ =	shalt  }
0x6e: {  	_ =	shalt  }
0x6f: {  	_ =	shalt  }
0x70: {  	_ =	shalt  }
0x71: {  	_ =	shalt  }
0x72: {  	_ =	shalt  }
0x73: {  	_ =	shalt  }
0x74: {  	_ =	shalt  }
0x75: {  	_ =	shalt  }
0x76: {  	_ =	shalt  }
0x77: {  	_ =	shalt  }
0x78: {  	_ =	shalt  }
0x79: {  	_ =	shalt  }
0x7a: {  	_ =	shalt  }
0x7b: {  	_ =	shalt  }
0x7c: {  	_ =	shalt  }
0x7d: {  	_ =	shalt  }
0x7e: {  	_ =	shalt  }
0x7f: {  	_ =	shalt  }
0x80: {  	_ =	shalt  }
0x81: {  	_ =	shalt  }
0x82: {  	_ =	shalt  }
0x83: {  	_ =	shalt  }
0x84: {  	_ =	shalt  }
0x85: {  	_ =	shalt  }
0x86: {  	_ =	shalt  }
0x87: {  	_ =	shalt  }
.Lfunc_end0:
.L_simem_size_0:
called_computation.1_lowered:
.L_overlay_start_0:
0x88: {  	s2 =	sld [smem:$0x3FD9]  }
0x89: {  	s3 =	sld [smem:$0x3FFE];
	_ =	sdelay $0x1  }
0x8a: {  	s1 =	srdreg.scid  }
0x8b: {  	s0 =	sand.u32 $0x1, s1  }
0x8c: {  	s17 =	sshll.u32 s0, $0xA;
	s2 =	sadd.s32 s3, s2  }
0x8d: {  	s2 =	sadd.s32 s2, s17  }
0x8e: {  	[smem:$0x3FC6] =	sst s2  }
0x8f: {  	_ = 	snop  }
0x90: {  	s2 =	sld [smem:$0x3FD0];
	(tm) =	ssettm $0x1  }
0x91: {  	s18 =	sld [smem:$0x3FFB];
	_ =	sdelay $0x3  }
0x92: {  	_ =	strace s18  }
0x93: {  	s3 =	sld [smem:$0x3FFC];
	_ =	sdelay $0x3  }
0x94: {  	_ =	strace s3  }
0x95: {  	s3 =	sld [smem:$0x3FFD];
	_ =	sdelay $0x3  }
0x96: {  	_ =	strace s3  }
0x97: {  	_ =	strace $0x8FFFFFFF  }
0x98: {  	s19 =	sld [smem:$0x3FDB];
	_ =	sdelay $0x1  }
0x99: {  	s4 =	simm.s32 $_scs_section_size  }
0x9a: {  	s5 =	simm.s32 $_size__tile_overlayer_lowered;
	s6 =	simm.s32 $_tile_overlayer_lowered  }
0x9b: {  	s22 =	simm.s32 $0x1BFF;
	s21 =	sshll.u32 s6, $0x1;
	s3 =	sadd.s32 s4, s19  }
0x9c: {  	s7 =	simm.s32 $0x0;
	s20 =	sshll.u32 s5, $0x1;
	s5 =	sadd.s32 s21, s3  }
0x9d: {  	[timem:s7], [sflag:s22] =	dma.local [hbm:s5], s20  }
0x9e: {  	_ =	swait.ge [sflag:s22], s20  }
0x9f: {  	s4 =	ssub.s32 $0x0, s20;
	[sflag:s22] =	ssyncset.done $0x0  }
0xa0: {  	[sflag:s22] =	ssyncadd.s32 s4;
	_ =	sdelay $0x1  }
0xa1: {  	s23 =	simm.s32 $0x1B8B  }
0xa2: {  	_ =	swait.ge [sflag:s23], $0x1  }
0xa3: {  	[sflag:s23] =	ssyncset.done $0x0  }
0xa4: {  	s25 =	simm.s32 $0x1B8E;
	s24 =	sld [smem:$0x3FFE];
	[sflag:s23] =	ssyncadd.s32 $0xFFFFFFFF  }
0xa5: {  	s26 =	simm.s32 $execute0_lowered;
	[smem:$0x3FD2] =	sst s25  }
0xa6: {  	s5 =	sshll.u32 s26, $0x1;
	_ =	strace $0x80000046;
	[dreg:$0x1] =	wrdreg $0xFFFFFFFF  }
0xa7: {  	s28 =	simm.s32 $_size_execute0_lowered;
	s3 =	sadd.s32 s3, s5;
	[dreg:$0x0] =	wrdreg $0x0  }
0xa8: {  	s5 =	sshll.u32 s28, $0x1;
	[dreg:$0x2] =	wrdreg s3  }
0xa9: {  	[dreg:$0x3] =	wrdreg s5  }
0xaa: {  	[dreg:$0x4] =	wrdreg $0xC0  }
0xab: {  	_ =	task [dreg:s7], $0x5FFFF  }
0xac: {  	[dreg:$0x1] =	wrdreg $0xFFFFFFFF  }
0xad: {  	[dreg:$0x0] =	wrdreg $0x60  }
0xae: {  	[dreg:$0x2] =	wrdreg s24  }
0xaf: {  	[dreg:$0x3] =	wrdreg s2  }
0xb0: {  	[dreg:$0x4] =	wrdreg $0x9  }
0xb1: {  	_ =	task.clear_ibuf [dreg:s7], $0x5FFFF;
	_ =	strace $0x90000046  }
0xb2: {  	s29 =	simm.s32 $0x9;
	_ =	strace $0x80000048  }
0xb3: {  	_ =	swait.ge [sflag:s29], $0x1  }
0xb4: {  	[sflag:s29] =	ssyncadd.s32 $0xFFFFFFFF  }
0xb5: {  	_ =	strace $0x90000048  }
0xb6: {  	_ =	sfence  }
0xb7: {  	s30 =	sld [smem:$0x0];
	_ =	sdelay $0x2  }
0xb8: {  	s31 =	sshll.u32 s1, $0xD;
	s1 =	sshrl.u32 s1, $0x2  }
0xb9: {  	s3 =	sand.u32 $0x4000, s31;
	s1 =	sadd.s32 s1, s30  }
0xba: {  	s0 =	sor.u32 s3, s0;
	s1 =	sshll.u32 s1, $0x11  }
0xbb: {  	s0 =	sor.u32 s1, s0  }
0xbc: {  	s0 =	sadd.s32 $0x8F2B, s0  }
0xbd: {  	[sflag:s0] =	ssyncadd.remote.s32 $0x1  }
0xbe: {  	_ =	sfence.sel $0xFFFF  }
0xbf: {  	[dreg:$0x0] =	wrdreg $0xFFFFFFFF;
	(pc) =	sbr.abs _section_cstart, $3  }
0xc0: {  	[dreg:$0x1] =	wrdreg $0xFFFFFFFF  }
0xc1: {  	_ =	task.clear_ibuf [dreg:s7], $0x2FFFF;
	_ =	strace $0x9FFFFFFF  }
0xc2: {  	(tm) =	ssettm $0x7FFFFFFF  }
0xc3: {  	_ =	shalt  }
tec
execute0_lowered:
.L_overlay_start_1:
0x0: {  	(tag) =	ssettag $0x1  }
0x1: {  	s0 =	srdreg.scid;
	s1 =	rddreg [dreg:$0x0]  }
0x2: {  	s11 =	stileid.u32;
	s4 =	rddreg [dreg:$0x1];
	s2 =	simm.s32 $0x0  }
0x3: {  	s13 =	simm.s32 $0x380;
	s14 =	simm.s32 $0x1;
	s15 =	simm.s32 $0x32  }
0x4: {  	s16 =	simm.s32 $0x700;
	s17 =	simm.s32 $0x13300;
	s28 =	simm.s32 $0x620  }
0x5: {  	s29 =	simm.s32 $0x16500;
	s30 =	simm.s32 $0x658;
	s31 =	simm.s32 $0x17180  }
0x6: {  	s0 =	sand.u32 $0x1, s0;
	s3 =	sshll.u32 s11, $0xA;
	s20 =	smul.u32 $0x1C00, s11  }
0x7: {  	[smem:$0x7FF] =	sst s2;
	s8 =	sadd.s32 $0xA00, s1;
	s22 =	smul.u32 $0x64000, s11  }
0x8: {  	s5 =	sshll.u32 s0, $0x9;
	_ =	strace $0x80000047;
	s24 =	smul.u32 $0x32000, s0  }
0x9: {  	s9 =	ssub.s32 $0x2, s0;
	s0 =	smul.u32 $0xE00, s0;
	s3 =	sor.u32 s5, s3  }
0xa: {  	s18 =	sshrl.u32 s9, $0x1;
	s25 =	sadd.s32 s20, s8;
	s5 =	smul.u32 $0x7, s3  }
0xb: {  	s20 =	simm.s32 $0x5B0;
	s6 =	sor.u32 $0x10, s3;
	s10 =	smul.u32 $0x190, s3  }
0xc: {  	s3 =	sadd.s32 $0xF42E00, s1;
	s1 =	ssub.s32 s9, s18;
	s11 =	sadd.s32 s0, s25  }
0xd: {  	s25 =	simm.s32 $0xCF00;
	s18 =	simm.s32 $0x578;
	s7 =	smul.u32 $0x7, s6  }
0xe: {  	s0 =	simm.s32 $0x17E00;
	s6 =	smul.u32 $0x190, s6;
	s1 =	smax.u32 s1, $0x1  }
0xf: {  	s19 =	sadd.s32 s8, s5;
	s21 =	sadd.s32 s4, s10;
	[dreg:$0x9] =	wrdreg s1  }
0x10: {  	s1 =	simm.s32 $0x690;
	s5 =	simm.s32 $0x6C8;
	[dreg:$0x5] =	wrdreg s21  }
0x11: {  	s7 =	sadd.s32 s8, s7;
	s23 =	sadd.s32 $0xE0, s19;
	[dreg:$0x3] =	wrdreg s19  }
0x12: {  	s6 =	sadd.s32 s4, s6;
	s9 =	sadd.s32 $0x150, s19;
	[dreg:$0x4] =	wrdreg s7  }
0x13: {  	s4 =	sadd.s32 s22, s4;
	s19 =	simm.s32 $0x13F80;
	[dreg:$0x6] =	wrdreg s23  }
.Ltmp0:
0x14: {  	s21 =	simm.s32 $0x14C00;
	[dreg:$0x7] =	wrdreg s6;
	(pc) =	sbr.rel .LBB2_1-.Ltmp0, $4  }
0x15: {  	s22 =	simm.s32 $0x5E8;
	s8 =	simm.s32 $0x4;
	[dreg:$0x8] =	wrdreg s9  }
0x16: {  	s4 =	sadd.s32 s24, s4;
	s23 =	simm.s32 $0x5;
	s24 =	simm.s32 $0x2  }
0x17: {  	s6 =	simm.s32 $0x18A80;
	s7 =	simm.s32 $0x3;
	s26 =	sadd.s32 $0x3200, s4  }
0x18: {  	s9 =	simm.s32 $0x0;
	[dreg:$0xa] =	wrdreg s26;
	s26 =	simm.s32 $0x15880  }
.LBB2_4:
0x19: {  	_ =	swait.ge [sflag:s7], $0xC800  }
0x1a: {  	[sflag:s7] =	ssyncset.done $0x0  }
0x1b: {  	[sflag:s7] =	ssyncadd.s32 $0xFFFF3800  }
0x1c: {  	_ =	swait.ge [sflag:s8], $0xC800  }
0x1d: {  	s9 =	rddreg [dreg:$0xb]  }
0x1e: {  	s4 =	rddreg [dreg:$0x9];
	s9 =	sadd.s32 $0x1, s9  }
0x1f: {  	p0 =	sne.s32 s9, s4  }
.Ltmp1:
0x20: {  	_ = 	snop;
	(pc) =	sbr.rel @!p0 .LBB2_5-.Ltmp1, $3  }
0x21: {  	_ =	sdelay $0x1  }
0x22: {  	[sflag:s8] =	ssyncset.done $0x0  }
0x23: {  	[sflag:s8] =	ssyncadd.s32 $0xFFFF3800  }
.LBB2_1:
0x24: {  	[dreg:$0xb] =	wrdreg s9  }
0x25: {  	s4 =	rddreg [dreg:$0x3]  }
0x26: {  	[tilespmem:s2], [sflag:$0x1] =	stream.linear.gather [hbm4b:s4+s2], $0x380, $0x38;
	[tilespmem:$0x19700] =	vst v63  }
0x27: {  	s9 =	rddreg [dreg:$0x4]  }
0x28: {  	[tilespmem:s13], [sflag:$0x2] =	stream.linear.gather [hbm4b:s9+s2], $0x380, $0x38;
	[tilespmem:$0x19700] =	vst v63  }
0x29: {  	_ =	swait.ge [sflag:s14], $0x380  }
0x2a: {  	[sflag:s14] =	ssyncset.done $0x0  }
0x2b: {  	[sflag:s14] =	ssyncadd.s32 $0xFFFFFC80  }
0x2c: {  	[tilespmem:s16], [sflag:$0x5] =	stream.indirect.gather [hbm4b:s3+s15], $0x40, s2, s15, $0xb8;
	[tilespmem:$0x19700] =	vst v63  }
0x2d: {  	s10 =	simm.s32 $0x38;
	s12 =	simm.s32 $0x1380  }
0x2e: {  	[tilespmem:s12], [sflag:$0x5] =	stream.indirect.gather [hbm4b:s3+s15], $0x40, s10, s15, $0xb8;
	[tilespmem:$0x19700] =	vst v63  }
0x2f: {  	s10 =	simm.s32 $0x70;
	s12 =	simm.s32 $0x2000  }
0x30: {  	[tilespmem:s12], [sflag:$0x5] =	stream.indirect.gather [hbm4b:s3+s15], $0x40, s10, s15, $0xb8;
	[tilespmem:$0x19700] =	vst v63  }
0x31: {  	s10 =	simm.s32 $0xA8;
	s12 =	simm.s32 $0x2C80  }
0x32: {  	[tilespmem:s12], [sflag:$0x5] =	stream.indirect.gather [hbm4b:s3+s15], $0x40, s10, s15, $0xb8;
	[tilespmem:$0x19700] =	vst v63  }
0x33: {  	s10 =	simm.s32 $0xE0;
	s12 =	simm.s32 $0x3900  }
0x34: {  	[tilespmem:s12], [sflag:$0x5] =	stream.indirect.gather [hbm4b:s3+s15], $0x40, s10, s15, $0xb8;
	[tilespmem:$0x19700] =	vst v63  }
0x35: {  	s10 =	simm.s32 $0x118;
	s12 =	simm.s32 $0x4580  }
0x36: {  	[tilespmem:s12], [sflag:$0x5] =	stream.indirect.gather [hbm4b:s3+s15], $0x40, s10, s15, $0xb8;
	[tilespmem:$0x19700] =	vst v63  }
0x37: {  	s10 =	simm.s32 $0x150;
	s12 =	simm.s32 $0x5200  }
0x38: {  	[tilespmem:s12], [sflag:$0x5] =	stream.indirect.gather [hbm4b:s3+s15], $0x40, s10, s15, $0xb8;
	[tilespmem:$0x19700] =	vst v63  }
0x39: {  	s10 =	simm.s32 $0x188;
	s12 =	simm.s32 $0x5E80  }
0x3a: {  	[tilespmem:s12], [sflag:$0x5] =	stream.indirect.gather [hbm4b:s3+s15], $0x40, s10, s15, $0xb8;
	[tilespmem:$0x19700] =	vst v63  }
0x3b: {  	s10 =	simm.s32 $0x1C0;
	s12 =	simm.s32 $0x6B00  }
0x3c: {  	[tilespmem:s12], [sflag:$0x5] =	stream.indirect.gather [hbm4b:s3+s15], $0x40, s10, s15, $0xb8;
	[tilespmem:$0x19700] =	vst v63  }
0x3d: {  	s10 =	simm.s32 $0x1F8;
	s12 =	simm.s32 $0x7780  }
0x3e: {  	[tilespmem:s12], [sflag:$0x5] =	stream.indirect.gather [hbm4b:s3+s15], $0x40, s10, s15, $0xb8;
	[tilespmem:$0x19700] =	vst v63  }
0x3f: {  	s10 =	simm.s32 $0x230;
	s12 =	simm.s32 $0x8400  }
0x40: {  	[tilespmem:s12], [sflag:$0x5] =	stream.indirect.gather [hbm4b:s3+s15], $0x40, s10, s15, $0xb8;
	[tilespmem:$0x19700] =	vst v63  }
0x41: {  	s10 =	simm.s32 $0x268;
	s12 =	simm.s32 $0x9080  }
0x42: {  	[tilespmem:s12], [sflag:$0x5] =	stream.indirect.gather [hbm4b:s3+s15], $0x40, s10, s15, $0xb8;
	[tilespmem:$0x19700] =	vst v63  }
0x43: {  	s10 =	simm.s32 $0x2A0;
	s12 =	simm.s32 $0x9D00  }
0x44: {  	[tilespmem:s12], [sflag:$0x5] =	stream.indirect.gather [hbm4b:s3+s15], $0x40, s10, s15, $0xb8;
	[tilespmem:$0x19700] =	vst v63  }
0x45: {  	s10 =	simm.s32 $0x2D8;
	s12 =	simm.s32 $0xA980  }
0x46: {  	[tilespmem:s12], [sflag:$0x5] =	stream.indirect.gather [hbm4b:s3+s15], $0x40, s10, s15, $0xb8;
	[tilespmem:$0x19700] =	vst v63  }
0x47: {  	s10 =	simm.s32 $0x310;
	s12 =	simm.s32 $0xB600  }
0x48: {  	[tilespmem:s12], [sflag:$0x5] =	stream.indirect.gather [hbm4b:s3+s15], $0x40, s10, s15, $0xb8;
	[tilespmem:$0x19700] =	vst v63  }
0x49: {  	s9 =	simm.s32 $0x348;
	s10 =	simm.s32 $0xC280  }
0x4a: {  	[tilespmem:s10], [sflag:$0x5] =	stream.indirect.gather [hbm4b:s3+s15], $0x40, s9, s15, $0xb8;
	[tilespmem:$0x19700] =	vst v63  }
0x4b: {  	_ =	swait.ge [sflag:s23], $0xC80  }
0x4c: {  	[sflag:s23] =	ssyncset.done $0x0  }
0x4d: {  	[sflag:s23] =	ssyncadd.s32 $0xFFFFF380  }
0x4e: {  	_ =	swait.ge [sflag:s23], $0xC80  }
0x4f: {  	[sflag:s23] =	ssyncset.done $0x0  }
0x50: {  	[sflag:s23] =	ssyncadd.s32 $0xFFFFF380  }
0x51: {  	_ =	swait.ge [sflag:s23], $0xC80  }
0x52: {  	[sflag:s23] =	ssyncset.done $0x0  }
0x53: {  	[sflag:s23] =	ssyncadd.s32 $0xFFFFF380  }
0x54: {  	_ =	swait.ge [sflag:s23], $0xC80  }
0x55: {  	[sflag:s23] =	ssyncset.done $0x0  }
0x56: {  	[sflag:s23] =	ssyncadd.s32 $0xFFFFF380  }
0x57: {  	_ =	swait.ge [sflag:s23], $0xC80  }
0x58: {  	[sflag:s23] =	ssyncset.done $0x0  }
0x59: {  	[sflag:s23] =	ssyncadd.s32 $0xFFFFF380  }
0x5a: {  	_ =	swait.ge [sflag:s23], $0xC80  }
0x5b: {  	[sflag:s23] =	ssyncset.done $0x0  }
0x5c: {  	[sflag:s23] =	ssyncadd.s32 $0xFFFFF380  }
0x5d: {  	_ =	swait.ge [sflag:s23], $0xC80  }
0x5e: {  	[sflag:s23] =	ssyncset.done $0x0  }
0x5f: {  	[sflag:s23] =	ssyncadd.s32 $0xFFFFF380  }
0x60: {  	_ =	swait.ge [sflag:s23], $0xC80  }
0x61: {  	[sflag:s23] =	ssyncset.done $0x0  }
0x62: {  	[sflag:s23] =	ssyncadd.s32 $0xFFFFF380  }
0x63: {  	_ =	swait.ge [sflag:s23], $0xC80  }
0x64: {  	[sflag:s23] =	ssyncset.done $0x0  }
0x65: {  	[sflag:s23] =	ssyncadd.s32 $0xFFFFF380  }
0x66: {  	_ =	swait.ge [sflag:s23], $0xC80  }
0x67: {  	[sflag:s23] =	ssyncset.done $0x0  }
0x68: {  	[sflag:s23] =	ssyncadd.s32 $0xFFFFF380  }
0x69: {  	_ =	swait.ge [sflag:s23], $0xC80  }
0x6a: {  	[sflag:s23] =	ssyncset.done $0x0  }
0x6b: {  	[sflag:s23] =	ssyncadd.s32 $0xFFFFF380  }
0x6c: {  	_ =	swait.ge [sflag:s23], $0xC80  }
0x6d: {  	[sflag:s23] =	ssyncset.done $0x0  }
0x6e: {  	[sflag:s23] =	ssyncadd.s32 $0xFFFFF380  }
0x6f: {  	_ =	swait.ge [sflag:s23], $0xC80  }
0x70: {  	[sflag:s23] =	ssyncset.done $0x0  }
0x71: {  	[sflag:s23] =	ssyncadd.s32 $0xFFFFF380  }
0x72: {  	_ =	swait.ge [sflag:s23], $0xC80  }
0x73: {  	[sflag:s23] =	ssyncset.done $0x0  }
0x74: {  	[sflag:s23] =	ssyncadd.s32 $0xFFFFF380  }
0x75: {  	_ =	swait.ge [sflag:s23], $0xC80  }
0x76: {  	[sflag:s23] =	ssyncset.done $0x0  }
0x77: {  	[sflag:s23] =	ssyncadd.s32 $0xFFFFF380  }
0x78: {  	_ =	swait.ge [sflag:s23], $0xC80  }
0x79: {  	[sflag:s23] =	ssyncset.done $0x0  }
0x7a: {  	s12 =	rddreg [dreg:$0x5];
	[sflag:s23] =	ssyncadd.s32 $0xFFFFF380  }
0x7b: {  	[hbm4b:s12+s2] =	stream.linear.scatter [tilespmem:s16], [sflag:$0x3], $0xC800, $0x38;
	[tilespmem:$0x19700] =	vst v63  }
0x7c: {  	s9 =	rddreg [dreg:$0x6]  }
0x7d: {  	[tilespmem:s2], [sflag:$0x1] =	stream.linear.gather [hbm4b:s9+s2], $0x380, $0x38;
	[tilespmem:$0x19700] =	vst v63  }
0x7e: {  	_ =	swait.ge [sflag:s24], $0x380  }
0x7f: {  	[sflag:s24] =	ssyncset.done $0x0  }
0x80: {  	[sflag:s24] =	ssyncadd.s32 $0xFFFFFC80  }
0x81: {  	[tilespmem:s25], [sflag:$0x5] =	stream.indirect.gather [hbm4b:s3+s15], $0x40, s13, s15, $0xb8;
	[tilespmem:$0x19700] =	vst v63  }
0x82: {  	s10 =	simm.s32 $0x3B8;
	s12 =	simm.s32 $0xDB80  }
0x83: {  	[tilespmem:s12], [sflag:$0x5] =	stream.indirect.gather [hbm4b:s3+s15], $0x40, s10, s15, $0xb8;
	[tilespmem:$0x19700] =	vst v63  }
0x84: {  	s10 =	simm.s32 $0x3F0;
	s12 =	simm.s32 $0xE800  }
0x85: {  	[tilespmem:s12], [sflag:$0x5] =	stream.indirect.gather [hbm4b:s3+s15], $0x40, s10, s15, $0xb8;
	[tilespmem:$0x19700] =	vst v63  }
0x86: {  	s10 =	simm.s32 $0x428;
	s12 =	simm.s32 $0xF480  }
0x87: {  	[tilespmem:s12], [sflag:$0x5] =	stream.indirect.gather [hbm4b:s3+s15], $0x40, s10, s15, $0xb8;
	[tilespmem:$0x19700] =	vst v63  }
0x88: {  	s10 =	simm.s32 $0x460;
	s12 =	simm.s32 $0x10100  }
0x89: {  	[tilespmem:s12], [sflag:$0x5] =	stream.indirect.gather [hbm4b:s3+s15], $0x40, s10, s15, $0xb8;
	[tilespmem:$0x19700] =	vst v63  }
0x8a: {  	s10 =	simm.s32 $0x498;
	s12 =	simm.s32 $0x10D80  }
0x8b: {  	[tilespmem:s12], [sflag:$0x5] =	stream.indirect.gather [hbm4b:s3+s15], $0x40, s10, s15, $0xb8;
	[tilespmem:$0x19700] =	vst v63  }
0x8c: {  	s10 =	simm.s32 $0x4D0;
	s12 =	simm.s32 $0x11A00  }
0x8d: {  	[tilespmem:s12], [sflag:$0x5] =	stream.indirect.gather [hbm4b:s3+s15], $0x40, s10, s15, $0xb8;
	[tilespmem:$0x19700] =	vst v63  }
0x8e: {  	s10 =	simm.s32 $0x508;
	s12 =	simm.s32 $0x12680  }
0x8f: {  	[tilespmem:s12], [sflag:$0x5] =	stream.indirect.gather [hbm4b:s3+s15], $0x40, s10, s15, $0xb8;
	[tilespmem:$0x19700] =	vst v63  }
0x90: {  	s9 =	simm.s32 $0x540  }
0x91: {  	[tilespmem:s17], [sflag:$0x5] =	stream.indirect.gather [hbm4b:s3+s15], $0x40, s9, s15, $0xb8;
	[tilespmem:$0x19700] =	vst v63  }
0x92: {  	_ = 	snop  }
0x93: {  	[tilespmem:s19], [sflag:$0x5] =	stream.indirect.gather [hbm4b:s3+s15], $0x40, s18, s15, $0xb8;
	[tilespmem:$0x19700] =	vst v63  }
0x94: {  	_ = 	snop  }
0x95: {  	[tilespmem:s21], [sflag:$0x5] =	stream.indirect.gather [hbm4b:s3+s15], $0x40, s20, s15, $0xb8;
	[tilespmem:$0x19700] =	vst v63  }
0x96: {  	_ = 	snop  }
0x97: {  	[tilespmem:s26], [sflag:$0x5] =	stream.indirect.gather [hbm4b:s3+s15], $0x40, s22, s15, $0xb8;
	[tilespmem:$0x19700] =	vst v63  }
0x98: {  	_ = 	snop  }
0x99: {  	[tilespmem:s29], [sflag:$0x5] =	stream.indirect.gather [hbm4b:s3+s15], $0x40, s28, s15, $0xb8;
	[tilespmem:$0x19700] =	vst v63  }
0x9a: {  	_ = 	snop  }
0x9b: {  	[tilespmem:s31], [sflag:$0x5] =	stream.indirect.gather [hbm4b:s3+s15], $0x40, s30, s15, $0xb8;
	[tilespmem:$0x19700] =	vst v63  }
0x9c: {  	_ = 	snop  }
0x9d: {  	[tilespmem:s0], [sflag:$0x5] =	stream.indirect.gather [hbm4b:s3+s15], $0x40, s1, s15, $0xb8;
	[tilespmem:$0x19700] =	vst v63  }
0x9e: {  	_ = 	snop  }
0x9f: {  	[tilespmem:s6], [sflag:$0x5] =	stream.indirect.gather [hbm4b:s3+s15], $0x40, s5, s15, $0xb8;
	[tilespmem:$0x19700] =	vst v63  }
0xa0: {  	_ =	swait.ge [sflag:s23], $0xC80  }
0xa1: {  	[sflag:s23] =	ssyncset.done $0x0  }
0xa2: {  	[sflag:s23] =	ssyncadd.s32 $0xFFFFF380  }
0xa3: {  	_ =	swait.ge [sflag:s23], $0xC80  }
0xa4: {  	[sflag:s23] =	ssyncset.done $0x0  }
0xa5: {  	[sflag:s23] =	ssyncadd.s32 $0xFFFFF380  }
0xa6: {  	_ =	swait.ge [sflag:s23], $0xC80  }
0xa7: {  	[sflag:s23] =	ssyncset.done $0x0  }
0xa8: {  	[sflag:s23] =	ssyncadd.s32 $0xFFFFF380  }
0xa9: {  	_ =	swait.ge [sflag:s23], $0xC80  }
0xaa: {  	[sflag:s23] =	ssyncset.done $0x0  }
0xab: {  	[sflag:s23] =	ssyncadd.s32 $0xFFFFF380  }
0xac: {  	_ =	swait.ge [sflag:s23], $0xC80  }
0xad: {  	[sflag:s23] =	ssyncset.done $0x0  }
0xae: {  	[sflag:s23] =	ssyncadd.s32 $0xFFFFF380  }
0xaf: {  	_ =	swait.ge [sflag:s23], $0xC80  }
0xb0: {  	[sflag:s23] =	ssyncset.done $0x0  }
0xb1: {  	[sflag:s23] =	ssyncadd.s32 $0xFFFFF380  }
0xb2: {  	_ =	swait.ge [sflag:s23], $0xC80  }
0xb3: {  	[sflag:s23] =	ssyncset.done $0x0  }
0xb4: {  	[sflag:s23] =	ssyncadd.s32 $0xFFFFF380  }
0xb5: {  	_ =	swait.ge [sflag:s23], $0xC80  }
0xb6: {  	[sflag:s23] =	ssyncset.done $0x0  }
0xb7: {  	[sflag:s23] =	ssyncadd.s32 $0xFFFFF380  }
0xb8: {  	_ =	swait.ge [sflag:s23], $0xC80  }
0xb9: {  	[sflag:s23] =	ssyncset.done $0x0  }
0xba: {  	[sflag:s23] =	ssyncadd.s32 $0xFFFFF380  }
0xbb: {  	_ =	swait.ge [sflag:s23], $0xC80  }
0xbc: {  	[sflag:s23] =	ssyncset.done $0x0  }
0xbd: {  	[sflag:s23] =	ssyncadd.s32 $0xFFFFF380  }
0xbe: {  	_ =	swait.ge [sflag:s23], $0xC80  }
0xbf: {  	[sflag:s23] =	ssyncset.done $0x0  }
0xc0: {  	[sflag:s23] =	ssyncadd.s32 $0xFFFFF380  }
0xc1: {  	_ =	swait.ge [sflag:s23], $0xC80  }
0xc2: {  	[sflag:s23] =	ssyncset.done $0x0  }
0xc3: {  	[sflag:s23] =	ssyncadd.s32 $0xFFFFF380  }
0xc4: {  	_ =	swait.ge [sflag:s23], $0xC80  }
0xc5: {  	[sflag:s23] =	ssyncset.done $0x0  }
0xc6: {  	[sflag:s23] =	ssyncadd.s32 $0xFFFFF380  }
0xc7: {  	_ =	swait.ge [sflag:s23], $0xC80  }
0xc8: {  	[sflag:s23] =	ssyncset.done $0x0  }
0xc9: {  	[sflag:s23] =	ssyncadd.s32 $0xFFFFF380  }
0xca: {  	_ =	swait.ge [sflag:s23], $0xC80  }
0xcb: {  	[sflag:s23] =	ssyncset.done $0x0  }
0xcc: {  	[sflag:s23] =	ssyncadd.s32 $0xFFFFF380  }
0xcd: {  	_ =	swait.ge [sflag:s23], $0xC80  }
0xce: {  	[sflag:s23] =	ssyncset.done $0x0;
	s10 =	rddreg [dreg:$0x7]  }
0xcf: {  	s12 =	rddreg [dreg:$0x8];
	[sflag:s23] =	ssyncadd.s32 $0xFFFFF380  }
0xd0: {  	[hbm4b:s10+s2] =	stream.linear.scatter [tilespmem:s25], [sflag:$0x4], $0xC800, $0x38;
	[tilespmem:$0x19700] =	vst v63  }
0xd1: {  	s9 =	rddreg [dreg:$0xa];
	s10 =	simm.s32 $0x0  }
0xd2: {  	[tilespmem:s13], [sflag:$0x2] =	stream.linear.gather [hbm4b:s12+s2], $0x380, $0x38;
	[tilespmem:$0x19700] =	vst v63  }
.LBB2_2:
0xd3: {  	_ =	swait.ge [sflag:s7], $0xC800  }
0xd4: {  	[sflag:s7] =	ssyncset.done $0x0  }
0xd5: {  	[sflag:s7] =	ssyncadd.s32 $0xFFFF3800  }
0xd6: {  	_ =	swait.ge [sflag:s14], $0x380  }
0xd7: {  	[sflag:s14] =	ssyncset.done $0x0  }
0xd8: {  	[sflag:s14] =	ssyncadd.s32 $0xFFFFFC80  }
0xd9: {  	[tilespmem:s16], [sflag:$0x5] =	stream.indirect.gather [hbm4b:s3+s15], $0x40, s2, s15, $0xb8;
	[tilespmem:$0x19700] =	vst v63  }
0xda: {  	s4 =	simm.s32 $0x38;
	s12 =	simm.s32 $0x1380  }
0xdb: {  	[tilespmem:s12], [sflag:$0x5] =	stream.indirect.gather [hbm4b:s3+s15], $0x40, s4, s15, $0xb8;
	[tilespmem:$0x19700] =	vst v63  }
0xdc: {  	s4 =	simm.s32 $0x70;
	s12 =	simm.s32 $0x2000  }
0xdd: {  	[tilespmem:s12], [sflag:$0x5] =	stream.indirect.gather [hbm4b:s3+s15], $0x40, s4, s15, $0xb8;
	[tilespmem:$0x19700] =	vst v63  }
0xde: {  	s4 =	simm.s32 $0xA8;
	s12 =	simm.s32 $0x2C80  }
0xdf: {  	[tilespmem:s12], [sflag:$0x5] =	stream.indirect.gather [hbm4b:s3+s15], $0x40, s4, s15, $0xb8;
	[tilespmem:$0x19700] =	vst v63  }
0xe0: {  	s4 =	simm.s32 $0xE0;
	s12 =	simm.s32 $0x3900  }
0xe1: {  	[tilespmem:s12], [sflag:$0x5] =	stream.indirect.gather [hbm4b:s3+s15], $0x40, s4, s15, $0xb8;
	[tilespmem:$0x19700] =	vst v63  }
0xe2: {  	s4 =	simm.s32 $0x118;
	s12 =	simm.s32 $0x4580  }
0xe3: {  	[tilespmem:s12], [sflag:$0x5] =	stream.indirect.gather [hbm4b:s3+s15], $0x40, s4, s15, $0xb8;
	[tilespmem:$0x19700] =	vst v63  }
0xe4: {  	s4 =	simm.s32 $0x150;
	s12 =	simm.s32 $0x5200  }
0xe5: {  	[tilespmem:s12], [sflag:$0x5] =	stream.indirect.gather [hbm4b:s3+s15], $0x40, s4, s15, $0xb8;
	[tilespmem:$0x19700] =	vst v63  }
0xe6: {  	s4 =	simm.s32 $0x188;
	s12 =	simm.s32 $0x5E80  }
0xe7: {  	[tilespmem:s12], [sflag:$0x5] =	stream.indirect.gather [hbm4b:s3+s15], $0x40, s4, s15, $0xb8;
	[tilespmem:$0x19700] =	vst v63  }
0xe8: {  	s4 =	simm.s32 $0x1C0;
	s12 =	simm.s32 $0x6B00  }
0xe9: {  	[tilespmem:s12], [sflag:$0x5] =	stream.indirect.gather [hbm4b:s3+s15], $0x40, s4, s15, $0xb8;
	[tilespmem:$0x19700] =	vst v63  }
0xea: {  	s4 =	simm.s32 $0x1F8;
	s12 =	simm.s32 $0x7780  }
0xeb: {  	[tilespmem:s12], [sflag:$0x5] =	stream.indirect.gather [hbm4b:s3+s15], $0x40, s4, s15, $0xb8;
	[tilespmem:$0x19700] =	vst v63  }
0xec: {  	s4 =	simm.s32 $0x230;
	s12 =	simm.s32 $0x8400  }
0xed: {  	[tilespmem:s12], [sflag:$0x5] =	stream.indirect.gather [hbm4b:s3+s15], $0x40, s4, s15, $0xb8;
	[tilespmem:$0x19700] =	vst v63  }
0xee: {  	s4 =	simm.s32 $0x268;
	s12 =	simm.s32 $0x9080  }
0xef: {  	[tilespmem:s12], [sflag:$0x5] =	stream.indirect.gather [hbm4b:s3+s15], $0x40, s4, s15, $0xb8;
	[tilespmem:$0x19700] =	vst v63  }
0xf0: {  	s4 =	simm.s32 $0x2A0;
	s12 =	simm.s32 $0x9D00  }
0xf1: {  	[tilespmem:s12], [sflag:$0x5] =	stream.indirect.gather [hbm4b:s3+s15], $0x40, s4, s15, $0xb8;
	[tilespmem:$0x19700] =	vst v63  }
0xf2: {  	s4 =	simm.s32 $0x2D8;
	s12 =	simm.s32 $0xA980  }
0xf3: {  	[tilespmem:s12], [sflag:$0x5] =	stream.indirect.gather [hbm4b:s3+s15], $0x40, s4, s15, $0xb8;
	[tilespmem:$0x19700] =	vst v63  }
0xf4: {  	s4 =	simm.s32 $0x310;
	s12 =	simm.s32 $0xB600  }
0xf5: {  	[tilespmem:s12], [sflag:$0x5] =	stream.indirect.gather [hbm4b:s3+s15], $0x40, s4, s15, $0xb8;
	[tilespmem:$0x19700] =	vst v63  }
0xf6: {  	s4 =	simm.s32 $0x348;
	s12 =	simm.s32 $0xC280  }
0xf7: {  	[tilespmem:s12], [sflag:$0x5] =	stream.indirect.gather [hbm4b:s3+s15], $0x40, s4, s15, $0xb8;
	[tilespmem:$0x19700] =	vst v63  }
0xf8: {  	_ =	swait.ge [sflag:s23], $0xC80  }
0xf9: {  	[sflag:s23] =	ssyncset.done $0x0  }
0xfa: {  	[sflag:s23] =	ssyncadd.s32 $0xFFFFF380  }
0xfb: {  	_ =	swait.ge [sflag:s23], $0xC80  }
0xfc: {  	[sflag:s23] =	ssyncset.done $0x0  }
0xfd: {  	[sflag:s23] =	ssyncadd.s32 $0xFFFFF380  }
0xfe: {  	_ =	swait.ge [sflag:s23], $0xC80  }
0xff: {  	[sflag:s23] =	ssyncset.done $0x0  }
0x100: {  	[sflag:s23] =	ssyncadd.s32 $0xFFFFF380  }
0x101: {  	_ =	swait.ge [sflag:s23], $0xC80  }
0x102: {  	[sflag:s23] =	ssyncset.done $0x0  }
0x103: {  	[sflag:s23] =	ssyncadd.s32 $0xFFFFF380  }
0x104: {  	_ =	swait.ge [sflag:s23], $0xC80  }
0x105: {  	[sflag:s23] =	ssyncset.done $0x0  }
0x106: {  	[sflag:s23] =	ssyncadd.s32 $0xFFFFF380  }
0x107: {  	_ =	swait.ge [sflag:s23], $0xC80  }
0x108: {  	[sflag:s23] =	ssyncset.done $0x0  }
0x109: {  	[sflag:s23] =	ssyncadd.s32 $0xFFFFF380  }
0x10a: {  	_ =	swait.ge [sflag:s23], $0xC80  }
0x10b: {  	[sflag:s23] =	ssyncset.done $0x0  }
0x10c: {  	[sflag:s23] =	ssyncadd.s32 $0xFFFFF380  }
0x10d: {  	_ =	swait.ge [sflag:s23], $0xC80  }
0x10e: {  	[sflag:s23] =	ssyncset.done $0x0  }
0x10f: {  	[sflag:s23] =	ssyncadd.s32 $0xFFFFF380  }
0x110: {  	_ =	swait.ge [sflag:s23], $0xC80  }
0x111: {  	[sflag:s23] =	ssyncset.done $0x0  }
0x112: {  	[sflag:s23] =	ssyncadd.s32 $0xFFFFF380  }
0x113: {  	_ =	swait.ge [sflag:s23], $0xC80  }
0x114: {  	[sflag:s23] =	ssyncset.done $0x0  }
0x115: {  	[sflag:s23] =	ssyncadd.s32 $0xFFFFF380  }
0x116: {  	_ =	swait.ge [sflag:s23], $0xC80  }
0x117: {  	[sflag:s23] =	ssyncset.done $0x0  }
0x118: {  	[sflag:s23] =	ssyncadd.s32 $0xFFFFF380  }
0x119: {  	_ =	swait.ge [sflag:s23], $0xC80  }
0x11a: {  	[sflag:s23] =	ssyncset.done $0x0  }
0x11b: {  	[sflag:s23] =	ssyncadd.s32 $0xFFFFF380  }
0x11c: {  	_ =	swait.ge [sflag:s23], $0xC80  }
0x11d: {  	[sflag:s23] =	ssyncset.done $0x0  }
0x11e: {  	[sflag:s23] =	ssyncadd.s32 $0xFFFFF380  }
0x11f: {  	_ =	swait.ge [sflag:s23], $0xC80  }
0x120: {  	[sflag:s23] =	ssyncset.done $0x0  }
0x121: {  	[sflag:s23] =	ssyncadd.s32 $0xFFFFF380  }
0x122: {  	_ =	swait.ge [sflag:s23], $0xC80  }
0x123: {  	[sflag:s23] =	ssyncset.done $0x0  }
0x124: {  	[sflag:s23] =	ssyncadd.s32 $0xFFFFF380  }
0x125: {  	_ =	swait.ge [sflag:s23], $0xC80  }
0x126: {  	p0 =	seq.s32 s10, $0xC40;
	[sflag:s23] =	ssyncset.done $0x0  }
0x127: {  	s12 =	sadd.s32 @!p0 s10, s11;
	[sflag:s23] =	ssyncadd.s32 $0xFFFFF380  }
0x128: {  	[hbm4b:s9+s2] =	stream.linear.scatter [tilespmem:s16], [sflag:$0x3], $0xC800, $0x38;
	[tilespmem:$0x19700] =	vst v63  }
0x129: {  	s4 =	simm.s32 @!p0 $0x0;
	s12 =	sadd.s32 @!p0 $0x1C0, s12  }
0x12a: {  	[tilespmem:s4], [sflag:$0x1] =	stream.linear.gather @!p0 [hbm4b:s12+s4], $0x380, $0x38;
	[tilespmem:$0x19700] =	vst v63  }
0x12b: {  	_ =	swait.ge [sflag:s8], $0xC800  }
0x12c: {  	[sflag:s8] =	ssyncset.done $0x0  }
0x12d: {  	[sflag:s8] =	ssyncadd.s32 $0xFFFF3800  }
0x12e: {  	_ =	swait.ge [sflag:s24], $0x380  }
0x12f: {  	[sflag:s24] =	ssyncset.done $0x0  }
0x130: {  	[sflag:s24] =	ssyncadd.s32 $0xFFFFFC80  }
0x131: {  	[tilespmem:s25], [sflag:$0x5] =	stream.indirect.gather [hbm4b:s3+s15], $0x40, s13, s15, $0xb8;
	[tilespmem:$0x19700] =	vst v63  }
0x132: {  	s4 =	simm.s32 $0x3B8;
	s12 =	simm.s32 $0xDB80  }
0x133: {  	[tilespmem:s12], [sflag:$0x5] =	stream.indirect.gather [hbm4b:s3+s15], $0x40, s4, s15, $0xb8;
	[tilespmem:$0x19700] =	vst v63  }
0x134: {  	s4 =	simm.s32 $0x3F0;
	s12 =	simm.s32 $0xE800  }
0x135: {  	[tilespmem:s12], [sflag:$0x5] =	stream.indirect.gather [hbm4b:s3+s15], $0x40, s4, s15, $0xb8;
	[tilespmem:$0x19700] =	vst v63  }
0x136: {  	s4 =	simm.s32 $0x428;
	s12 =	simm.s32 $0xF480  }
0x137: {  	[tilespmem:s12], [sflag:$0x5] =	stream.indirect.gather [hbm4b:s3+s15], $0x40, s4, s15, $0xb8;
	[tilespmem:$0x19700] =	vst v63  }
0x138: {  	s4 =	simm.s32 $0x460;
	s12 =	simm.s32 $0x10100  }
0x139: {  	[tilespmem:s12], [sflag:$0x5] =	stream.indirect.gather [hbm4b:s3+s15], $0x40, s4, s15, $0xb8;
	[tilespmem:$0x19700] =	vst v63  }
0x13a: {  	s4 =	simm.s32 $0x498;
	s12 =	simm.s32 $0x10D80  }
0x13b: {  	[tilespmem:s12], [sflag:$0x5] =	stream.indirect.gather [hbm4b:s3+s15], $0x40, s4, s15, $0xb8;
	[tilespmem:$0x19700] =	vst v63  }
0x13c: {  	s4 =	simm.s32 $0x4D0;
	s12 =	simm.s32 $0x11A00  }
0x13d: {  	[tilespmem:s12], [sflag:$0x5] =	stream.indirect.gather [hbm4b:s3+s15], $0x40, s4, s15, $0xb8;
	[tilespmem:$0x19700] =	vst v63  }
0x13e: {  	s4 =	simm.s32 $0x508;
	s12 =	simm.s32 $0x12680  }
0x13f: {  	[tilespmem:s12], [sflag:$0x5] =	stream.indirect.gather [hbm4b:s3+s15], $0x40, s4, s15, $0xb8;
	[tilespmem:$0x19700] =	vst v63  }
0x140: {  	s12 =	simm.s32 $0x540  }
0x141: {  	[tilespmem:s17], [sflag:$0x5] =	stream.indirect.gather [hbm4b:s3+s15], $0x40, s12, s15, $0xb8;
	[tilespmem:$0x19700] =	vst v63  }
0x142: {  	_ = 	snop  }
0x143: {  	[tilespmem:s19], [sflag:$0x5] =	stream.indirect.gather [hbm4b:s3+s15], $0x40, s18, s15, $0xb8;
	[tilespmem:$0x19700] =	vst v63  }
0x144: {  	_ = 	snop  }
0x145: {  	[tilespmem:s21], [sflag:$0x5] =	stream.indirect.gather [hbm4b:s3+s15], $0x40, s20, s15, $0xb8;
	[tilespmem:$0x19700] =	vst v63  }
0x146: {  	_ = 	snop  }
0x147: {  	[tilespmem:s26], [sflag:$0x5] =	stream.indirect.gather [hbm4b:s3+s15], $0x40, s22, s15, $0xb8;
	[tilespmem:$0x19700] =	vst v63  }
0x148: {  	_ = 	snop  }
0x149: {  	[tilespmem:s29], [sflag:$0x5] =	stream.indirect.gather [hbm4b:s3+s15], $0x40, s28, s15, $0xb8;
	[tilespmem:$0x19700] =	vst v63  }
0x14a: {  	_ = 	snop  }
0x14b: {  	[tilespmem:s31], [sflag:$0x5] =	stream.indirect.gather [hbm4b:s3+s15], $0x40, s30, s15, $0xb8;
	[tilespmem:$0x19700] =	vst v63  }
0x14c: {  	_ = 	snop  }
0x14d: {  	[tilespmem:s0], [sflag:$0x5] =	stream.indirect.gather [hbm4b:s3+s15], $0x40, s1, s15, $0xb8;
	[tilespmem:$0x19700] =	vst v63  }
0x14e: {  	_ = 	snop  }
0x14f: {  	[tilespmem:s6], [sflag:$0x5] =	stream.indirect.gather [hbm4b:s3+s15], $0x40, s5, s15, $0xb8;
	[tilespmem:$0x19700] =	vst v63  }
0x150: {  	_ =	swait.ge [sflag:s23], $0xC80  }
0x151: {  	[sflag:s23] =	ssyncset.done $0x0  }
0x152: {  	[sflag:s23] =	ssyncadd.s32 $0xFFFFF380  }
0x153: {  	_ =	swait.ge [sflag:s23], $0xC80  }
0x154: {  	[sflag:s23] =	ssyncset.done $0x0  }
0x155: {  	[sflag:s23] =	ssyncadd.s32 $0xFFFFF380  }
0x156: {  	_ =	swait.ge [sflag:s23], $0xC80  }
0x157: {  	[sflag:s23] =	ssyncset.done $0x0  }
0x158: {  	[sflag:s23] =	ssyncadd.s32 $0xFFFFF380  }
0x159: {  	_ =	swait.ge [sflag:s23], $0xC80  }
0x15a: {  	[sflag:s23] =	ssyncset.done $0x0  }
0x15b: {  	[sflag:s23] =	ssyncadd.s32 $0xFFFFF380  }
0x15c: {  	_ =	swait.ge [sflag:s23], $0xC80  }
0x15d: {  	[sflag:s23] =	ssyncset.done $0x0  }
0x15e: {  	[sflag:s23] =	ssyncadd.s32 $0xFFFFF380  }
0x15f: {  	_ =	swait.ge [sflag:s23], $0xC80  }
0x160: {  	[sflag:s23] =	ssyncset.done $0x0  }
0x161: {  	[sflag:s23] =	ssyncadd.s32 $0xFFFFF380  }
0x162: {  	_ =	swait.ge [sflag:s23], $0xC80  }
0x163: {  	[sflag:s23] =	ssyncset.done $0x0  }
0x164: {  	[sflag:s23] =	ssyncadd.s32 $0xFFFFF380  }
0x165: {  	_ =	swait.ge [sflag:s23], $0xC80  }
0x166: {  	[sflag:s23] =	ssyncset.done $0x0  }
0x167: {  	[sflag:s23] =	ssyncadd.s32 $0xFFFFF380  }
0x168: {  	_ =	swait.ge [sflag:s23], $0xC80  }
0x169: {  	[sflag:s23] =	ssyncset.done $0x0  }
0x16a: {  	[sflag:s23] =	ssyncadd.s32 $0xFFFFF380  }
0x16b: {  	_ =	swait.ge [sflag:s23], $0xC80  }
0x16c: {  	[sflag:s23] =	ssyncset.done $0x0  }
0x16d: {  	[sflag:s23] =	ssyncadd.s32 $0xFFFFF380  }
0x16e: {  	_ =	swait.ge [sflag:s23], $0xC80  }
0x16f: {  	[sflag:s23] =	ssyncset.done $0x0  }
0x170: {  	[sflag:s23] =	ssyncadd.s32 $0xFFFFF380  }
0x171: {  	_ =	swait.ge [sflag:s23], $0xC80  }
0x172: {  	[sflag:s23] =	ssyncset.done $0x0  }
0x173: {  	[sflag:s23] =	ssyncadd.s32 $0xFFFFF380  }
0x174: {  	_ =	swait.ge [sflag:s23], $0xC80  }
0x175: {  	[sflag:s23] =	ssyncset.done $0x0  }
0x176: {  	[sflag:s23] =	ssyncadd.s32 $0xFFFFF380  }
0x177: {  	_ =	swait.ge [sflag:s23], $0xC80  }
0x178: {  	[sflag:s23] =	ssyncset.done $0x0  }
0x179: {  	[sflag:s23] =	ssyncadd.s32 $0xFFFFF380  }
0x17a: {  	_ =	swait.ge [sflag:s23], $0xC80  }
0x17b: {  	[sflag:s23] =	ssyncset.done $0x0  }
.Ltmp2:
0x17c: {  	[sflag:s23] =	ssyncadd.s32 $0xFFFFF380;
	(pc) =	sbr.rel @p0 .LBB2_4-.Ltmp2, $4  }
0x17d: {  	_ =	swait.ge [sflag:s23], $0xC80  }
0x17e: {  	[sflag:s23] =	ssyncset.done $0x0  }
0x17f: {  	s12 =	sadd.s32 $0x1900, s9;
	[sflag:s23] =	ssyncadd.s32 $0xFFFFF380  }
0x180: {  	[hbm4b:s12+s2] =	stream.linear.scatter [tilespmem:s25], [sflag:$0x4], $0xC800, $0x38;
	[tilespmem:$0x19700] =	vst v63  }
.Ltmp3:
0x181: {  	(pc) =	sbr.rel .LBB2_2-.Ltmp3, $4  }
0x182: {  	_ = 	snop  }
0x183: {  	s4 =	sadd.s32 s10, s11  }
0x184: {  	s10 =	sadd.s32 $0xE0, s10;
	s9 =	sadd.s32 $0x3200, s9;
	s4 =	sadd.s32 $0x230, s4  }
0x185: {  	[tilespmem:s13], [sflag:$0x2] =	stream.linear.gather [hbm4b:s4+s2], $0x380, $0x38;
	[tilespmem:$0x19700] =	vst v63  }
.LBB2_5:
0x186: {  	_ =	sfence.sel $0x180000  }
0x187: {  	[bflag:$0x0] =	sbarrier.arrive $0xFFFF  }
0x188: {  	_ =	strace $0x90000047  }
0x189: {  	s0 =	stileid.u32;
	[bflag:$0x2] =	sbarrier.arrive $0xFFFF  }
0x18a: {  	p0 =	sne.s32 s0, $0x0;
	s0 =	rddreg [dreg:$0x2]  }
0x18b: {  	s0 =	sadd.s32 @!p0 $0x100000, s0  }
0x18c: {  	[sflag:s0] =	ssyncadd.tile.s32 @!p0 $0x1;
	_ =	shalt  }
.Lfunc_end2:
_tile_overlayer_lowered:
.L_overlay_start_2:
0x18d: {  	(tag) =	ssettag $0x2  }
0x18e: {  	s0 =	rddreg [dreg:$0x0];
	s2 =	stileid.u32  }
0x18f: {  	s1 =	rddreg [dreg:$0x1];
	p0 =	sne.s32 s2, $0x0  }
0x190: {  	s3 =	rddreg [dreg:$0x2];
	[bflag:$0x3] =	sbarrier.arrive $0xFFFF;
	s2 =	simm.s32 @!p0 $0x1C06  }
0x191: {  	[timem:s3], [sflag:s2] =	dma.local @!p0 [hbm:s0], s1  }
0x192: {  	s0 =	simm.s32 @!p0 $0x6  }
0x193: {  	_ =	swait.ge @!p0 [sflag:s0], s1  }
0x194: {  	s1 =	ssub.s32 @!p0 $0x0, s1;
	[sflag:s0] =	ssyncset.done @!p0 $0x0  }
0x195: {  	[sflag:s0] =	ssyncadd.s32 @!p0 s1  }
0x196: {  	[bflag:$0x3] =	sbarrier.arrive $0xFFFF  }
0x197: {  	_ =	shalt  }

// kernel: sparse-core-data-format-call.cloned.1.call-start
scs
called_computation_lowered:
.L_overlay_start_0:
0x0: {  	s2 =	sld [smem:$0x3FD9]  }
0x1: {  	s3 =	sld [smem:$0x3FFE];
	_ =	sdelay $0x1  }
0x2: {  	s1 =	srdreg.scid  }
0x3: {  	s0 =	sand.u32 $0x1, s1  }
0x4: {  	s18 =	sshll.u32 s0, $0xA;
	s2 =	sadd.s32 s3, s2  }
0x5: {  	s2 =	sadd.s32 s2, s18  }
0x6: {  	[smem:$0x3FC6] =	sst s2  }
0x7: {  	_ = 	snop  }
0x8: {  	s2 =	sld [smem:$0x3FD0];
	(tm) =	ssettm $0x1  }
0x9: {  	s19 =	sld [smem:$0x3FFB];
	_ =	sdelay $0x3  }
0xa: {  	_ =	strace s19  }
0xb: {  	s3 =	sld [smem:$0x3FFC];
	_ =	sdelay $0x3  }
0xc: {  	_ =	strace s3  }
0xd: {  	s3 =	sld [smem:$0x3FFD];
	_ =	sdelay $0x3  }
0xe: {  	_ =	strace s3  }
0xf: {  	_ =	strace $0x8FFFFFFF  }
0x10: {  	s20 =	sld [smem:$0x3FDB];
	_ =	sdelay $0x1  }
0x11: {  	s4 =	simm.s32 $_scs_section_size  }
0x12: {  	s5 =	simm.s32 $_size__tile_overlayer_lowered;
	s6 =	simm.s32 $_tile_overlayer_lowered  }
0x13: {  	s23 =	simm.s32 $0x1BFF;
	s22 =	sshll.u32 s6, $0x1;
	s3 =	sadd.s32 s4, s20  }
0x14: {  	s7 =	simm.s32 $0x0;
	s21 =	sshll.u32 s5, $0x1;
	s5 =	sadd.s32 s22, s3  }
0x15: {  	[timem:s7], [sflag:s23] =	dma.local [hbm:s5], s21  }
0x16: {  	_ =	swait.ge [sflag:s23], s21  }
0x17: {  	s4 =	ssub.s32 $0x0, s21;
	[sflag:s23] =	ssyncset.done $0x0  }
0x18: {  	[sflag:s23] =	ssyncadd.s32 s4;
	_ =	sdelay $0x1  }
0x19: {  	s24 =	simm.s32 $0x1B8B  }
0x1a: {  	_ =	swait.ge [sflag:s24], $0x1  }
0x1b: {  	[sflag:s24] =	ssyncset.done $0x0  }
0x1c: {  	s26 =	simm.s32 $0x1B8E;
	s25 =	sld [smem:$0x3FFE];
	[sflag:s24] =	ssyncadd.s32 $0xFFFFFFFF  }
0x1d: {  	s27 =	simm.s32 $execute0_lowered;
	[smem:$0x3FD2] =	sst s26  }
0x1e: {  	s5 =	sshll.u32 s27, $0x1;
	_ =	strace $0x80000049;
	[dreg:$0x1] =	wrdreg $0xFFFFFFFF  }
0x1f: {  	s28 =	simm.s32 $_size_execute0_lowered;
	s3 =	sadd.s32 s3, s5;
	[dreg:$0x0] =	wrdreg $0x0  }
0x20: {  	s5 =	sshll.u32 s28, $0x1;
	[dreg:$0x2] =	wrdreg s3  }
0x21: {  	[dreg:$0x3] =	wrdreg s5  }
0x22: {  	[dreg:$0x4] =	wrdreg $0xC0  }
0x23: {  	_ =	task [dreg:s7], $0x5FFFF  }
0x24: {  	[dreg:$0x1] =	wrdreg $0xFFFFFFFF  }
0x25: {  	[dreg:$0x0] =	wrdreg $0x60  }
0x26: {  	[dreg:$0x2] =	wrdreg s25  }
0x27: {  	[dreg:$0x3] =	wrdreg s2  }
0x28: {  	[dreg:$0x4] =	wrdreg $0x9  }
0x29: {  	_ =	task.clear_ibuf [dreg:s7], $0x5FFFF;
	_ =	strace $0x90000049  }
0x2a: {  	s29 =	simm.s32 $0x9;
	_ =	strace $0x8000004B  }
0x2b: {  	_ =	swait.ge [sflag:s29], $0x1  }
0x2c: {  	[sflag:s29] =	ssyncadd.s32 $0xFFFFFFFF  }
0x2d: {  	_ =	strace $0x9000004B  }
0x2e: {  	_ =	sfence  }
0x2f: {  	s30 =	sld [smem:$0x0];
	_ =	sdelay $0x2  }
0x30: {  	s31 =	sshll.u32 s1, $0xD;
	s1 =	sshrl.u32 s1, $0x2  }
0x31: {  	s3 =	sand.u32 $0x4000, s31;
	s1 =	sadd.s32 s1, s30  }
0x32: {  	s0 =	sor.u32 s3, s0;
	s1 =	sshll.u32 s1, $0x11  }
0x33: {  	s0 =	sor.u32 s1, s0  }
0x34: {  	s0 =	sadd.s32 $0x8F2B, s0  }
0x35: {  	[sflag:s0] =	ssyncadd.remote.s32 $0x1  }
0x36: {  	_ =	sfence.sel $0xFFFF  }
0x37: {  	[dreg:$0x0] =	wrdreg $0xFFFFFFFF;
	(pc) =	sbr.abs _section_cstart, $3  }
0x38: {  	[dreg:$0x1] =	wrdreg $0xFFFFFFFF  }
0x39: {  	_ =	task.clear_ibuf [dreg:s7], $0x2FFFF;
	_ =	strace $0x9FFFFFFF  }
0x3a: {  	(tm) =	ssettm $0x7FFFFFFF  }
0x3b: {  	_ =	shalt  }
tec
execute0_lowered:
.L_overlay_start_1:
0x0: {  	(tag) =	ssettag $0x1  }
0x1: {  	s0 =	srdreg.scid  }
0x2: {  	s1 =	sshll.u32 s0, $0x4  }
0x3: {  	s0 =	stileid.u32;
	s1 =	sand.u32 $0x10, s1  }
0x4: {  	s1 =	sor.u32 s0, s1  }
0x5: {  	s6 =	rddreg [dreg:$0x0];
	s4 =	simm.s32 $0x1;
	s2 =	sshll.u32 s1, $0x7  }
0x6: {  	s7 =	simm.s32 $0x2;
	s12 =	simm.s32 $0x0;
	s1 =	ssub.s32 $0x4000, s2  }
0x7: {  	s8 =	simm.s32 $0x20000;
	s13 =	simm.s32 $0x0;
	s3 =	sand.u32 $0xF80, s1  }
0x8: {  	s9 =	simm.s32 $0x0;
	s5 =	sshrl.u32 s1, $0xC;
	p0 =	sne.s32 s3, $0x0  }
.Ltmp0:
0x9: {  	s1 =	rddreg [dreg:$0x2];
	s4 =	simm.s32 @!p0 $0x0;
	(pc) =	sbr.rel .LBB1_1-.Ltmp0, $4  }
0xa: {  	s11 =	simm.s32 $0x0;
	s3 =	rddreg [dreg:$0x1];
	s5 =	sadd.s32 s4, s5  }
0xb: {  	_ =	strace $0x8000004A;
	s4 =	simm.s32 $0x1;
	s5 =	smul.u32 $0x32, s5  }
0xc: {  	s6 =	sadd.s32 $0xA00, s6;
	s10 =	smov.u32 s2;
	[sflag:s4] =	ssyncpa.u1 $0x0  }
0xd: {  	p0 =	por $0x0, $0x0;
	[sflag:s7] =	ssyncpa.u1 $0x0;
	s7 =	sor.u32 $0x1, s5  }
.LBB1_4:
0xe: {  	s16 =	sshll.u32 s13, $0x3;
	s17 =	sand.u32 $0x78, s13  }
0xf: {  	s30 =	sand.u32 $0x1F800, s13;
	s12 =	sshll.u32 s12, $0x11;
	s16 =	sand.u32 $0x3C00, s16  }
0x10: {  	[tilespmem:s15+$0x810 ss:$0x81] =	vst.msk $0xffff, v2;
	s31 =	sand.u32 $0x7, s13;
	s16 =	sor.u32 s17, s16;
	s17 =	sadd.s32 s3, s30  }
0x11: {  	[tilespmem:s15+$0x1020 ss:$0x81] =	vst.msk $0xffff, v0;
	s13 =	sshll.u32 s31, $0x12;
	s12 =	sadd.s32 s12, s17;
	s16 =	sshrl.u32 s16, $0x3  }
0x12: {  	[tilespmem:s15+$0x0 ss:$0x81] =	vst.msk $0xffff, v1;
	s13 =	sor.u32 $0x400, s13;
	s12 =	sadd.s32 s16, s12  }
0x13: {  	[hbm4b:s12+s13] =	stream.strided.scatter [tilespmem:s14], [sflag:$0x2], $0x2000, s8, s13, $0x20;
	[tilespmem:$0x8080] =	vst v63  }
.LBB1_5:
0x14: {  	s14 =	sadd.s32 $0x1, s9  }
0x15: {  	s12 =	sadd.s32 $0x1000, s10;
	s16 =	smov.u32 s10;
	p2 =	sgt.s32 s14, $0x31  }
0x16: {  	s16 =	smov.u32 @p2 s12  }
0x17: {  	s14 =	simm.s32 @p2 $0x0;
	p2 =	sgt.s32 s16, $0x3FFF  }
0x18: {  	s16 =	smov.u32 @p2 s2;
	p2 =	sne.s32 s11, s7  }
.Ltmp1:
0x19: {  	p1 =	slt.u32 s11, $0x2;
	(pc) =	sbr.rel @!p2 .LBB1_6-.Ltmp1, $4  }
0x1a: {  	s15 =	simm.s32 @!p1 $0x2  }
0x1b: {  	s13 =	smov.u32 s10;
	p0 =	por !p0, !p0;
	_ =	swait.ge @!p1 [sflag:s15], $0x2000  }
0x1c: {  	s12 =	smov.u32 s9;
	[sflag:s15] =	ssyncset.done @!p1 $0x0;
	s9 =	smov.u32 s14  }
0x1d: {  	s11 =	sadd.s32 $0x1, s11;
	[sflag:s15] =	ssyncadd.s32 @!p1 $0xFFFFE000;
	s10 =	smov.u32 s16  }
.LBB1_1:
0x1e: {  	p1 =	sge.u32 s11, s5  }
0x1f: {  	s14 =	sand.u32 @!p1 $0x1FFFFFF, s9  }
0x20: {  	s15 =	smulhi.u32 @!p1 $0x4924925, s14;
	_ =	sdelay $0x1  }
0x21: {  	s15 =	smul.u32 @!p1 $0x38, s15  }
0x22: {  	s16 =	sxor.u32 @!p1 $0xFFFFFFFF, s11;
	s17 =	smul.u32 @!p1 $0x380, s10  }
0x23: {  	s31 =	sadd.s32 $0xFFFFFFFF, s11;
	s16 =	sshll.u32 @!p1 s16, $0xD;
	s14 =	ssub.s32 @!p1 s14, s15  }
0x24: {  	s15 =	sand.u32 @!p1 $0x2000, s16;
	s16 =	sadd.s32 @!p1 s6, s17;
	s14 =	sshll.u32 @!p1 s14, $0x4  }
0x25: {  	s17 =	simm.s32 @!p1 $0x1C00;
	s14 =	sadd.s32 @!p1 s14, s16;
	s16 =	simm.s32 @!p1 $0x40  }
0x26: {  	[tilespmem:s15], [sflag:$0x1] =	stream.strided.gather @!p1 [hbm4b:s14+s16], $0x2000, s17, s16, $0x38;
	[tilespmem:$0x8080] =	vst v63  }
0x27: {  	p1 =	sge.u32 s31, s5  }
.Ltmp2:
0x28: {  	_ = 	snop;
	(pc) =	sbr.rel @p1 .LBB1_5-.Ltmp2, $1  }
0x29: {  	_ =	sdelay $0x3  }
0x2a: {  	s14 =	simm.s32 $0x1  }
0x2b: {  	_ =	swait.ge [sflag:s4], $0x2000;
	s14 =	simm.s32 @!p0 $0x0  }
0x2c: {  	[sflag:s4] =	ssyncset.done $0x0;
	s15 =	sshll.u32 s14, $0xD  }
0x2d: {  	[sflag:s4] =	ssyncadd.s32 $0xFFFFE000;
	s18 =	sor.u32 $0x20, s15  }
0x2e: {  	s14 =	smul.u32 $0x8100, s14;
	v3 =	vld [tilespmem:s18+$0x10]  }
0x2f: {  	s30 =	sand.u32 $0x1, s11;
	v2 =	vld [tilespmem:s18+$0xFFFFFFF0]  }
0x30: {  	s15 =	smul.u32 $0x8100, s30;
	s14 =	sshrl.u32 s14, $0x2;
	v0 =	vld [tilespmem:s18+$0x0]  }
0x31: {  	v1 =	vld [tilespmem:s18+$0xFFFFFFE0];
	s16 =	sor.u32 $0x4000, s14  }
0x32: {  	s31 =	sshrl.u32 s15, $0x2;
	s15 =	sadd.s32 $0x0, s16  }
0x33: {  	s17 =	simm.s32 $0x4;
	s18 =	sadd.s32 $0x40, s18;
	s14 =	sor.u32 $0x4000, s31;
	[tilespmem:s15+$0x1830 ss:$0x81] =	vst.msk $0xffff, v3  }
.LBB1_3:
0x34: {  	v3 =	vld [tilespmem:s18+$0x10];
	p1 =	sne.s32 s17, $0x1FC;
	[tilespmem:s15+$0x810 ss:$0x81] =	vst.msk $0xffff, v2;
	s19 =	smov.u32 s17;
	s17 =	sadd.s32 $0x4, s17  }
.Ltmp3:
0x35: {  	v2 =	vld [tilespmem:s18+$0xFFFFFFF0];
	[tilespmem:s15+$0x1020 ss:$0x81] =	vst.msk $0xffff, v0;
	(pc) =	sbr.rel @p1 .LBB1_3-.Ltmp3, $4  }
0x36: {  	v0 =	vld [tilespmem:s18+$0x0];
	[tilespmem:s15+$0x0 ss:$0x81] =	vst.msk $0xffff, v1  }
0x37: {  	s15 =	sshra.s32 s19, $0x2;
	v1 =	vld [tilespmem:s18+$0xFFFFFFE0]  }
0x38: {  	s15 =	sadd.s32 s15, s16  }
0x39: {  	s18 =	sadd.s32 $0x40, s18;
	[tilespmem:s15+$0x1830 ss:$0x81] =	vst.msk $0xffff, v3  }
.Ltmp4:
0x3a: {  	_ = 	snop;
	(pc) =	sbr.rel .LBB1_4-.Ltmp4, $1  }
0x3b: {  	_ =	sdelay $0x3  }
.LBB1_6:
0x3c: {  	_ =	sfence.sel $0x180000  }
0x3d: {  	s2 =	simm.s32 $0x1;
	[bflag:$0x0] =	sbarrier.arrive $0xFFFF  }
0x3e: {  	s31 =	simm.s32 $0x2;
	[sflag:s2] =	ssyncpa.u1 $0x1  }
0x3f: {  	[sflag:s31] =	ssyncpa.u1 $0x1  }
0x40: {  	p0 =	sne.s32 s0, $0x0;
	_ =	strace $0x9000004A  }
0x41: {  	s0 =	sadd.s32 @!p0 $0x100000, s1;
	[bflag:$0x2] =	sbarrier.arrive $0xFFFF  }
0x42: {  	[sflag:s0] =	ssyncadd.tile.s32 @!p0 $0x1;
	_ =	shalt  }
.Lfunc_end1:
_tile_overlayer_lowered:
.L_overlay_start_2:
0x43: {  	(tag) =	ssettag $0x2  }
0x44: {  	s0 =	rddreg [dreg:$0x0];
	s2 =	stileid.u32  }
0x45: {  	s1 =	rddreg [dreg:$0x1];
	p0 =	sne.s32 s2, $0x0  }
0x46: {  	s3 =	rddreg [dreg:$0x2];
	[bflag:$0x3] =	sbarrier.arrive $0xFFFF;
	s2 =	simm.s32 @!p0 $0x1C01  }
0x47: {  	[timem:s3], [sflag:s2] =	dma.local @!p0 [hbm:s0], s1  }
0x48: {  	s0 =	simm.s32 @!p0 $0x1  }
0x49: {  	_ =	swait.ge @!p0 [sflag:s0], s1  }
0x4a: {  	s1 =	ssub.s32 @!p0 $0x0, s1;
	[sflag:s0] =	ssyncset.done @!p0 $0x0  }
0x4b: {  	[sflag:s0] =	ssyncadd.s32 @!p0 s1  }
0x4c: {  	[bflag:$0x3] =	sbarrier.arrive $0xFFFF  }
0x4d: {  	_ =	shalt  }

</sc_bundles>
